<compile_context>
chip_gen: v7x
topology: tpu7x:2x2x1
jax: 0.10.2.dev20260603
libtpu: 0.0.44.dev20260713+nightly
codegen_flags: <defaults>
</compile_context>

<pallas_src>
import functools

import jax
import jax.numpy as jnp
from jax import lax
from jax.experimental import pallas as pl
from jax.experimental.pallas import tpu as pltpu
from jax.experimental.pallas import tpu_sc as plsc

N = 10000
E = 320000
D = 128
H = 64
G = 16
NG = 64
NC = 1

NP = 10240
NW = 32
CHUNK = 125
CHUNKS = 80
ROWS_W = CHUNKS * CHUNK // CHUNK
SL = NP // 16
OL = N // 16

_mesh = plsc.VectorSubcoreMesh(core_axis_name="c", subcore_axis_name="s")
_sc_params = pltpu.CompilerParams(use_tc_tiling_on_sc=False)



@functools.partial(
    pl.kernel,
    mesh=_mesh,
    out_type=jax.ShapeDtypeStruct((2, NP), jnp.float32),
    compiler_params=_sc_params,
    scratch_types=[
        pltpu.VMEM((CHUNKS, CHUNK), jnp.int32),
        pltpu.VMEM((CHUNK,), jnp.float32),
        pltpu.VMEM((SL,), jnp.float32),
        pltpu.VMEM_SHARED((NP,), jnp.float32),
        [pltpu.SemaphoreType.DMA] * 4,
    ],
)
def _sc_degree(edges_hbm, out_hbm, didx, ones_v, zbuf, acc, sems):
    c = lax.axis_index("c")
    s = lax.axis_index("s")
    wid = s * 2 + c
    zeros16 = jnp.zeros((16,), jnp.float32)
    ones16 = jnp.ones((16,), jnp.float32)

    def zinit(i, _):
        zbuf[pl.ds(i * 16, 16)] = zeros16
        return 0
    lax.fori_loop(0, SL // 16, zinit, 0)
    for j in range(7):
        ones_v[pl.ds(j * 16, 16)] = ones16
    ones_v[pl.ds(CHUNK - 16, 16)] = ones16
    pltpu.sync_copy(zbuf, acc.at[pl.ds(s * SL, SL)])
    pltpu.sync_copy(edges_hbm.at[1, pl.ds(wid * CHUNKS, CHUNKS)], didx)
    plsc.subcore_barrier()

    def sdesc(j, b):
        return pltpu.make_async_copy(ones_v, acc.at[didx.at[j]], sems[b])

    def body(i, _):
        for b in range(4):
            j = i * 4 + b
            sdesc(j, b).wait()
            sdesc(j + 4, b).start(add=True)
        return 0
    for b in range(4):
        sdesc(b, b).start(add=True)
    lax.fori_loop(0, CHUNKS // 4 - 1, body, 0)
    for b in range(4):
        sdesc(CHUNKS - 4 + b, b).wait()
    plsc.subcore_barrier()
    pltpu.sync_copy(acc.at[pl.ds(s * SL, SL)], out_hbm.at[c, pl.ds(s * SL, SL)])


@functools.partial(
    pl.kernel,
    mesh=_mesh,
    out_type=jax.ShapeDtypeStruct((2, N, H), jnp.float32),
    compiler_params=_sc_params,
    scratch_types=[
        pltpu.VMEM((CHUNKS, CHUNK), jnp.int32),
        pltpu.VMEM((CHUNKS, CHUNK), jnp.int32),
        pltpu.VMEM((8, CHUNK, H), jnp.float32),
        pltpu.VMEM((64, H), jnp.float32),
        pltpu.VMEM_SHARED((NP, H), jnp.float32),
        [pltpu.SemaphoreType.DMA] * 8,
        [pltpu.SemaphoreType.DMA] * 8,
    ],
)
def _sc_aggregate(xw_hbm, edges_hbm, out_hbm,
                  sidx, didx, rows, zbuf, acc, gsems, ssems):
    c = lax.axis_index("c")
    s = lax.axis_index("s")
    wid = s * 2 + c
    zeros16 = jnp.zeros((16,), jnp.float32)

    def zinit(i, _):
        for j in range(H // 16):
            zbuf[i, pl.ds(j * 16, 16)] = zeros16
        return 0
    lax.fori_loop(0, 64, zinit, 0)

    def zcopy(t, _):
        pltpu.sync_copy(zbuf, acc.at[pl.ds(s * SL + t * 64, 64)])
        return 0
    lax.fori_loop(0, SL // 64, zcopy, 0)
    pltpu.sync_copy(edges_hbm.at[0, pl.ds(wid * CHUNKS, CHUNKS)], sidx)
    pltpu.sync_copy(edges_hbm.at[1, pl.ds(wid * CHUNKS, CHUNKS)], didx)
    plsc.subcore_barrier()

    def gdesc(j, b):
        return pltpu.make_async_copy(xw_hbm.at[sidx.at[j]], rows.at[b],
                                     gsems[b])

    def sdesc(j, b):
        return pltpu.make_async_copy(rows.at[b], acc.at[didx.at[j]], ssems[b])

    GRP = 8
    T = CHUNKS // GRP
    for b in range(GRP):
        gdesc(b, b).start()

    def body(i, _):
        j0 = i * GRP
        for b in range(4):
            gdesc(j0 + b, b).wait()
            sdesc(j0 + b, b).start(add=True)
        for b in range(4):
            sdesc(j0 + b, b).wait()

            @pl.when(i < T - 1)
            def _():
                gdesc(j0 + GRP + b, b).start()
        for b in range(4, GRP):
            gdesc(j0 + b, b).wait()
            sdesc(j0 + b, b).start(add=True)
        for b in range(4, GRP):
            sdesc(j0 + b, b).wait()

            @pl.when(i < T - 1)
            def _():
                gdesc(j0 + GRP + b, b).start()
        return 0
    lax.fori_loop(0, T, body, 0)
    plsc.subcore_barrier()
    pltpu.sync_copy(acc.at[pl.ds(s * OL, OL)], out_hbm.at[c, pl.ds(s * OL, OL)])



R = 2000
RP = R // 2
NPK = N // 2


def _mm1_body(xt_ref, xb_ref, w_ref, dv_ref, xws_ref, dinv_ref):
    dsum = dv_ref[0] + dv_ref[1] + 1.0
    dinv_t = lax.rsqrt(dsum[:, 0:1])
    dinv_b = lax.rsqrt(dsum[:, 1:2])
    dt64 = jnp.broadcast_to(dinv_t, (RP, H))
    db64 = jnp.broadcast_to(dinv_b, (RP, H))
    xwt = jnp.dot(xt_ref[...], w_ref[...], preferred_element_type=jnp.float32)
    xwb = jnp.dot(xb_ref[...], w_ref[...], preferred_element_type=jnp.float32)
    xws_ref[...] = jnp.concatenate([xwt * dt64, xwb * db64], axis=1)
    dinv_ref[...] = jnp.concatenate([dt64, db64], axis=1)


def _tc_mm1(x, W1, degv):
    return pl.pallas_call(
        _mm1_body,
        grid=(N // R,),
        in_specs=[
            pl.BlockSpec((RP, D), lambda i: (i, 0)),
            pl.BlockSpec((RP, D), lambda i: (i + NPK // RP, 0)),
            pl.BlockSpec((D, H), lambda i: (0, 0)),
            pl.BlockSpec((2, RP, 2), lambda i: (0, i, 0)),
        ],
        out_specs=[
            pl.BlockSpec((RP, 2 * H), lambda i: (i, 0)),
            pl.BlockSpec((RP, 2 * H), lambda i: (i, 0)),
        ],
        out_shape=[
            jax.ShapeDtypeStruct((NPK, 2 * H), jnp.float32),
            jax.ShapeDtypeStruct((NPK, 2 * H), jnp.float32),
        ],
    )(x, x, W1, degv)


def _combine_body(acc_ref, xws_ref, dinv_ref, b_ref, w_ref, out_ref):
    dinv = dinv_ref[...]
    h = (acc_ref[0] + acc_ref[1] + xws_ref[...]) * dinv + b_ref[...]
    h = jnp.maximum(h, 0.0)
    out_ref[...] = jnp.dot(h, w_ref[...], preferred_element_type=jnp.float32) * dinv


def _tc_combine_mm(accv, xws, dinv, b2p, W2d):
    return pl.pallas_call(
        _combine_body,
        grid=(N // R,),
        in_specs=[
            pl.BlockSpec((2, RP, 2 * H), lambda i: (0, i, 0)),
            pl.BlockSpec((RP, 2 * H), lambda i: (i, 0)),
            pl.BlockSpec((RP, 2 * H), lambda i: (i, 0)),
            pl.BlockSpec((1, 2 * H), lambda i: (0, 0)),
            pl.BlockSpec((2 * H, 2 * H), lambda i: (0, 0)),
        ],
        out_specs=pl.BlockSpec((RP, 2 * H), lambda i: (i, 0)),
        out_shape=jax.ShapeDtypeStruct((NPK, 2 * H), jnp.float32),
    )(accv, xws, dinv, b2p, W2d)


def _final_body(acc_ref, xws_ref, dinv_ref, b_ref, oht_ref, ohb_ref, gf_ref,
                wc1_ref, bc1_ref, wc2_ref, bc2_ref, out_ref, pool_acc, cnt_acc):
    i = pl.program_id(0)

    @pl.when(i == 0)
    def _():
        pool_acc[...] = jnp.zeros((NG, H), jnp.float32)
        cnt_acc[...] = jnp.zeros((NG, 1), jnp.float32)

    dinv = dinv_ref[...]
    hp = (acc_ref[0] + acc_ref[1] + xws_ref[...]) * dinv + b_ref[...]
    hp = jnp.maximum(hp, 0.0)
    ht = hp[:, :H]
    hb = hp[:, H:]
    oht = oht_ref[...]
    ohb = ohb_ref[...]
    dn = (((0,), (0,)), ((), ()))
    pool_acc[...] += (
        lax.dot_general(oht, ht, dn, preferred_element_type=jnp.float32)
        + lax.dot_general(ohb, hb, dn, preferred_element_type=jnp.float32))
    ones_col = jnp.ones((RP, 1), jnp.float32)
    cnt_acc[...] += (
        lax.dot_general(oht, ones_col, dn, preferred_element_type=jnp.float32)
        + lax.dot_general(ohb, ones_col, dn,
                          preferred_element_type=jnp.float32))

    @pl.when(i == pl.num_programs(0) - 1)
    def _():
        pooled = pool_acc[...] / jnp.maximum(cnt_acc[...], 1.0)
        z = jnp.concatenate([pooled, gf_ref[...]], axis=1)
        z1 = jnp.dot(z, wc1_ref[...], preferred_element_type=jnp.float32)
        z1 = jnp.maximum(z1 + bc1_ref[...], 0.0)
        out_ref[...] = jnp.dot(z1, wc2_ref[...],
                               preferred_element_type=jnp.float32) + bc2_ref[...]


def _tc_final(accv, xws, dinv, b2p, oht, ohb, gf, Wc1, bc1, Wc2, bc2):
    return pl.pallas_call(
        _final_body,
        grid=(N // R,),
        in_specs=[
            pl.BlockSpec((2, RP, 2 * H), lambda i: (0, i, 0)),
            pl.BlockSpec((RP, 2 * H), lambda i: (i, 0)),
            pl.BlockSpec((RP, 2 * H), lambda i: (i, 0)),
            pl.BlockSpec((1, 2 * H), lambda i: (0, 0)),
            pl.BlockSpec((RP, NG), lambda i: (i, 0)),
            pl.BlockSpec((RP, NG), lambda i: (i, 0)),
            pl.BlockSpec((NG, G), lambda i: (0, 0)),
            pl.BlockSpec((H + G, H // 2), lambda i: (0, 0)),
            pl.BlockSpec((1, H // 2), lambda i: (0, 0)),
            pl.BlockSpec((H // 2, NC), lambda i: (0, 0)),
            pl.BlockSpec((1, NC), lambda i: (0, 0)),
        ],
        out_specs=pl.BlockSpec((NG, NC), lambda i: (0, 0)),
        out_shape=jax.ShapeDtypeStruct((NG, NC), jnp.float32),
        scratch_shapes=[
            pltpu.VMEM((NG, H), jnp.float32),
            pltpu.VMEM((NG, 1), jnp.float32),
        ],
    )(accv, xws, dinv, b2p, oht, ohb, gf, Wc1, bc1, Wc2, bc2)



def kernel(x, edge_index, batch, graph_features, W1, b1, W2, b2,
           Wc1, bc1, Wc2, bc2):
    e3 = edge_index.reshape(2, E // CHUNK, CHUNK)
    edges3 = e3 * 2 - (2 * NPK - 1) * (e3 >= NPK)

    degp = _sc_degree(edges3)
    degv = degp.reshape(2, NP // 2, 2)

    xw1s_p, dinv_p = _tc_mm1(x, W1, degv)

    zeros_h = jnp.zeros((H, H), jnp.float32)
    W2d = jnp.block([[W2, zeros_h], [zeros_h, W2]])
    b1p = jnp.concatenate([b1, b1]).reshape(1, 2 * H)
    b2p = jnp.concatenate([b2, b2]).reshape(1, 2 * H)

    acc1 = _sc_aggregate(xw1s_p.reshape(N, H), edges3)
    xw2s_p = _tc_combine_mm(acc1.reshape(2, NPK, 2 * H), xw1s_p,
                            dinv_p, b1p, W2d)

    acc2 = _sc_aggregate(xw2s_p.reshape(N, H), edges3)

    seg = jnp.arange(NG, dtype=batch.dtype)[None, :]
    oht = (batch[:NPK, None] == seg).astype(jnp.float32)
    ohb = (batch[NPK:, None] == seg).astype(jnp.float32)
    out = _tc_final(acc2.reshape(2, NPK, 2 * H), xw2s_p, dinv_p,
                    b2p, oht, ohb,
                    graph_features, Wc1, bc1.reshape(1, H // 2),
                    Wc2, bc2.reshape(1, NC))
    return out

# --- scband reference (transcript-rebuilt; emitter-appended) ---
"""Pipeline reference for scband-graph-feature-aware-gcn-28913719837314 (READ-ONLY COPY).

The authoritative reference and input builder live on the scoring server;
editing this copy changes nothing except your own understanding.
"""

import jax, jax.numpy as jnp
import numpy as np

N = 10000
E = 320000
D = 128
H = 64
G = 16
NG = 64
NC = 1


def setup_inputs(seed: int = 0) -> dict:
    key = jax.random.key(seed)
    ks = jax.random.split(key, 10)
    x = jax.random.normal(ks[0], (N, D), dtype=jnp.float32)
    edge_index = jax.random.randint(ks[1], (2, E), 0, N, dtype=jnp.int32)
    batch = jnp.sort(jax.random.randint(ks[2], (N,), 0, NG, dtype=jnp.int32))
    graph_features = jax.random.normal(ks[3], (NG, G), dtype=jnp.float32)
    W1 = jax.random.normal(ks[4], (D, H), dtype=jnp.float32) * (1.0 / np.sqrt(D))
    b1 = jnp.zeros((H,), dtype=jnp.float32)
    W2 = jax.random.normal(ks[5], (H, H), dtype=jnp.float32) * (1.0 / np.sqrt(H))
    b2 = jnp.zeros((H,), dtype=jnp.float32)
    Wc1 = jax.random.normal(ks[6], (H + G, H // 2), dtype=jnp.float32) * (1.0 / np.sqrt(H + G))
    bc1 = jnp.zeros((H // 2,), dtype=jnp.float32)
    Wc2 = jax.random.normal(ks[7], (H // 2, NC), dtype=jnp.float32) * (1.0 / np.sqrt(H // 2))
    bc2 = jnp.zeros((NC,), dtype=jnp.float32)
    return {"x": x, "edge_index": edge_index, "batch": batch, "graph_features": graph_features,
            "W1": W1, "b1": b1, "W2": W2, "b2": b2,
            "Wc1": Wc1, "bc1": bc1, "Wc2": Wc2, "bc2": bc2}


def _gcn_conv(h, src, dst, W, b):
    # GCNConv: x' = D^{-1/2} (A + I) D^{-1/2} X W + b  (self-loops already in src/dst)
    h = h @ W
    deg = jnp.zeros((N,), dtype=h.dtype).at[dst].add(1.0)
    dinv = jnp.where(deg > 0, jax.lax.rsqrt(jnp.maximum(deg, 1e-12)), 0.0)
    norm = dinv[src] * dinv[dst]
    msg = h[src] * norm[:, None]
    out = jnp.zeros((N, h.shape[1]), dtype=h.dtype).at[dst].add(msg)
    return out + b


def reference(x, edge_index, batch, graph_features, W1, b1, W2, b2, Wc1, bc1, Wc2, bc2):
    loops = jnp.arange(N, dtype=edge_index.dtype)
    src = jnp.concatenate([edge_index[0], loops])
    dst = jnp.concatenate([edge_index[1], loops])
    # conv layer 1 + relu (dropout is identity in eval mode)
    h = jax.nn.relu(_gcn_conv(x, src, dst, W1, b1))
    # conv layer 2 + relu
    h = jax.nn.relu(_gcn_conv(h, src, dst, W2, b2))
    # global mean pool over batch segment ids
    sums = jax.ops.segment_sum(h, batch, num_segments=NG)
    counts = jax.ops.segment_sum(jnp.ones((N,), dtype=h.dtype), batch, num_segments=NG)
    pooled = sums / jnp.maximum(counts, 1.0)[:, None]
    # concat graph-level features
    z = jnp.concatenate([pooled, graph_features], axis=1)
    # classifier: Linear -> ReLU -> Dropout(eval=identity) -> Linear
    z = jax.nn.relu(z @ Wc1 + bc1)
    out = z @ Wc2 + bc2
    return out

if __name__ == "__main__":
    import jax
    _d = setup_inputs()
    print(jax.jit(kernel)(*tuple(_d.values())))

</pallas_src>

<mosaic_0001>
#map = affine_map<(d0, d1) -> (0, 0)>
#map1 = affine_map<(d0, d1) -> (0, 0, 0)>
module attributes {stable_mosaic.version = 14 : i64} {
  func.func @_sc_aggregate(%arg0: i32, %arg1: i32, %arg2: memref<10000x64xf32, #tpu.memory_space<hbm>>, %arg3: memref<2x2560x125xi32, #tpu.memory_space<hbm>>, %arg4: memref<2x10000x64xf32, #tpu.memory_space<hbm>>, %arg5: memref<80x125xi32, #tpu.memory_space<vmem>>, %arg6: memref<80x125xi32, #tpu.memory_space<vmem>>, %arg7: memref<8x125x64xf32, #tpu.memory_space<vmem>>, %arg8: memref<64x64xf32, #tpu.memory_space<vmem>>, %arg9: memref<10240x64xf32, #tpu.memory_space<vmem_shared>>, %arg10: memref<!tpu.dma_semaphore, #tpu.memory_space<semaphore_mem>>, %arg11: memref<!tpu.dma_semaphore, #tpu.memory_space<semaphore_mem>>, %arg12: memref<!tpu.dma_semaphore, #tpu.memory_space<semaphore_mem>>, %arg13: memref<!tpu.dma_semaphore, #tpu.memory_space<semaphore_mem>>, %arg14: memref<!tpu.dma_semaphore, #tpu.memory_space<semaphore_mem>>, %arg15: memref<!tpu.dma_semaphore, #tpu.memory_space<semaphore_mem>>, %arg16: memref<!tpu.dma_semaphore, #tpu.memory_space<semaphore_mem>>, %arg17: memref<!tpu.dma_semaphore, #tpu.memory_space<semaphore_mem>>, %arg18: memref<!tpu.dma_semaphore, #tpu.memory_space<semaphore_mem>>, %arg19: memref<!tpu.dma_semaphore, #tpu.memory_space<semaphore_mem>>, %arg20: memref<!tpu.dma_semaphore, #tpu.memory_space<semaphore_mem>>, %arg21: memref<!tpu.dma_semaphore, #tpu.memory_space<semaphore_mem>>, %arg22: memref<!tpu.dma_semaphore, #tpu.memory_space<semaphore_mem>>, %arg23: memref<!tpu.dma_semaphore, #tpu.memory_space<semaphore_mem>>, %arg24: memref<!tpu.dma_semaphore, #tpu.memory_space<semaphore_mem>>, %arg25: memref<!tpu.dma_semaphore, #tpu.memory_space<semaphore_mem>>) attributes {dimension_semantics = [#tpu.dimension_semantics<core_parallel>, #tpu.dimension_semantics<subcore_parallel>], iteration_bounds = array<i64: 2, 16>, scalar_prefetch = 0 : i64, scratch_operands = 21 : i64, tpu.core_type = #tpu.core_type<sc_vector_subcore>, window_params = [{transform_indices = #map}, {transform_indices = #map1}, {transform_indices = #map1}]} {
    %mul3A = arith.constant 2 : i32
    %mul3A_0 = arith.muli %arg1, %mul3A : i32
    %add3A = arith.addi %mul3A_0, %arg0 : i32
    %broadcast_in_dim3A = arith.constant 0.000000e+00 : f32
    %broadcast_in_dim3A_1 = vector.broadcast %broadcast_in_dim3A : f32 to vector<16xf32>
    %scan3A = arith.constant 0 : i32
    %scan3A_2 = arith.constant 0 : i32
    %scan3A_3 = arith.constant 64 : i32
    %scan3A_4 = arith.addi %scan3A_2, %scan3A_3 : i32
    %scan3A_5 = arith.constant 1 : i32
    %scan3A_6 = scf.for %scan3A_127 = %scan3A_2 to %scan3A_4 step %scan3A_5 iter_args(%scan3A_128 = %scan3A) -> (i32)  : i32 {
      %swap3A = arith.index_cast %scan3A_127 : i32 to index
      %swap3A_129 = arith.constant 0 : index
      %swap3A_130 = tpu.vector_load %arg8[%swap3A, %swap3A_129] {strides = array<i32>} : memref<64x64xf32, #tpu.memory_space<vmem>>, vector<1x16xf32>,
      %swap3A_131 = vector.shape_cast %swap3A_130 : vector<1x16xf32> to vector<16xf32>
      %swap3A_132 = vector.shape_cast %broadcast_in_dim3A_1 : vector<16xf32> to vector<1x16xf32>
      tpu.vector_store %arg8[%swap3A, %swap3A_129], %swap3A_132 {strides = array<i32>} : memref<64x64xf32, #tpu.memory_space<vmem>>, vector<1x16xf32>,
      %swap3A_133 = arith.index_cast %scan3A_127 : i32 to index
      %swap3A_134 = arith.constant 16 : index
      %swap3A_135 = tpu.vector_load %arg8[%swap3A_133, %swap3A_134] {strides = array<i32>} : memref<64x64xf32, #tpu.memory_space<vmem>>, vector<1x16xf32>,
      %swap3A_136 = vector.shape_cast %swap3A_135 : vector<1x16xf32> to vector<16xf32>
      %swap3A_137 = vector.shape_cast %broadcast_in_dim3A_1 : vector<16xf32> to vector<1x16xf32>
      tpu.vector_store %arg8[%swap3A_133, %swap3A_134], %swap3A_137 {strides = array<i32>} : memref<64x64xf32, #tpu.memory_space<vmem>>, vector<1x16xf32>,
      %swap3A_138 = arith.index_cast %scan3A_127 : i32 to index
      %swap3A_139 = arith.constant 32 : index
      %swap3A_140 = tpu.vector_load %arg8[%swap3A_138, %swap3A_139] {strides = array<i32>} : memref<64x64xf32, #tpu.memory_space<vmem>>, vector<1x16xf32>,
      %swap3A_141 = vector.shape_cast %swap3A_140 : vector<1x16xf32> to vector<16xf32>
      %swap3A_142 = vector.shape_cast %broadcast_in_dim3A_1 : vector<16xf32> to vector<1x16xf32>
      tpu.vector_store %arg8[%swap3A_138, %swap3A_139], %swap3A_142 {strides = array<i32>} : memref<64x64xf32, #tpu.memory_space<vmem>>, vector<1x16xf32>,
      %swap3A_143 = arith.index_cast %scan3A_127 : i32 to index
      %swap3A_144 = arith.constant 48 : index
      %swap3A_145 = tpu.vector_load %arg8[%swap3A_143, %swap3A_144] {strides = array<i32>} : memref<64x64xf32, #tpu.memory_space<vmem>>, vector<1x16xf32>,
      %swap3A_146 = vector.shape_cast %swap3A_145 : vector<1x16xf32> to vector<16xf32>
      %swap3A_147 = vector.shape_cast %broadcast_in_dim3A_1 : vector<16xf32> to vector<1x16xf32>
      tpu.vector_store %arg8[%swap3A_143, %swap3A_144], %swap3A_147 {strides = array<i32>} : memref<64x64xf32, #tpu.memory_space<vmem>>, vector<1x16xf32>,
      %scan3A_148 = arith.constant 0 : i32
      scf.yield %scan3A_148 : i32
    }
    %scan3A_7 = arith.constant 64 : i32
    %scan3A_8 = arith.constant 0 : i32
    %scan3A_9 = arith.constant 0 : i32
    %scan3A_10 = arith.constant 10 : i32
    %scan3A_11 = arith.addi %scan3A_9, %scan3A_10 : i32
    %scan3A_12 = arith.constant 1 : i32
    %scan3A_13 = scf.for %scan3A_127 = %scan3A_9 to %scan3A_11 step %scan3A_12 iter_args(%scan3A_128 = %scan3A_8) -> (i32)  : i32 {
      %mul3A_129 = arith.constant 640 : i32
      %mul3A_130 = arith.muli %arg1, %mul3A_129 : i32
      %mul3A_131 = arith.constant 64 : i32
      %mul3A_132 = arith.muli %scan3A_127, %mul3A_131 : i32
      %add3A_133 = arith.addi %mul3A_130, %mul3A_132 : i32
      "tpu.region"() ({
        %run_scoped3A_135 = tpu.sem_alloc : memref<!tpu.dma_semaphore, #tpu.memory_space<semaphore_mem>>
        %dma_start3A_136 = arith.constant 0 : i32
        %dma_start3A_137 = tpu.memref_slice %arg9[%add3A_133, %dma_start3A_136] : memref<10240x64xf32, #tpu.memory_space<vmem_shared>> -> memref<64x64xf32, #tpu.memory_space<vmem_shared>>
        %dma_start3A_138 = arith.constant 0 : i32
        %dma_start3A_139 = tpu.memref_slice %arg9[%add3A_133, %dma_start3A_138] : memref<10240x64xf32, #tpu.memory_space<vmem_shared>> -> memref<64x64xf32, #tpu.memory_space<vmem_shared>>
        tpu.enqueue_dma source(%arg8 : memref<64x64xf32, #tpu.memory_space<vmem>>) target(%dma_start3A_139 : memref<64x64xf32, #tpu.memory_space<vmem_shared>>) target_semaphore(%run_scoped3A_135 : memref<!tpu.dma_semaphore, #tpu.memory_space<semaphore_mem>>)
        %dma_wait3A = arith.constant 0 : i32
        %dma_wait3A_140 = tpu.memref_slice %arg9[%add3A_133, %dma_wait3A] : memref<10240x64xf32, #tpu.memory_space<vmem_shared>> -> memref<64x64xf32, #tpu.memory_space<vmem_shared>>
        %dma_wait3A_141 = arith.constant 0 : i32
        %dma_wait3A_142 = tpu.memref_slice %arg9[%add3A_133, %dma_wait3A_141] : memref<10240x64xf32, #tpu.memory_space<vmem_shared>> -> memref<64x64xf32, #tpu.memory_space<vmem_shared>>
        tpu.wait_dma2 semaphore(%run_scoped3A_135 : memref<!tpu.dma_semaphore, #tpu.memory_space<semaphore_mem>>) src(%arg8 : memref<64x64xf32, #tpu.memory_space<vmem>>) dst(%dma_wait3A_142 : memref<64x64xf32, #tpu.memory_space<vmem_shared>>)
        tpu.yield
      }) : () -> ()
      %scan3A_134 = arith.constant 0 : i32
      scf.yield %scan3A_134 : i32
    }
    %scan3A_14 = arith.constant 10 : i32
    %mul3A_15 = arith.constant 80 : i32
    %mul3A_16 = arith.muli %add3A, %mul3A_15 : i32
    %run_scoped3A = arith.constant 0 : i32
    "tpu.region"() ({
      %run_scoped3A_127 = tpu.sem_alloc : memref<!tpu.dma_semaphore, #tpu.memory_space<semaphore_mem>>
      %dma_start3A_128 = arith.constant 0 : i32
      %dma_start3A_129 = tpu.memref_slice %arg3[%run_scoped3A, %mul3A_16, %dma_start3A_128] : memref<2x2560x125xi32, #tpu.memory_space<hbm>> -> memref<1x80x125xi32, #tpu.memory_space<hbm>>
      %dma_start3A_130 = tpu.memref_squeeze %dma_start3A_129 : memref<1x80x125xi32, #tpu.memory_space<hbm>> -> memref<80x125xi32, #tpu.memory_space<hbm>>
      %dma_start3A_131 = arith.constant 0 : i32
      %dma_start3A_132 = tpu.memref_slice %arg3[%run_scoped3A, %mul3A_16, %dma_start3A_131] : memref<2x2560x125xi32, #tpu.memory_space<hbm>> -> memref<1x80x125xi32, #tpu.memory_space<hbm>>
      %dma_start3A_133 = tpu.memref_squeeze %dma_start3A_132 : memref<1x80x125xi32, #tpu.memory_space<hbm>> -> memref<80x125xi32, #tpu.memory_space<hbm>>
      tpu.enqueue_dma source(%dma_start3A_133 : memref<80x125xi32, #tpu.memory_space<hbm>>) target(%arg5 : memref<80x125xi32, #tpu.memory_space<vmem>>) target_semaphore(%run_scoped3A_127 : memref<!tpu.dma_semaphore, #tpu.memory_space<semaphore_mem>>)
      %dma_wait3A = arith.constant 0 : i32
      %dma_wait3A_134 = tpu.memref_slice %arg3[%run_scoped3A, %mul3A_16, %dma_wait3A] : memref<2x2560x125xi32, #tpu.memory_space<hbm>> -> memref<1x80x125xi32, #tpu.memory_space<hbm>>
      %dma_wait3A_135 = tpu.memref_squeeze %dma_wait3A_134 : memref<1x80x125xi32, #tpu.memory_space<hbm>> -> memref<80x125xi32, #tpu.memory_space<hbm>>
      %dma_wait3A_136 = arith.constant 0 : i32
      %dma_wait3A_137 = tpu.memref_slice %arg3[%run_scoped3A, %mul3A_16, %dma_wait3A_136] : memref<2x2560x125xi32, #tpu.memory_space<hbm>> -> memref<1x80x125xi32, #tpu.memory_space<hbm>>
      %dma_wait3A_138 = tpu.memref_squeeze %dma_wait3A_137 : memref<1x80x125xi32, #tpu.memory_space<hbm>> -> memref<80x125xi32, #tpu.memory_space<hbm>>
      tpu.wait_dma2 semaphore(%run_scoped3A_127 : memref<!tpu.dma_semaphore, #tpu.memory_space<semaphore_mem>>) src(%dma_wait3A_138 : memref<80x125xi32, #tpu.memory_space<hbm>>) dst(%arg5 : memref<80x125xi32, #tpu.memory_space<vmem>>)
      tpu.yield
    }) : () -> ()
    %mul3A_17 = arith.constant 80 : i32
    %mul3A_18 = arith.muli %add3A, %mul3A_17 : i32
    %run_scoped3A_19 = arith.constant 1 : i32
    "tpu.region"() ({
      %run_scoped3A_127 = tpu.sem_alloc : memref<!tpu.dma_semaphore, #tpu.memory_space<semaphore_mem>>
      %dma_start3A_128 = arith.constant 0 : i32
      %dma_start3A_129 = tpu.memref_slice %arg3[%run_scoped3A_19, %mul3A_18, %dma_start3A_128] : memref<2x2560x125xi32, #tpu.memory_space<hbm>> -> memref<1x80x125xi32, #tpu.memory_space<hbm>>
      %dma_start3A_130 = tpu.memref_squeeze %dma_start3A_129 : memref<1x80x125xi32, #tpu.memory_space<hbm>> -> memref<80x125xi32, #tpu.memory_space<hbm>>
      %dma_start3A_131 = arith.constant 0 : i32
      %dma_start3A_132 = tpu.memref_slice %arg3[%run_scoped3A_19, %mul3A_18, %dma_start3A_131] : memref<2x2560x125xi32, #tpu.memory_space<hbm>> -> memref<1x80x125xi32, #tpu.memory_space<hbm>>
      %dma_start3A_133 = tpu.memref_squeeze %dma_start3A_132 : memref<1x80x125xi32, #tpu.memory_space<hbm>> -> memref<80x125xi32, #tpu.memory_space<hbm>>
      tpu.enqueue_dma source(%dma_start3A_133 : memref<80x125xi32, #tpu.memory_space<hbm>>) target(%arg6 : memref<80x125xi32, #tpu.memory_space<vmem>>) target_semaphore(%run_scoped3A_127 : memref<!tpu.dma_semaphore, #tpu.memory_space<semaphore_mem>>)
      %dma_wait3A = arith.constant 0 : i32
      %dma_wait3A_134 = tpu.memref_slice %arg3[%run_scoped3A_19, %mul3A_18, %dma_wait3A] : memref<2x2560x125xi32, #tpu.memory_space<hbm>> -> memref<1x80x125xi32, #tpu.memory_space<hbm>>
      %dma_wait3A_135 = tpu.memref_squeeze %dma_wait3A_134 : memref<1x80x125xi32, #tpu.memory_space<hbm>> -> memref<80x125xi32, #tpu.memory_space<hbm>>
      %dma_wait3A_136 = arith.constant 0 : i32
      %dma_wait3A_137 = tpu.memref_slice %arg3[%run_scoped3A_19, %mul3A_18, %dma_wait3A_136] : memref<2x2560x125xi32, #tpu.memory_space<hbm>> -> memref<1x80x125xi32, #tpu.memory_space<hbm>>
      %dma_wait3A_138 = tpu.memref_squeeze %dma_wait3A_137 : memref<1x80x125xi32, #tpu.memory_space<hbm>> -> memref<80x125xi32, #tpu.memory_space<hbm>>
      tpu.wait_dma2 semaphore(%run_scoped3A_127 : memref<!tpu.dma_semaphore, #tpu.memory_space<semaphore_mem>>) src(%dma_wait3A_138 : memref<80x125xi32, #tpu.memory_space<hbm>>) dst(%arg6 : memref<80x125xi32, #tpu.memory_space<vmem>>)
      tpu.yield
    }) : () -> ()
    %barrier3A = arith.constant 0 : index
    tpu.barrier barrier_id(%barrier3A)
    %dma_start3A = arith.constant 0 : i32
    %dma_start3A_20 = arith.constant 0 : i32
    %dma_start3A_21 = arith.constant 0 : i32
    %dma_start3A_22 = arith.constant 0 : i32
    %dma_start3A_23 = tpu.memref_slice %arg7[%dma_start3A_20, %dma_start3A_21, %dma_start3A_22] : memref<8x125x64xf32, #tpu.memory_space<vmem>> -> memref<1x125x64xf32, #tpu.memory_space<vmem>>
    %dma_start3A_24 = tpu.memref_squeeze %dma_start3A_23 : memref<1x125x64xf32, #tpu.memory_space<vmem>> -> memref<125x64xf32, #tpu.memory_space<vmem>>
    %dma_start3A_25 = arith.constant 0 : i32
    %dma_start3A_26 = tpu.memref_slice %arg5[%dma_start3A, %dma_start3A_25] : memref<80x125xi32, #tpu.memory_space<vmem>> -> memref<1x125xi32, #tpu.memory_space<vmem>>
    %dma_start3A_27 = tpu.memref_squeeze %dma_start3A_26 : memref<1x125xi32, #tpu.memory_space<vmem>> -> memref<125xi32, #tpu.memory_space<vmem>>
    %dma_start3A_28 = arith.constant 0 : i32
    %dma_start3A_29 = arith.constant 0 : i32
    %dma_start3A_30 = tpu.memref_slice %arg2[%dma_start3A_28, %dma_start3A_29] : memref<10000x64xf32, #tpu.memory_space<hbm>> -> memref<10000x64xf32, #tpu.memory_space<hbm>>
    tpu.enqueue_indirect_dma source(%dma_start3A_30 : memref<10000x64xf32, #tpu.memory_space<hbm>>) target(%dma_start3A_24 : memref<125x64xf32, #tpu.memory_space<vmem>>) offsets(%dma_start3A_27 : memref<125xi32, #tpu.memory_space<vmem>>) semaphore(%arg10 : memref<!tpu.dma_semaphore, #tpu.memory_space<semaphore_mem>>)
    %dma_start3A_31 = arith.constant 1 : i32
    %dma_start3A_32 = arith.constant 1 : i32
    %dma_start3A_33 = arith.constant 0 : i32
    %dma_start3A_34 = arith.constant 0 : i32
    %dma_start3A_35 = tpu.memref_slice %arg7[%dma_start3A_32, %dma_start3A_33, %dma_start3A_34] : memref<8x125x64xf32, #tpu.memory_space<vmem>> -> memref<1x125x64xf32, #tpu.memory_space<vmem>>
    %dma_start3A_36 = tpu.memref_squeeze %dma_start3A_35 : memref<1x125x64xf32, #tpu.memory_space<vmem>> -> memref<125x64xf32, #tpu.memory_space<vmem>>
    %dma_start3A_37 = arith.constant 0 : i32
    %dma_start3A_38 = tpu.memref_slice %arg5[%dma_start3A_31, %dma_start3A_37] : memref<80x125xi32, #tpu.memory_space<vmem>> -> memref<1x125xi32, #tpu.memory_space<vmem>>
    %dma_start3A_39 = tpu.memref_squeeze %dma_start3A_38 : memref<1x125xi32, #tpu.memory_space<vmem>> -> memref<125xi32, #tpu.memory_space<vmem>>
    %dma_start3A_40 = arith.constant 0 : i32
    %dma_start3A_41 = arith.constant 0 : i32
    %dma_start3A_42 = tpu.memref_slice %arg2[%dma_start3A_40, %dma_start3A_41] : memref<10000x64xf32, #tpu.memory_space<hbm>> -> memref<10000x64xf32, #tpu.memory_space<hbm>>
    tpu.enqueue_indirect_dma source(%dma_start3A_42 : memref<10000x64xf32, #tpu.memory_space<hbm>>) target(%dma_start3A_36 : memref<125x64xf32, #tpu.memory_space<vmem>>) offsets(%dma_start3A_39 : memref<125xi32, #tpu.memory_space<vmem>>) semaphore(%arg11 : memref<!tpu.dma_semaphore, #tpu.memory_space<semaphore_mem>>)
    %dma_start3A_43 = arith.constant 2 : i32
    %dma_start3A_44 = arith.constant 2 : i32
    %dma_start3A_45 = arith.constant 0 : i32
    %dma_start3A_46 = arith.constant 0 : i32
    %dma_start3A_47 = tpu.memref_slice %arg7[%dma_start3A_44, %dma_start3A_45, %dma_start3A_46] : memref<8x125x64xf32, #tpu.memory_space<vmem>> -> memref<1x125x64xf32, #tpu.memory_space<vmem>>
    %dma_start3A_48 = tpu.memref_squeeze %dma_start3A_47 : memref<1x125x64xf32, #tpu.memory_space<vmem>> -> memref<125x64xf32, #tpu.memory_space<vmem>>
    %dma_start3A_49 = arith.constant 0 : i32
    %dma_start3A_50 = tpu.memref_slice %arg5[%dma_start3A_43, %dma_start3A_49] : memref<80x125xi32, #tpu.memory_space<vmem>> -> memref<1x125xi32, #tpu.memory_space<vmem>>
    %dma_start3A_51 = tpu.memref_squeeze %dma_start3A_50 : memref<1x125xi32, #tpu.memory_space<vmem>> -> memref<125xi32, #tpu.memory_space<vmem>>
    %dma_start3A_52 = arith.constant 0 : i32
    %dma_start3A_53 = arith.constant 0 : i32
    %dma_start3A_54 = tpu.memref_slice %arg2[%dma_start3A_52, %dma_start3A_53] : memref<10000x64xf32, #tpu.memory_space<hbm>> -> memref<10000x64xf32, #tpu.memory_space<hbm>>
    tpu.enqueue_indirect_dma source(%dma_start3A_54 : memref<10000x64xf32, #tpu.memory_space<hbm>>) target(%dma_start3A_48 : memref<125x64xf32, #tpu.memory_space<vmem>>) offsets(%dma_start3A_51 : memref<125xi32, #tpu.memory_space<vmem>>) semaphore(%arg12 : memref<!tpu.dma_semaphore, #tpu.memory_space<semaphore_mem>>)
    %dma_start3A_55 = arith.constant 3 : i32
    %dma_start3A_56 = arith.constant 3 : i32
    %dma_start3A_57 = arith.constant 0 : i32
    %dma_start3A_58 = arith.constant 0 : i32
    %dma_start3A_59 = tpu.memref_slice %arg7[%dma_start3A_56, %dma_start3A_57, %dma_start3A_58] : memref<8x125x64xf32, #tpu.memory_space<vmem>> -> memref<1x125x64xf32, #tpu.memory_space<vmem>>
    %dma_start3A_60 = tpu.memref_squeeze %dma_start3A_59 : memref<1x125x64xf32, #tpu.memory_space<vmem>> -> memref<125x64xf32, #tpu.memory_space<vmem>>
    %dma_start3A_61 = arith.constant 0 : i32
    %dma_start3A_62 = tpu.memref_slice %arg5[%dma_start3A_55, %dma_start3A_61] : memref<80x125xi32, #tpu.memory_space<vmem>> -> memref<1x125xi32, #tpu.memory_space<vmem>>
    %dma_start3A_63 = tpu.memref_squeeze %dma_start3A_62 : memref<1x125xi32, #tpu.memory_space<vmem>> -> memref<125xi32, #tpu.memory_space<vmem>>
    %dma_start3A_64 = arith.constant 0 : i32
    %dma_start3A_65 = arith.constant 0 : i32
    %dma_start3A_66 = tpu.memref_slice %arg2[%dma_start3A_64, %dma_start3A_65] : memref<10000x64xf32, #tpu.memory_space<hbm>> -> memref<10000x64xf32, #tpu.memory_space<hbm>>
    tpu.enqueue_indirect_dma source(%dma_start3A_66 : memref<10000x64xf32, #tpu.memory_space<hbm>>) target(%dma_start3A_60 : memref<125x64xf32, #tpu.memory_space<vmem>>) offsets(%dma_start3A_63 : memref<125xi32, #tpu.memory_space<vmem>>) semaphore(%arg13 : memref<!tpu.dma_semaphore, #tpu.memory_space<semaphore_mem>>)
    %dma_start3A_67 = arith.constant 4 : i32
    %dma_start3A_68 = arith.constant 4 : i32
    %dma_start3A_69 = arith.constant 0 : i32
    %dma_start3A_70 = arith.constant 0 : i32
    %dma_start3A_71 = tpu.memref_slice %arg7[%dma_start3A_68, %dma_start3A_69, %dma_start3A_70] : memref<8x125x64xf32, #tpu.memory_space<vmem>> -> memref<1x125x64xf32, #tpu.memory_space<vmem>>
    %dma_start3A_72 = tpu.memref_squeeze %dma_start3A_71 : memref<1x125x64xf32, #tpu.memory_space<vmem>> -> memref<125x64xf32, #tpu.memory_space<vmem>>
    %dma_start3A_73 = arith.constant 0 : i32
    %dma_start3A_74 = tpu.memref_slice %arg5[%dma_start3A_67, %dma_start3A_73] : memref<80x125xi32, #tpu.memory_space<vmem>> -> memref<1x125xi32, #tpu.memory_space<vmem>>
    %dma_start3A_75 = tpu.memref_squeeze %dma_start3A_74 : memref<1x125xi32, #tpu.memory_space<vmem>> -> memref<125xi32, #tpu.memory_space<vmem>>
    %dma_start3A_76 = arith.constant 0 : i32
    %dma_start3A_77 = arith.constant 0 : i32
    %dma_start3A_78 = tpu.memref_slice %arg2[%dma_start3A_76, %dma_start3A_77] : memref<10000x64xf32, #tpu.memory_space<hbm>> -> memref<10000x64xf32, #tpu.memory_space<hbm>>
    tpu.enqueue_indirect_dma source(%dma_start3A_78 : memref<10000x64xf32, #tpu.memory_space<hbm>>) target(%dma_start3A_72 : memref<125x64xf32, #tpu.memory_space<vmem>>) offsets(%dma_start3A_75 : memref<125xi32, #tpu.memory_space<vmem>>) semaphore(%arg14 : memref<!tpu.dma_semaphore, #tpu.memory_space<semaphore_mem>>)
    %dma_start3A_79 = arith.constant 5 : i32
    %dma_start3A_80 = arith.constant 5 : i32
    %dma_start3A_81 = arith.constant 0 : i32
    %dma_start3A_82 = arith.constant 0 : i32
    %dma_start3A_83 = tpu.memref_slice %arg7[%dma_start3A_80, %dma_start3A_81, %dma_start3A_82] : memref<8x125x64xf32, #tpu.memory_space<vmem>> -> memref<1x125x64xf32, #tpu.memory_space<vmem>>
    %dma_start3A_84 = tpu.memref_squeeze %dma_start3A_83 : memref<1x125x64xf32, #tpu.memory_space<vmem>> -> memref<125x64xf32, #tpu.memory_space<vmem>>
    %dma_start3A_85 = arith.constant 0 : i32
    %dma_start3A_86 = tpu.memref_slice %arg5[%dma_start3A_79, %dma_start3A_85] : memref<80x125xi32, #tpu.memory_space<vmem>> -> memref<1x125xi32, #tpu.memory_space<vmem>>
    %dma_start3A_87 = tpu.memref_squeeze %dma_start3A_86 : memref<1x125xi32, #tpu.memory_space<vmem>> -> memref<125xi32, #tpu.memory_space<vmem>>
    %dma_start3A_88 = arith.constant 0 : i32
    %dma_start3A_89 = arith.constant 0 : i32
    %dma_start3A_90 = tpu.memref_slice %arg2[%dma_start3A_88, %dma_start3A_89] : memref<10000x64xf32, #tpu.memory_space<hbm>> -> memref<10000x64xf32, #tpu.memory_space<hbm>>
    tpu.enqueue_indirect_dma source(%dma_start3A_90 : memref<10000x64xf32, #tpu.memory_space<hbm>>) target(%dma_start3A_84 : memref<125x64xf32, #tpu.memory_space<vmem>>) offsets(%dma_start3A_87 : memref<125xi32, #tpu.memory_space<vmem>>) semaphore(%arg15 : memref<!tpu.dma_semaphore, #tpu.memory_space<semaphore_mem>>)
    %dma_start3A_91 = arith.constant 6 : i32
    %dma_start3A_92 = arith.constant 6 : i32
    %dma_start3A_93 = arith.constant 0 : i32
    %dma_start3A_94 = arith.constant 0 : i32
    %dma_start3A_95 = tpu.memref_slice %arg7[%dma_start3A_92, %dma_start3A_93, %dma_start3A_94] : memref<8x125x64xf32, #tpu.memory_space<vmem>> -> memref<1x125x64xf32, #tpu.memory_space<vmem>>
    %dma_start3A_96 = tpu.memref_squeeze %dma_start3A_95 : memref<1x125x64xf32, #tpu.memory_space<vmem>> -> memref<125x64xf32, #tpu.memory_space<vmem>>
    %dma_start3A_97 = arith.constant 0 : i32
    %dma_start3A_98 = tpu.memref_slice %arg5[%dma_start3A_91, %dma_start3A_97] : memref<80x125xi32, #tpu.memory_space<vmem>> -> memref<1x125xi32, #tpu.memory_space<vmem>>
    %dma_start3A_99 = tpu.memref_squeeze %dma_start3A_98 : memref<1x125xi32, #tpu.memory_space<vmem>> -> memref<125xi32, #tpu.memory_space<vmem>>
    %dma_start3A_100 = arith.constant 0 : i32
    %dma_start3A_101 = arith.constant 0 : i32
    %dma_start3A_102 = tpu.memref_slice %arg2[%dma_start3A_100, %dma_start3A_101] : memref<10000x64xf32, #tpu.memory_space<hbm>> -> memref<10000x64xf32, #tpu.memory_space<hbm>>
    tpu.enqueue_indirect_dma source(%dma_start3A_102 : memref<10000x64xf32, #tpu.memory_space<hbm>>) target(%dma_start3A_96 : memref<125x64xf32, #tpu.memory_space<vmem>>) offsets(%dma_start3A_99 : memref<125xi32, #tpu.memory_space<vmem>>) semaphore(%arg16 : memref<!tpu.dma_semaphore, #tpu.memory_space<semaphore_mem>>)
    %dma_start3A_103 = arith.constant 7 : i32
    %dma_start3A_104 = arith.constant 7 : i32
    %dma_start3A_105 = arith.constant 0 : i32
    %dma_start3A_106 = arith.constant 0 : i32
    %dma_start3A_107 = tpu.memref_slice %arg7[%dma_start3A_104, %dma_start3A_105, %dma_start3A_106] : memref<8x125x64xf32, #tpu.memory_space<vmem>> -> memref<1x125x64xf32, #tpu.memory_space<vmem>>
    %dma_start3A_108 = tpu.memref_squeeze %dma_start3A_107 : memref<1x125x64xf32, #tpu.memory_space<vmem>> -> memref<125x64xf32, #tpu.memory_space<vmem>>
    %dma_start3A_109 = arith.constant 0 : i32
    %dma_start3A_110 = tpu.memref_slice %arg5[%dma_start3A_103, %dma_start3A_109] : memref<80x125xi32, #tpu.memory_space<vmem>> -> memref<1x125xi32, #tpu.memory_space<vmem>>
    %dma_start3A_111 = tpu.memref_squeeze %dma_start3A_110 : memref<1x125xi32, #tpu.memory_space<vmem>> -> memref<125xi32, #tpu.memory_space<vmem>>
    %dma_start3A_112 = arith.constant 0 : i32
    %dma_start3A_113 = arith.constant 0 : i32
    %dma_start3A_114 = tpu.memref_slice %arg2[%dma_start3A_112, %dma_start3A_113] : memref<10000x64xf32, #tpu.memory_space<hbm>> -> memref<10000x64xf32, #tpu.memory_space<hbm>>
    tpu.enqueue_indirect_dma source(%dma_start3A_114 : memref<10000x64xf32, #tpu.memory_space<hbm>>) target(%dma_start3A_108 : memref<125x64xf32, #tpu.memory_space<vmem>>) offsets(%dma_start3A_111 : memref<125xi32, #tpu.memory_space<vmem>>) semaphore(%arg17 : memref<!tpu.dma_semaphore, #tpu.memory_space<semaphore_mem>>)
    %scan3A_115 = arith.constant 0 : i32
    %scan3A_116 = arith.constant 0 : i32
    %scan3A_117 = arith.constant 10 : i32
    %scan3A_118 = arith.addi %scan3A_116, %scan3A_117 : i32
    %scan3A_119 = arith.constant 1 : i32
    %scan3A_120 = scf.for %scan3A_127 = %scan3A_116 to %scan3A_118 step %scan3A_119 iter_args(%scan3A_128 = %scan3A_115) -> (i32)  : i32 {
      %mul3A_129 = arith.constant 8 : i32
      %mul3A_130 = arith.muli %scan3A_127, %mul3A_129 : i32
      %add3A_131 = arith.constant 0 : i32
      %add3A_132 = arith.addi %mul3A_130, %add3A_131 : i32
      %dma_wait3A = arith.constant 0 : i32
      %dma_wait3A_133 = arith.constant 0 : i32
      %dma_wait3A_134 = arith.constant 0 : i32
      %dma_wait3A_135 = tpu.memref_slice %arg7[%dma_wait3A, %dma_wait3A_133, %dma_wait3A_134] : memref<8x125x64xf32, #tpu.memory_space<vmem>> -> memref<1x125x64xf32, #tpu.memory_space<vmem>>
      %dma_wait3A_136 = tpu.memref_squeeze %dma_wait3A_135 : memref<1x125x64xf32, #tpu.memory_space<vmem>> -> memref<125x64xf32, #tpu.memory_space<vmem>>
      %dma_wait3A_137 = arith.constant 0 : i32
      %dma_wait3A_138 = tpu.memref_slice %arg5[%add3A_132, %dma_wait3A_137] : memref<80x125xi32, #tpu.memory_space<vmem>> -> memref<1x125xi32, #tpu.memory_space<vmem>>
      %dma_wait3A_139 = tpu.memref_squeeze %dma_wait3A_138 : memref<1x125xi32, #tpu.memory_space<vmem>> -> memref<125xi32, #tpu.memory_space<vmem>>
      %dma_wait3A_140 = arith.constant 0 : i32
      %dma_wait3A_141 = arith.constant 0 : i32
      %dma_wait3A_142 = tpu.memref_slice %arg2[%dma_wait3A_140, %dma_wait3A_141] : memref<10000x64xf32, #tpu.memory_space<hbm>> -> memref<10000x64xf32, #tpu.memory_space<hbm>>
      tpu.wait_indirect_dma semaphore(%arg10 : memref<!tpu.dma_semaphore, #tpu.memory_space<semaphore_mem>>) src(%dma_wait3A_142 : memref<10000x64xf32, #tpu.memory_space<hbm>>) dst(%dma_wait3A_136 : memref<125x64xf32, #tpu.memory_space<vmem>>)
      %add3A_143 = arith.constant 0 : i32
      %add3A_144 = arith.addi %mul3A_130, %add3A_143 : i32
      %dma_start3A_145 = arith.constant 0 : i32
      %dma_start3A_146 = arith.constant 0 : i32
      %dma_start3A_147 = arith.constant 0 : i32
      %dma_start3A_148 = tpu.memref_slice %arg7[%dma_start3A_145, %dma_start3A_146, %dma_start3A_147] : memref<8x125x64xf32, #tpu.memory_space<vmem>> -> memref<1x125x64xf32, #tpu.memory_space<vmem>>
      %dma_start3A_149 = tpu.memref_squeeze %dma_start3A_148 : memref<1x125x64xf32, #tpu.memory_space<vmem>> -> memref<125x64xf32, #tpu.memory_space<vmem>>
      %dma_start3A_150 = arith.constant 0 : i32
      %dma_start3A_151 = tpu.memref_slice %arg6[%add3A_144, %dma_start3A_150] : memref<80x125xi32, #tpu.memory_space<vmem>> -> memref<1x125xi32, #tpu.memory_space<vmem>>
      %dma_start3A_152 = tpu.memref_squeeze %dma_start3A_151 : memref<1x125xi32, #tpu.memory_space<vmem>> -> memref<125xi32, #tpu.memory_space<vmem>>
      %dma_start3A_153 = arith.constant 0 : i32
      %dma_start3A_154 = arith.constant 0 : i32
      %dma_start3A_155 = tpu.memref_slice %arg9[%dma_start3A_153, %dma_start3A_154] : memref<10240x64xf32, #tpu.memory_space<vmem_shared>> -> memref<10240x64xf32, #tpu.memory_space<vmem_shared>>
      tpu.enqueue_indirect_dma source(%dma_start3A_149 : memref<125x64xf32, #tpu.memory_space<vmem>>) target(%dma_start3A_155 : memref<10240x64xf32, #tpu.memory_space<vmem_shared>>) offsets(%dma_start3A_152 : memref<125xi32, #tpu.memory_space<vmem>>) semaphore(%arg18 : memref<!tpu.dma_semaphore, #tpu.memory_space<semaphore_mem>>) {add = true}
      %add3A_156 = arith.constant 1 : i32
      %add3A_157 = arith.addi %mul3A_130, %add3A_156 : i32
      %dma_wait3A_158 = arith.constant 1 : i32
      %dma_wait3A_159 = arith.constant 0 : i32
      %dma_wait3A_160 = arith.constant 0 : i32
      %dma_wait3A_161 = tpu.memref_slice %arg7[%dma_wait3A_158, %dma_wait3A_159, %dma_wait3A_160] : memref<8x125x64xf32, #tpu.memory_space<vmem>> -> memref<1x125x64xf32, #tpu.memory_space<vmem>>
      %dma_wait3A_162 = tpu.memref_squeeze %dma_wait3A_161 : memref<1x125x64xf32, #tpu.memory_space<vmem>> -> memref<125x64xf32, #tpu.memory_space<vmem>>
      %dma_wait3A_163 = arith.constant 0 : i32
      %dma_wait3A_164 = tpu.memref_slice %arg5[%add3A_157, %dma_wait3A_163] : memref<80x125xi32, #tpu.memory_space<vmem>> -> memref<1x125xi32, #tpu.memory_space<vmem>>
      %dma_wait3A_165 = tpu.memref_squeeze %dma_wait3A_164 : memref<1x125xi32, #tpu.memory_space<vmem>> -> memref<125xi32, #tpu.memory_space<vmem>>
      %dma_wait3A_166 = arith.constant 0 : i32
      %dma_wait3A_167 = arith.constant 0 : i32
      %dma_wait3A_168 = tpu.memref_slice %arg2[%dma_wait3A_166, %dma_wait3A_167] : memref<10000x64xf32, #tpu.memory_space<hbm>> -> memref<10000x64xf32, #tpu.memory_space<hbm>>
      tpu.wait_indirect_dma semaphore(%arg11 : memref<!tpu.dma_semaphore, #tpu.memory_space<semaphore_mem>>) src(%dma_wait3A_168 : memref<10000x64xf32, #tpu.memory_space<hbm>>) dst(%dma_wait3A_162 : memref<125x64xf32, #tpu.memory_space<vmem>>)
      %add3A_169 = arith.constant 1 : i32
      %add3A_170 = arith.addi %mul3A_130, %add3A_169 : i32
      %dma_start3A_171 = arith.constant 1 : i32
      %dma_start3A_172 = arith.constant 0 : i32
      %dma_start3A_173 = arith.constant 0 : i32
      %dma_start3A_174 = tpu.memref_slice %arg7[%dma_start3A_171, %dma_start3A_172, %dma_start3A_173] : memref<8x125x64xf32, #tpu.memory_space<vmem>> -> memref<1x125x64xf32, #tpu.memory_space<vmem>>
      %dma_start3A_175 = tpu.memref_squeeze %dma_start3A_174 : memref<1x125x64xf32, #tpu.memory_space<vmem>> -> memref<125x64xf32, #tpu.memory_space<vmem>>
      %dma_start3A_176 = arith.constant 0 : i32
      %dma_start3A_177 = tpu.memref_slice %arg6[%add3A_170, %dma_start3A_176] : memref<80x125xi32, #tpu.memory_space<vmem>> -> memref<1x125xi32, #tpu.memory_space<vmem>>
      %dma_start3A_178 = tpu.memref_squeeze %dma_start3A_177 : memref<1x125xi32, #tpu.memory_space<vmem>> -> memref<125xi32, #tpu.memory_space<vmem>>
      %dma_start3A_179 = arith.constant 0 : i32
      %dma_start3A_180 = arith.constant 0 : i32
      %dma_start3A_181 = tpu.memref_slice %arg9[%dma_start3A_179, %dma_start3A_180] : memref<10240x64xf32, #tpu.memory_space<vmem_shared>> -> memref<10240x64xf32, #tpu.memory_space<vmem_shared>>
      tpu.enqueue_indirect_dma source(%dma_start3A_175 : memref<125x64xf32, #tpu.memory_space<vmem>>) target(%dma_start3A_181 : memref<10240x64xf32, #tpu.memory_space<vmem_shared>>) offsets(%dma_start3A_178 : memref<125xi32, #tpu.memory_space<vmem>>) semaphore(%arg19 : memref<!tpu.dma_semaphore, #tpu.memory_space<semaphore_mem>>) {add = true}
      %add3A_182 = arith.constant 2 : i32
      %add3A_183 = arith.addi %mul3A_130, %add3A_182 : i32
      %dma_wait3A_184 = arith.constant 2 : i32
      %dma_wait3A_185 = arith.constant 0 : i32
      %dma_wait3A_186 = arith.constant 0 : i32
      %dma_wait3A_187 = tpu.memref_slice %arg7[%dma_wait3A_184, %dma_wait3A_185, %dma_wait3A_186] : memref<8x125x64xf32, #tpu.memory_space<vmem>> -> memref<1x125x64xf32, #tpu.memory_space<vmem>>
      %dma_wait3A_188 = tpu.memref_squeeze %dma_wait3A_187 : memref<1x125x64xf32, #tpu.memory_space<vmem>> -> memref<125x64xf32, #tpu.memory_space<vmem>>
      %dma_wait3A_189 = arith.constant 0 : i32
      %dma_wait3A_190 = tpu.memref_slice %arg5[%add3A_183, %dma_wait3A_189] : memref<80x125xi32, #tpu.memory_space<vmem>> -> memref<1x125xi32, #tpu.memory_space<vmem>>
      %dma_wait3A_191 = tpu.memref_squeeze %dma_wait3A_190 : memref<1x125xi32, #tpu.memory_space<vmem>> -> memref<125xi32, #tpu.memory_space<vmem>>
      %dma_wait3A_192 = arith.constant 0 : i32
      %dma_wait3A_193 = arith.constant 0 : i32
      %dma_wait3A_194 = tpu.memref_slice %arg2[%dma_wait3A_192, %dma_wait3A_193] : memref<10000x64xf32, #tpu.memory_space<hbm>> -> memref<10000x64xf32, #tpu.memory_space<hbm>>
      tpu.wait_indirect_dma semaphore(%arg12 : memref<!tpu.dma_semaphore, #tpu.memory_space<semaphore_mem>>) src(%dma_wait3A_194 : memref<10000x64xf32, #tpu.memory_space<hbm>>) dst(%dma_wait3A_188 : memref<125x64xf32, #tpu.memory_space<vmem>>)
      %add3A_195 = arith.constant 2 : i32
      %add3A_196 = arith.addi %mul3A_130, %add3A_195 : i32
      %dma_start3A_197 = arith.constant 2 : i32
      %dma_start3A_198 = arith.constant 0 : i32
      %dma_start3A_199 = arith.constant 0 : i32
      %dma_start3A_200 = tpu.memref_slice %arg7[%dma_start3A_197, %dma_start3A_198, %dma_start3A_199] : memref<8x125x64xf32, #tpu.memory_space<vmem>> -> memref<1x125x64xf32, #tpu.memory_space<vmem>>
      %dma_start3A_201 = tpu.memref_squeeze %dma_start3A_200 : memref<1x125x64xf32, #tpu.memory_space<vmem>> -> memref<125x64xf32, #tpu.memory_space<vmem>>
      %dma_start3A_202 = arith.constant 0 : i32
      %dma_start3A_203 = tpu.memref_slice %arg6[%add3A_196, %dma_start3A_202] : memref<80x125xi32, #tpu.memory_space<vmem>> -> memref<1x125xi32, #tpu.memory_space<vmem>>
      %dma_start3A_204 = tpu.memref_squeeze %dma_start3A_203 : memref<1x125xi32, #tpu.memory_space<vmem>> -> memref<125xi32, #tpu.memory_space<vmem>>
      %dma_start3A_205 = arith.constant 0 : i32
      %dma_start3A_206 = arith.constant 0 : i32
      %dma_start3A_207 = tpu.memref_slice %arg9[%dma_start3A_205, %dma_start3A_206] : memref<10240x64xf32, #tpu.memory_space<vmem_shared>> -> memref<10240x64xf32, #tpu.memory_space<vmem_shared>>
      tpu.enqueue_indirect_dma source(%dma_start3A_201 : memref<125x64xf32, #tpu.memory_space<vmem>>) target(%dma_start3A_207 : memref<10240x64xf32, #tpu.memory_space<vmem_shared>>) offsets(%dma_start3A_204 : memref<125xi32, #tpu.memory_space<vmem>>) semaphore(%arg20 : memref<!tpu.dma_semaphore, #tpu.memory_space<semaphore_mem>>) {add = true}
      %add3A_208 = arith.constant 3 : i32
      %add3A_209 = arith.addi %mul3A_130, %add3A_208 : i32
      %dma_wait3A_210 = arith.constant 3 : i32
      %dma_wait3A_211 = arith.constant 0 : i32
      %dma_wait3A_212 = arith.constant 0 : i32
      %dma_wait3A_213 = tpu.memref_slice %arg7[%dma_wait3A_210, %dma_wait3A_211, %dma_wait3A_212] : memref<8x125x64xf32, #tpu.memory_space<vmem>> -> memref<1x125x64xf32, #tpu.memory_space<vmem>>
      %dma_wait3A_214 = tpu.memref_squeeze %dma_wait3A_213 : memref<1x125x64xf32, #tpu.memory_space<vmem>> -> memref<125x64xf32, #tpu.memory_space<vmem>>
      %dma_wait3A_215 = arith.constant 0 : i32
      %dma_wait3A_216 = tpu.memref_slice %arg5[%add3A_209, %dma_wait3A_215] : memref<80x125xi32, #tpu.memory_space<vmem>> -> memref<1x125xi32, #tpu.memory_space<vmem>>
      %dma_wait3A_217 = tpu.memref_squeeze %dma_wait3A_216 : memref<1x125xi32, #tpu.memory_space<vmem>> -> memref<125xi32, #tpu.memory_space<vmem>>
      %dma_wait3A_218 = arith.constant 0 : i32
      %dma_wait3A_219 = arith.constant 0 : i32
      %dma_wait3A_220 = tpu.memref_slice %arg2[%dma_wait3A_218, %dma_wait3A_219] : memref<10000x64xf32, #tpu.memory_space<hbm>> -> memref<10000x64xf32, #tpu.memory_space<hbm>>
      tpu.wait_indirect_dma semaphore(%arg13 : memref<!tpu.dma_semaphore, #tpu.memory_space<semaphore_mem>>) src(%dma_wait3A_220 : memref<10000x64xf32, #tpu.memory_space<hbm>>) dst(%dma_wait3A_214 : memref<125x64xf32, #tpu.memory_space<vmem>>)
      %add3A_221 = arith.constant 3 : i32
      %add3A_222 = arith.addi %mul3A_130, %add3A_221 : i32
      %dma_start3A_223 = arith.constant 3 : i32
      %dma_start3A_224 = arith.constant 0 : i32
      %dma_start3A_225 = arith.constant 0 : i32
      %dma_start3A_226 = tpu.memref_slice %arg7[%dma_start3A_223, %dma_start3A_224, %dma_start3A_225] : memref<8x125x64xf32, #tpu.memory_space<vmem>> -> memref<1x125x64xf32, #tpu.memory_space<vmem>>
      %dma_start3A_227 = tpu.memref_squeeze %dma_start3A_226 : memref<1x125x64xf32, #tpu.memory_space<vmem>> -> memref<125x64xf32, #tpu.memory_space<vmem>>
      %dma_start3A_228 = arith.constant 0 : i32
      %dma_start3A_229 = tpu.memref_slice %arg6[%add3A_222, %dma_start3A_228] : memref<80x125xi32, #tpu.memory_space<vmem>> -> memref<1x125xi32, #tpu.memory_space<vmem>>
      %dma_start3A_230 = tpu.memref_squeeze %dma_start3A_229 : memref<1x125xi32, #tpu.memory_space<vmem>> -> memref<125xi32, #tpu.memory_space<vmem>>
      %dma_start3A_231 = arith.constant 0 : i32
      %dma_start3A_232 = arith.constant 0 : i32
      %dma_start3A_233 = tpu.memref_slice %arg9[%dma_start3A_231, %dma_start3A_232] : memref<10240x64xf32, #tpu.memory_space<vmem_shared>> -> memref<10240x64xf32, #tpu.memory_space<vmem_shared>>
      tpu.enqueue_indirect_dma source(%dma_start3A_227 : memref<125x64xf32, #tpu.memory_space<vmem>>) target(%dma_start3A_233 : memref<10240x64xf32, #tpu.memory_space<vmem_shared>>) offsets(%dma_start3A_230 : memref<125xi32, #tpu.memory_space<vmem>>) semaphore(%arg21 : memref<!tpu.dma_semaphore, #tpu.memory_space<semaphore_mem>>) {add = true}
      %add3A_234 = arith.constant 0 : i32
      %add3A_235 = arith.addi %mul3A_130, %add3A_234 : i32
      %dma_wait3A_236 = arith.constant 0 : i32
      %dma_wait3A_237 = arith.constant 0 : i32
      %dma_wait3A_238 = arith.constant 0 : i32
      %dma_wait3A_239 = tpu.memref_slice %arg7[%dma_wait3A_236, %dma_wait3A_237, %dma_wait3A_238] : memref<8x125x64xf32, #tpu.memory_space<vmem>> -> memref<1x125x64xf32, #tpu.memory_space<vmem>>
      %dma_wait3A_240 = tpu.memref_squeeze %dma_wait3A_239 : memref<1x125x64xf32, #tpu.memory_space<vmem>> -> memref<125x64xf32, #tpu.memory_space<vmem>>
      %dma_wait3A_241 = arith.constant 0 : i32
      %dma_wait3A_242 = tpu.memref_slice %arg6[%add3A_235, %dma_wait3A_241] : memref<80x125xi32, #tpu.memory_space<vmem>> -> memref<1x125xi32, #tpu.memory_space<vmem>>
      %dma_wait3A_243 = tpu.memref_squeeze %dma_wait3A_242 : memref<1x125xi32, #tpu.memory_space<vmem>> -> memref<125xi32, #tpu.memory_space<vmem>>
      %dma_wait3A_244 = arith.constant 0 : i32
      %dma_wait3A_245 = arith.constant 0 : i32
      %dma_wait3A_246 = tpu.memref_slice %arg9[%dma_wait3A_244, %dma_wait3A_245] : memref<10240x64xf32, #tpu.memory_space<vmem_shared>> -> memref<10240x64xf32, #tpu.memory_space<vmem_shared>>
      tpu.wait_indirect_dma semaphore(%arg18 : memref<!tpu.dma_semaphore, #tpu.memory_space<semaphore_mem>>) src(%dma_wait3A_240 : memref<125x64xf32, #tpu.memory_space<vmem>>) dst(%dma_wait3A_246 : memref<10240x64xf32, #tpu.memory_space<vmem_shared>>)
      %lt3A = arith.constant 9 : i32
      %lt3A_247 = arith.cmpi slt, %scan3A_127, %lt3A : i32
      %convert_element_type3A = arith.extui %lt3A_247 : i1 to i32
      %cond3A = arith.constant 0 : i32
      %cond3A_248 = arith.cmpi ne, %convert_element_type3A, %cond3A : i32
      scf.if %cond3A_248 {
        %add3A_480 = arith.constant 8 : i32
        %add3A_481 = arith.addi %mul3A_130, %add3A_480 : i32
        %add3A_482 = arith.constant 0 : i32
        %add3A_483 = arith.addi %add3A_481, %add3A_482 : i32
        %dma_start3A_484 = arith.constant 0 : i32
        %dma_start3A_485 = arith.constant 0 : i32
        %dma_start3A_486 = arith.constant 0 : i32
        %dma_start3A_487 = tpu.memref_slice %arg7[%dma_start3A_484, %dma_start3A_485, %dma_start3A_486] : memref<8x125x64xf32, #tpu.memory_space<vmem>> -> memref<1x125x64xf32, #tpu.memory_space<vmem>>
        %dma_start3A_488 = tpu.memref_squeeze %dma_start3A_487 : memref<1x125x64xf32, #tpu.memory_space<vmem>> -> memref<125x64xf32, #tpu.memory_space<vmem>>
        %dma_start3A_489 = arith.constant 0 : i32
        %dma_start3A_490 = tpu.memref_slice %arg5[%add3A_483, %dma_start3A_489] : memref<80x125xi32, #tpu.memory_space<vmem>> -> memref<1x125xi32, #tpu.memory_space<vmem>>
        %dma_start3A_491 = tpu.memref_squeeze %dma_start3A_490 : memref<1x125xi32, #tpu.memory_space<vmem>> -> memref<125xi32, #tpu.memory_space<vmem>>
        %dma_start3A_492 = arith.constant 0 : i32
        %dma_start3A_493 = arith.constant 0 : i32
        %dma_start3A_494 = tpu.memref_slice %arg2[%dma_start3A_492, %dma_start3A_493] : memref<10000x64xf32, #tpu.memory_space<hbm>> -> memref<10000x64xf32, #tpu.memory_space<hbm>>
        tpu.enqueue_indirect_dma source(%dma_start3A_494 : memref<10000x64xf32, #tpu.memory_space<hbm>>) target(%dma_start3A_488 : memref<125x64xf32, #tpu.memory_space<vmem>>) offsets(%dma_start3A_491 : memref<125xi32, #tpu.memory_space<vmem>>) semaphore(%arg10 : memref<!tpu.dma_semaphore, #tpu.memory_space<semaphore_mem>>)
      } else {
      }
      %add3A_249 = arith.constant 1 : i32
      %add3A_250 = arith.addi %mul3A_130, %add3A_249 : i32
      %dma_wait3A_251 = arith.constant 1 : i32
      %dma_wait3A_252 = arith.constant 0 : i32
      %dma_wait3A_253 = arith.constant 0 : i32
      %dma_wait3A_254 = tpu.memref_slice %arg7[%dma_wait3A_251, %dma_wait3A_252, %dma_wait3A_253] : memref<8x125x64xf32, #tpu.memory_space<vmem>> -> memref<1x125x64xf32, #tpu.memory_space<vmem>>
      %dma_wait3A_255 = tpu.memref_squeeze %dma_wait3A_254 : memref<1x125x64xf32, #tpu.memory_space<vmem>> -> memref<125x64xf32, #tpu.memory_space<vmem>>
      %dma_wait3A_256 = arith.constant 0 : i32
      %dma_wait3A_257 = tpu.memref_slice %arg6[%add3A_250, %dma_wait3A_256] : memref<80x125xi32, #tpu.memory_space<vmem>> -> memref<1x125xi32, #tpu.memory_space<vmem>>
      %dma_wait3A_258 = tpu.memref_squeeze %dma_wait3A_257 : memref<1x125xi32, #tpu.memory_space<vmem>> -> memref<125xi32, #tpu.memory_space<vmem>>
      %dma_wait3A_259 = arith.constant 0 : i32
      %dma_wait3A_260 = arith.constant 0 : i32
      %dma_wait3A_261 = tpu.memref_slice %arg9[%dma_wait3A_259, %dma_wait3A_260] : memref<10240x64xf32, #tpu.memory_space<vmem_shared>> -> memref<10240x64xf32, #tpu.memory_space<vmem_shared>>
      tpu.wait_indirect_dma semaphore(%arg19 : memref<!tpu.dma_semaphore, #tpu.memory_space<semaphore_mem>>) src(%dma_wait3A_255 : memref<125x64xf32, #tpu.memory_space<vmem>>) dst(%dma_wait3A_261 : memref<10240x64xf32, #tpu.memory_space<vmem_shared>>)
      %lt3A_262 = arith.constant 9 : i32
      %lt3A_263 = arith.cmpi slt, %scan3A_127, %lt3A_262 : i32
      %convert_element_type3A_264 = arith.extui %lt3A_263 : i1 to i32
      %cond3A_265 = arith.constant 0 : i32
      %cond3A_266 = arith.cmpi ne, %convert_element_type3A_264, %cond3A_265 : i32
      scf.if %cond3A_266 {
        %add3A_480 = arith.constant 8 : i32
        %add3A_481 = arith.addi %mul3A_130, %add3A_480 : i32
        %add3A_482 = arith.constant 1 : i32
        %add3A_483 = arith.addi %add3A_481, %add3A_482 : i32
        %dma_start3A_484 = arith.constant 1 : i32
        %dma_start3A_485 = arith.constant 0 : i32
        %dma_start3A_486 = arith.constant 0 : i32
        %dma_start3A_487 = tpu.memref_slice %arg7[%dma_start3A_484, %dma_start3A_485, %dma_start3A_486] : memref<8x125x64xf32, #tpu.memory_space<vmem>> -> memref<1x125x64xf32, #tpu.memory_space<vmem>>
        %dma_start3A_488 = tpu.memref_squeeze %dma_start3A_487 : memref<1x125x64xf32, #tpu.memory_space<vmem>> -> memref<125x64xf32, #tpu.memory_space<vmem>>
        %dma_start3A_489 = arith.constant 0 : i32
        %dma_start3A_490 = tpu.memref_slice %arg5[%add3A_483, %dma_start3A_489] : memref<80x125xi32, #tpu.memory_space<vmem>> -> memref<1x125xi32, #tpu.memory_space<vmem>>
        %dma_start3A_491 = tpu.memref_squeeze %dma_start3A_490 : memref<1x125xi32, #tpu.memory_space<vmem>> -> memref<125xi32, #tpu.memory_space<vmem>>
        %dma_start3A_492 = arith.constant 0 : i32
        %dma_start3A_493 = arith.constant 0 : i32
        %dma_start3A_494 = tpu.memref_slice %arg2[%dma_start3A_492, %dma_start3A_493] : memref<10000x64xf32, #tpu.memory_space<hbm>> -> memref<10000x64xf32, #tpu.memory_space<hbm>>
        tpu.enqueue_indirect_dma source(%dma_start3A_494 : memref<10000x64xf32, #tpu.memory_space<hbm>>) target(%dma_start3A_488 : memref<125x64xf32, #tpu.memory_space<vmem>>) offsets(%dma_start3A_491 : memref<125xi32, #tpu.memory_space<vmem>>) semaphore(%arg11 : memref<!tpu.dma_semaphore, #tpu.memory_space<semaphore_mem>>)
      } else {
      }
      %add3A_267 = arith.constant 2 : i32
      %add3A_268 = arith.addi %mul3A_130, %add3A_267 : i32
      %dma_wait3A_269 = arith.constant 2 : i32
      %dma_wait3A_270 = arith.constant 0 : i32
      %dma_wait3A_271 = arith.constant 0 : i32
      %dma_wait3A_272 = tpu.memref_slice %arg7[%dma_wait3A_269, %dma_wait3A_270, %dma_wait3A_271] : memref<8x125x64xf32, #tpu.memory_space<vmem>> -> memref<1x125x64xf32, #tpu.memory_space<vmem>>
      %dma_wait3A_273 = tpu.memref_squeeze %dma_wait3A_272 : memref<1x125x64xf32, #tpu.memory_space<vmem>> -> memref<125x64xf32, #tpu.memory_space<vmem>>
      %dma_wait3A_274 = arith.constant 0 : i32
      %dma_wait3A_275 = tpu.memref_slice %arg6[%add3A_268, %dma_wait3A_274] : memref<80x125xi32, #tpu.memory_space<vmem>> -> memref<1x125xi32, #tpu.memory_space<vmem>>
      %dma_wait3A_276 = tpu.memref_squeeze %dma_wait3A_275 : memref<1x125xi32, #tpu.memory_space<vmem>> -> memref<125xi32, #tpu.memory_space<vmem>>
      %dma_wait3A_277 = arith.constant 0 : i32
      %dma_wait3A_278 = arith.constant 0 : i32
      %dma_wait3A_279 = tpu.memref_slice %arg9[%dma_wait3A_277, %dma_wait3A_278] : memref<10240x64xf32, #tpu.memory_space<vmem_shared>> -> memref<10240x64xf32, #tpu.memory_space<vmem_shared>>
      tpu.wait_indirect_dma semaphore(%arg20 : memref<!tpu.dma_semaphore, #tpu.memory_space<semaphore_mem>>) src(%dma_wait3A_273 : memref<125x64xf32, #tpu.memory_space<vmem>>) dst(%dma_wait3A_279 : memref<10240x64xf32, #tpu.memory_space<vmem_shared>>)
      %lt3A_280 = arith.constant 9 : i32
      %lt3A_281 = arith.cmpi slt, %scan3A_127, %lt3A_280 : i32
      %convert_element_type3A_282 = arith.extui %lt3A_281 : i1 to i32
      %cond3A_283 = arith.constant 0 : i32
      %cond3A_284 = arith.cmpi ne, %convert_element_type3A_282, %cond3A_283 : i32
      scf.if %cond3A_284 {
        %add3A_480 = arith.constant 8 : i32
        %add3A_481 = arith.addi %mul3A_130, %add3A_480 : i32
        %add3A_482 = arith.constant 2 : i32
        %add3A_483 = arith.addi %add3A_481, %add3A_482 : i32
        %dma_start3A_484 = arith.constant 2 : i32
        %dma_start3A_485 = arith.constant 0 : i32
        %dma_start3A_486 = arith.constant 0 : i32
        %dma_start3A_487 = tpu.memref_slice %arg7[%dma_start3A_484, %dma_start3A_485, %dma_start3A_486] : memref<8x125x64xf32, #tpu.memory_space<vmem>> -> memref<1x125x64xf32, #tpu.memory_space<vmem>>
        %dma_start3A_488 = tpu.memref_squeeze %dma_start3A_487 : memref<1x125x64xf32, #tpu.memory_space<vmem>> -> memref<125x64xf32, #tpu.memory_space<vmem>>
        %dma_start3A_489 = arith.constant 0 : i32
        %dma_start3A_490 = tpu.memref_slice %arg5[%add3A_483, %dma_start3A_489] : memref<80x125xi32, #tpu.memory_space<vmem>> -> memref<1x125xi32, #tpu.memory_space<vmem>>
        %dma_start3A_491 = tpu.memref_squeeze %dma_start3A_490 : memref<1x125xi32, #tpu.memory_space<vmem>> -> memref<125xi32, #tpu.memory_space<vmem>>
        %dma_start3A_492 = arith.constant 0 : i32
        %dma_start3A_493 = arith.constant 0 : i32
        %dma_start3A_494 = tpu.memref_slice %arg2[%dma_start3A_492, %dma_start3A_493] : memref<10000x64xf32, #tpu.memory_space<hbm>> -> memref<10000x64xf32, #tpu.memory_space<hbm>>
        tpu.enqueue_indirect_dma source(%dma_start3A_494 : memref<10000x64xf32, #tpu.memory_space<hbm>>) target(%dma_start3A_488 : memref<125x64xf32, #tpu.memory_space<vmem>>) offsets(%dma_start3A_491 : memref<125xi32, #tpu.memory_space<vmem>>) semaphore(%arg12 : memref<!tpu.dma_semaphore, #tpu.memory_space<semaphore_mem>>)
      } else {
      }
      %add3A_285 = arith.constant 3 : i32
      %add3A_286 = arith.addi %mul3A_130, %add3A_285 : i32
      %dma_wait3A_287 = arith.constant 3 : i32
      %dma_wait3A_288 = arith.constant 0 : i32
      %dma_wait3A_289 = arith.constant 0 : i32
      %dma_wait3A_290 = tpu.memref_slice %arg7[%dma_wait3A_287, %dma_wait3A_288, %dma_wait3A_289] : memref<8x125x64xf32, #tpu.memory_space<vmem>> -> memref<1x125x64xf32, #tpu.memory_space<vmem>>
      %dma_wait3A_291 = tpu.memref_squeeze %dma_wait3A_290 : memref<1x125x64xf32, #tpu.memory_space<vmem>> -> memref<125x64xf32, #tpu.memory_space<vmem>>
      %dma_wait3A_292 = arith.constant 0 : i32
      %dma_wait3A_293 = tpu.memref_slice %arg6[%add3A_286, %dma_wait3A_292] : memref<80x125xi32, #tpu.memory_space<vmem>> -> memref<1x125xi32, #tpu.memory_space<vmem>>
      %dma_wait3A_294 = tpu.memref_squeeze %dma_wait3A_293 : memref<1x125xi32, #tpu.memory_space<vmem>> -> memref<125xi32, #tpu.memory_space<vmem>>
      %dma_wait3A_295 = arith.constant 0 : i32
      %dma_wait3A_296 = arith.constant 0 : i32
      %dma_wait3A_297 = tpu.memref_slice %arg9[%dma_wait3A_295, %dma_wait3A_296] : memref<10240x64xf32, #tpu.memory_space<vmem_shared>> -> memref<10240x64xf32, #tpu.memory_space<vmem_shared>>
      tpu.wait_indirect_dma semaphore(%arg21 : memref<!tpu.dma_semaphore, #tpu.memory_space<semaphore_mem>>) src(%dma_wait3A_291 : memref<125x64xf32, #tpu.memory_space<vmem>>) dst(%dma_wait3A_297 : memref<10240x64xf32, #tpu.memory_space<vmem_shared>>)
      %lt3A_298 = arith.constant 9 : i32
      %lt3A_299 = arith.cmpi slt, %scan3A_127, %lt3A_298 : i32
      %convert_element_type3A_300 = arith.extui %lt3A_299 : i1 to i32
      %cond3A_301 = arith.constant 0 : i32
      %cond3A_302 = arith.cmpi ne, %convert_element_type3A_300, %cond3A_301 : i32
      scf.if %cond3A_302 {
        %add3A_480 = arith.constant 8 : i32
        %add3A_481 = arith.addi %mul3A_130, %add3A_480 : i32
        %add3A_482 = arith.constant 3 : i32
        %add3A_483 = arith.addi %add3A_481, %add3A_482 : i32
        %dma_start3A_484 = arith.constant 3 : i32
        %dma_start3A_485 = arith.constant 0 : i32
        %dma_start3A_486 = arith.constant 0 : i32
        %dma_start3A_487 = tpu.memref_slice %arg7[%dma_start3A_484, %dma_start3A_485, %dma_start3A_486] : memref<8x125x64xf32, #tpu.memory_space<vmem>> -> memref<1x125x64xf32, #tpu.memory_space<vmem>>
        %dma_start3A_488 = tpu.memref_squeeze %dma_start3A_487 : memref<1x125x64xf32, #tpu.memory_space<vmem>> -> memref<125x64xf32, #tpu.memory_space<vmem>>
        %dma_start3A_489 = arith.constant 0 : i32
        %dma_start3A_490 = tpu.memref_slice %arg5[%add3A_483, %dma_start3A_489] : memref<80x125xi32, #tpu.memory_space<vmem>> -> memref<1x125xi32, #tpu.memory_space<vmem>>
        %dma_start3A_491 = tpu.memref_squeeze %dma_start3A_490 : memref<1x125xi32, #tpu.memory_space<vmem>> -> memref<125xi32, #tpu.memory_space<vmem>>
        %dma_start3A_492 = arith.constant 0 : i32
        %dma_start3A_493 = arith.constant 0 : i32
        %dma_start3A_494 = tpu.memref_slice %arg2[%dma_start3A_492, %dma_start3A_493] : memref<10000x64xf32, #tpu.memory_space<hbm>> -> memref<10000x64xf32, #tpu.memory_space<hbm>>
        tpu.enqueue_indirect_dma source(%dma_start3A_494 : memref<10000x64xf32, #tpu.memory_space<hbm>>) target(%dma_start3A_488 : memref<125x64xf32, #tpu.memory_space<vmem>>) offsets(%dma_start3A_491 : memref<125xi32, #tpu.memory_space<vmem>>) semaphore(%arg13 : memref<!tpu.dma_semaphore, #tpu.memory_space<semaphore_mem>>)
      } else {
      }
      %add3A_303 = arith.constant 4 : i32
      %add3A_304 = arith.addi %mul3A_130, %add3A_303 : i32
      %dma_wait3A_305 = arith.constant 4 : i32
      %dma_wait3A_306 = arith.constant 0 : i32
      %dma_wait3A_307 = arith.constant 0 : i32
      %dma_wait3A_308 = tpu.memref_slice %arg7[%dma_wait3A_305, %dma_wait3A_306, %dma_wait3A_307] : memref<8x125x64xf32, #tpu.memory_space<vmem>> -> memref<1x125x64xf32, #tpu.memory_space<vmem>>
      %dma_wait3A_309 = tpu.memref_squeeze %dma_wait3A_308 : memref<1x125x64xf32, #tpu.memory_space<vmem>> -> memref<125x64xf32, #tpu.memory_space<vmem>>
      %dma_wait3A_310 = arith.constant 0 : i32
      %dma_wait3A_311 = tpu.memref_slice %arg5[%add3A_304, %dma_wait3A_310] : memref<80x125xi32, #tpu.memory_space<vmem>> -> memref<1x125xi32, #tpu.memory_space<vmem>>
      %dma_wait3A_312 = tpu.memref_squeeze %dma_wait3A_311 : memref<1x125xi32, #tpu.memory_space<vmem>> -> memref<125xi32, #tpu.memory_space<vmem>>
      %dma_wait3A_313 = arith.constant 0 : i32
      %dma_wait3A_314 = arith.constant 0 : i32
      %dma_wait3A_315 = tpu.memref_slice %arg2[%dma_wait3A_313, %dma_wait3A_314] : memref<10000x64xf32, #tpu.memory_space<hbm>> -> memref<10000x64xf32, #tpu.memory_space<hbm>>
      tpu.wait_indirect_dma semaphore(%arg14 : memref<!tpu.dma_semaphore, #tpu.memory_space<semaphore_mem>>) src(%dma_wait3A_315 : memref<10000x64xf32, #tpu.memory_space<hbm>>) dst(%dma_wait3A_309 : memref<125x64xf32, #tpu.memory_space<vmem>>)
      %add3A_316 = arith.constant 4 : i32
      %add3A_317 = arith.addi %mul3A_130, %add3A_316 : i32
      %dma_start3A_318 = arith.constant 4 : i32
      %dma_start3A_319 = arith.constant 0 : i32
      %dma_start3A_320 = arith.constant 0 : i32
      %dma_start3A_321 = tpu.memref_slice %arg7[%dma_start3A_318, %dma_start3A_319, %dma_start3A_320] : memref<8x125x64xf32, #tpu.memory_space<vmem>> -> memref<1x125x64xf32, #tpu.memory_space<vmem>>
      %dma_start3A_322 = tpu.memref_squeeze %dma_start3A_321 : memref<1x125x64xf32, #tpu.memory_space<vmem>> -> memref<125x64xf32, #tpu.memory_space<vmem>>
      %dma_start3A_323 = arith.constant 0 : i32
      %dma_start3A_324 = tpu.memref_slice %arg6[%add3A_317, %dma_start3A_323] : memref<80x125xi32, #tpu.memory_space<vmem>> -> memref<1x125xi32, #tpu.memory_space<vmem>>
      %dma_start3A_325 = tpu.memref_squeeze %dma_start3A_324 : memref<1x125xi32, #tpu.memory_space<vmem>> -> memref<125xi32, #tpu.memory_space<vmem>>
      %dma_start3A_326 = arith.constant 0 : i32
      %dma_start3A_327 = arith.constant 0 : i32
      %dma_start3A_328 = tpu.memref_slice %arg9[%dma_start3A_326, %dma_start3A_327] : memref<10240x64xf32, #tpu.memory_space<vmem_shared>> -> memref<10240x64xf32, #tpu.memory_space<vmem_shared>>
      tpu.enqueue_indirect_dma source(%dma_start3A_322 : memref<125x64xf32, #tpu.memory_space<vmem>>) target(%dma_start3A_328 : memref<10240x64xf32, #tpu.memory_space<vmem_shared>>) offsets(%dma_start3A_325 : memref<125xi32, #tpu.memory_space<vmem>>) semaphore(%arg22 : memref<!tpu.dma_semaphore, #tpu.memory_space<semaphore_mem>>) {add = true}
      %add3A_329 = arith.constant 5 : i32
      %add3A_330 = arith.addi %mul3A_130, %add3A_329 : i32
      %dma_wait3A_331 = arith.constant 5 : i32
      %dma_wait3A_332 = arith.constant 0 : i32
      %dma_wait3A_333 = arith.constant 0 : i32
      %dma_wait3A_334 = tpu.memref_slice %arg7[%dma_wait3A_331, %dma_wait3A_332, %dma_wait3A_333] : memref<8x125x64xf32, #tpu.memory_space<vmem>> -> memref<1x125x64xf32, #tpu.memory_space<vmem>>
      %dma_wait3A_335 = tpu.memref_squeeze %dma_wait3A_334 : memref<1x125x64xf32, #tpu.memory_space<vmem>> -> memref<125x64xf32, #tpu.memory_space<vmem>>
      %dma_wait3A_336 = arith.constant 0 : i32
      %dma_wait3A_337 = tpu.memref_slice %arg5[%add3A_330, %dma_wait3A_336] : memref<80x125xi32, #tpu.memory_space<vmem>> -> memref<1x125xi32, #tpu.memory_space<vmem>>
      %dma_wait3A_338 = tpu.memref_squeeze %dma_wait3A_337 : memref<1x125xi32, #tpu.memory_space<vmem>> -> memref<125xi32, #tpu.memory_space<vmem>>
      %dma_wait3A_339 = arith.constant 0 : i32
      %dma_wait3A_340 = arith.constant 0 : i32
      %dma_wait3A_341 = tpu.memref_slice %arg2[%dma_wait3A_339, %dma_wait3A_340] : memref<10000x64xf32, #tpu.memory_space<hbm>> -> memref<10000x64xf32, #tpu.memory_space<hbm>>
      tpu.wait_indirect_dma semaphore(%arg15 : memref<!tpu.dma_semaphore, #tpu.memory_space<semaphore_mem>>) src(%dma_wait3A_341 : memref<10000x64xf32, #tpu.memory_space<hbm>>) dst(%dma_wait3A_335 : memref<125x64xf32, #tpu.memory_space<vmem>>)
      %add3A_342 = arith.constant 5 : i32
      %add3A_343 = arith.addi %mul3A_130, %add3A_342 : i32
      %dma_start3A_344 = arith.constant 5 : i32
      %dma_start3A_345 = arith.constant 0 : i32
      %dma_start3A_346 = arith.constant 0 : i32
      %dma_start3A_347 = tpu.memref_slice %arg7[%dma_start3A_344, %dma_start3A_345, %dma_start3A_346] : memref<8x125x64xf32, #tpu.memory_space<vmem>> -> memref<1x125x64xf32, #tpu.memory_space<vmem>>
      %dma_start3A_348 = tpu.memref_squeeze %dma_start3A_347 : memref<1x125x64xf32, #tpu.memory_space<vmem>> -> memref<125x64xf32, #tpu.memory_space<vmem>>
      %dma_start3A_349 = arith.constant 0 : i32
      %dma_start3A_350 = tpu.memref_slice %arg6[%add3A_343, %dma_start3A_349] : memref<80x125xi32, #tpu.memory_space<vmem>> -> memref<1x125xi32, #tpu.memory_space<vmem>>
      %dma_start3A_351 = tpu.memref_squeeze %dma_start3A_350 : memref<1x125xi32, #tpu.memory_space<vmem>> -> memref<125xi32, #tpu.memory_space<vmem>>
      %dma_start3A_352 = arith.constant 0 : i32
      %dma_start3A_353 = arith.constant 0 : i32
      %dma_start3A_354 = tpu.memref_slice %arg9[%dma_start3A_352, %dma_start3A_353] : memref<10240x64xf32, #tpu.memory_space<vmem_shared>> -> memref<10240x64xf32, #tpu.memory_space<vmem_shared>>
      tpu.enqueue_indirect_dma source(%dma_start3A_348 : memref<125x64xf32, #tpu.memory_space<vmem>>) target(%dma_start3A_354 : memref<10240x64xf32, #tpu.memory_space<vmem_shared>>) offsets(%dma_start3A_351 : memref<125xi32, #tpu.memory_space<vmem>>) semaphore(%arg23 : memref<!tpu.dma_semaphore, #tpu.memory_space<semaphore_mem>>) {add = true}
      %add3A_355 = arith.constant 6 : i32
      %add3A_356 = arith.addi %mul3A_130, %add3A_355 : i32
      %dma_wait3A_357 = arith.constant 6 : i32
      %dma_wait3A_358 = arith.constant 0 : i32
      %dma_wait3A_359 = arith.constant 0 : i32
      %dma_wait3A_360 = tpu.memref_slice %arg7[%dma_wait3A_357, %dma_wait3A_358, %dma_wait3A_359] : memref<8x125x64xf32, #tpu.memory_space<vmem>> -> memref<1x125x64xf32, #tpu.memory_space<vmem>>
      %dma_wait3A_361 = tpu.memref_squeeze %dma_wait3A_360 : memref<1x125x64xf32, #tpu.memory_space<vmem>> -> memref<125x64xf32, #tpu.memory_space<vmem>>
      %dma_wait3A_362 = arith.constant 0 : i32
      %dma_wait3A_363 = tpu.memref_slice %arg5[%add3A_356, %dma_wait3A_362] : memref<80x125xi32, #tpu.memory_space<vmem>> -> memref<1x125xi32, #tpu.memory_space<vmem>>
      %dma_wait3A_364 = tpu.memref_squeeze %dma_wait3A_363 : memref<1x125xi32, #tpu.memory_space<vmem>> -> memref<125xi32, #tpu.memory_space<vmem>>
      %dma_wait3A_365 = arith.constant 0 : i32
      %dma_wait3A_366 = arith.constant 0 : i32
      %dma_wait3A_367 = tpu.memref_slice %arg2[%dma_wait3A_365, %dma_wait3A_366] : memref<10000x64xf32, #tpu.memory_space<hbm>> -> memref<10000x64xf32, #tpu.memory_space<hbm>>
      tpu.wait_indirect_dma semaphore(%arg16 : memref<!tpu.dma_semaphore, #tpu.memory_space<semaphore_mem>>) src(%dma_wait3A_367 : memref<10000x64xf32, #tpu.memory_space<hbm>>) dst(%dma_wait3A_361 : memref<125x64xf32, #tpu.memory_space<vmem>>)
      %add3A_368 = arith.constant 6 : i32
      %add3A_369 = arith.addi %mul3A_130, %add3A_368 : i32
      %dma_start3A_370 = arith.constant 6 : i32
      %dma_start3A_371 = arith.constant 0 : i32
      %dma_start3A_372 = arith.constant 0 : i32
      %dma_start3A_373 = tpu.memref_slice %arg7[%dma_start3A_370, %dma_start3A_371, %dma_start3A_372] : memref<8x125x64xf32, #tpu.memory_space<vmem>> -> memref<1x125x64xf32, #tpu.memory_space<vmem>>
      %dma_start3A_374 = tpu.memref_squeeze %dma_start3A_373 : memref<1x125x64xf32, #tpu.memory_space<vmem>> -> memref<125x64xf32, #tpu.memory_space<vmem>>
      %dma_start3A_375 = arith.constant 0 : i32
      %dma_start3A_376 = tpu.memref_slice %arg6[%add3A_369, %dma_start3A_375] : memref<80x125xi32, #tpu.memory_space<vmem>> -> memref<1x125xi32, #tpu.memory_space<vmem>>
      %dma_start3A_377 = tpu.memref_squeeze %dma_start3A_376 : memref<1x125xi32, #tpu.memory_space<vmem>> -> memref<125xi32, #tpu.memory_space<vmem>>
      %dma_start3A_378 = arith.constant 0 : i32
      %dma_start3A_379 = arith.constant 0 : i32
      %dma_start3A_380 = tpu.memref_slice %arg9[%dma_start3A_378, %dma_start3A_379] : memref<10240x64xf32, #tpu.memory_space<vmem_shared>> -> memref<10240x64xf32, #tpu.memory_space<vmem_shared>>
      tpu.enqueue_indirect_dma source(%dma_start3A_374 : memref<125x64xf32, #tpu.memory_space<vmem>>) target(%dma_start3A_380 : memref<10240x64xf32, #tpu.memory_space<vmem_shared>>) offsets(%dma_start3A_377 : memref<125xi32, #tpu.memory_space<vmem>>) semaphore(%arg24 : memref<!tpu.dma_semaphore, #tpu.memory_space<semaphore_mem>>) {add = true}
      %add3A_381 = arith.constant 7 : i32
      %add3A_382 = arith.addi %mul3A_130, %add3A_381 : i32
      %dma_wait3A_383 = arith.constant 7 : i32
      %dma_wait3A_384 = arith.constant 0 : i32
      %dma_wait3A_385 = arith.constant 0 : i32
      %dma_wait3A_386 = tpu.memref_slice %arg7[%dma_wait3A_383, %dma_wait3A_384, %dma_wait3A_385] : memref<8x125x64xf32, #tpu.memory_space<vmem>> -> memref<1x125x64xf32, #tpu.memory_space<vmem>>
      %dma_wait3A_387 = tpu.memref_squeeze %dma_wait3A_386 : memref<1x125x64xf32, #tpu.memory_space<vmem>> -> memref<125x64xf32, #tpu.memory_space<vmem>>
      %dma_wait3A_388 = arith.constant 0 : i32
      %dma_wait3A_389 = tpu.memref_slice %arg5[%add3A_382, %dma_wait3A_388] : memref<80x125xi32, #tpu.memory_space<vmem>> -> memref<1x125xi32, #tpu.memory_space<vmem>>
      %dma_wait3A_390 = tpu.memref_squeeze %dma_wait3A_389 : memref<1x125xi32, #tpu.memory_space<vmem>> -> memref<125xi32, #tpu.memory_space<vmem>>
      %dma_wait3A_391 = arith.constant 0 : i32
      %dma_wait3A_392 = arith.constant 0 : i32
      %dma_wait3A_393 = tpu.memref_slice %arg2[%dma_wait3A_391, %dma_wait3A_392] : memref<10000x64xf32, #tpu.memory_space<hbm>> -> memref<10000x64xf32, #tpu.memory_space<hbm>>
      tpu.wait_indirect_dma semaphore(%arg17 : memref<!tpu.dma_semaphore, #tpu.memory_space<semaphore_mem>>) src(%dma_wait3A_393 : memref<10000x64xf32, #tpu.memory_space<hbm>>) dst(%dma_wait3A_387 : memref<125x64xf32, #tpu.memory_space<vmem>>)
      %add3A_394 = arith.constant 7 : i32
      %add3A_395 = arith.addi %mul3A_130, %add3A_394 : i32
      %dma_start3A_396 = arith.constant 7 : i32
      %dma_start3A_397 = arith.constant 0 : i32
      %dma_start3A_398 = arith.constant 0 : i32
      %dma_start3A_399 = tpu.memref_slice %arg7[%dma_start3A_396, %dma_start3A_397, %dma_start3A_398] : memref<8x125x64xf32, #tpu.memory_space<vmem>> -> memref<1x125x64xf32, #tpu.memory_space<vmem>>
      %dma_start3A_400 = tpu.memref_squeeze %dma_start3A_399 : memref<1x125x64xf32, #tpu.memory_space<vmem>> -> memref<125x64xf32, #tpu.memory_space<vmem>>
      %dma_start3A_401 = arith.constant 0 : i32
      %dma_start3A_402 = tpu.memref_slice %arg6[%add3A_395, %dma_start3A_401] : memref<80x125xi32, #tpu.memory_space<vmem>> -> memref<1x125xi32, #tpu.memory_space<vmem>>
      %dma_start3A_403 = tpu.memref_squeeze %dma_start3A_402 : memref<1x125xi32, #tpu.memory_space<vmem>> -> memref<125xi32, #tpu.memory_space<vmem>>
      %dma_start3A_404 = arith.constant 0 : i32
      %dma_start3A_405 = arith.constant 0 : i32
      %dma_start3A_406 = tpu.memref_slice %arg9[%dma_start3A_404, %dma_start3A_405] : memref<10240x64xf32, #tpu.memory_space<vmem_shared>> -> memref<10240x64xf32, #tpu.memory_space<vmem_shared>>
      tpu.enqueue_indirect_dma source(%dma_start3A_400 : memref<125x64xf32, #tpu.memory_space<vmem>>) target(%dma_start3A_406 : memref<10240x64xf32, #tpu.memory_space<vmem_shared>>) offsets(%dma_start3A_403 : memref<125xi32, #tpu.memory_space<vmem>>) semaphore(%arg25 : memref<!tpu.dma_semaphore, #tpu.memory_space<semaphore_mem>>) {add = true}
      %add3A_407 = arith.constant 4 : i32
      %add3A_408 = arith.addi %mul3A_130, %add3A_407 : i32
      %dma_wait3A_409 = arith.constant 4 : i32
      %dma_wait3A_410 = arith.constant 0 : i32
      %dma_wait3A_411 = arith.constant 0 : i32
      %dma_wait3A_412 = tpu.memref_slice %arg7[%dma_wait3A_409, %dma_wait3A_410, %dma_wait3A_411] : memref<8x125x64xf32, #tpu.memory_space<vmem>> -> memref<1x125x64xf32, #tpu.memory_space<vmem>>
      %dma_wait3A_413 = tpu.memref_squeeze %dma_wait3A_412 : memref<1x125x64xf32, #tpu.memory_space<vmem>> -> memref<125x64xf32, #tpu.memory_space<vmem>>
      %dma_wait3A_414 = arith.constant 0 : i32
      %dma_wait3A_415 = tpu.memref_slice %arg6[%add3A_408, %dma_wait3A_414] : memref<80x125xi32, #tpu.memory_space<vmem>> -> memref<1x125xi32, #tpu.memory_space<vmem>>
      %dma_wait3A_416 = tpu.memref_squeeze %dma_wait3A_415 : memref<1x125xi32, #tpu.memory_space<vmem>> -> memref<125xi32, #tpu.memory_space<vmem>>
      %dma_wait3A_417 = arith.constant 0 : i32
      %dma_wait3A_418 = arith.constant 0 : i32
      %dma_wait3A_419 = tpu.memref_slice %arg9[%dma_wait3A_417, %dma_wait3A_418] : memref<10240x64xf32, #tpu.memory_space<vmem_shared>> -> memref<10240x64xf32, #tpu.memory_space<vmem_shared>>
      tpu.wait_indirect_dma semaphore(%arg22 : memref<!tpu.dma_semaphore, #tpu.memory_space<semaphore_mem>>) src(%dma_wait3A_413 : memref<125x64xf32, #tpu.memory_space<vmem>>) dst(%dma_wait3A_419 : memref<10240x64xf32, #tpu.memory_space<vmem_shared>>)
      %lt3A_420 = arith.constant 9 : i32
      %lt3A_421 = arith.cmpi slt, %scan3A_127, %lt3A_420 : i32
      %convert_element_type3A_422 = arith.extui %lt3A_421 : i1 to i32
      %cond3A_423 = arith.constant 0 : i32
      %cond3A_424 = arith.cmpi ne, %convert_element_type3A_422, %cond3A_423 : i32
      scf.if %cond3A_424 {
        %add3A_480 = arith.constant 8 : i32
        %add3A_481 = arith.addi %mul3A_130, %add3A_480 : i32
        %add3A_482 = arith.constant 4 : i32
        %add3A_483 = arith.addi %add3A_481, %add3A_482 : i32
        %dma_start3A_484 = arith.constant 4 : i32
        %dma_start3A_485 = arith.constant 0 : i32
        %dma_start3A_486 = arith.constant 0 : i32
        %dma_start3A_487 = tpu.memref_slice %arg7[%dma_start3A_484, %dma_start3A_485, %dma_start3A_486] : memref<8x125x64xf32, #tpu.memory_space<vmem>> -> memref<1x125x64xf32, #tpu.memory_space<vmem>>
        %dma_start3A_488 = tpu.memref_squeeze %dma_start3A_487 : memref<1x125x64xf32, #tpu.memory_space<vmem>> -> memref<125x64xf32, #tpu.memory_space<vmem>>
        %dma_start3A_489 = arith.constant 0 : i32
        %dma_start3A_490 = tpu.memref_slice %arg5[%add3A_483, %dma_start3A_489] : memref<80x125xi32, #tpu.memory_space<vmem>> -> memref<1x125xi32, #tpu.memory_space<vmem>>
        %dma_start3A_491 = tpu.memref_squeeze %dma_start3A_490 : memref<1x125xi32, #tpu.memory_space<vmem>> -> memref<125xi32, #tpu.memory_space<vmem>>
        %dma_start3A_492 = arith.constant 0 : i32
        %dma_start3A_493 = arith.constant 0 : i32
        %dma_start3A_494 = tpu.memref_slice %arg2[%dma_start3A_492, %dma_start3A_493] : memref<10000x64xf32, #tpu.memory_space<hbm>> -> memref<10000x64xf32, #tpu.memory_space<hbm>>
        tpu.enqueue_indirect_dma source(%dma_start3A_494 : memref<10000x64xf32, #tpu.memory_space<hbm>>) target(%dma_start3A_488 : memref<125x64xf32, #tpu.memory_space<vmem>>) offsets(%dma_start3A_491 : memref<125xi32, #tpu.memory_space<vmem>>) semaphore(%arg14 : memref<!tpu.dma_semaphore, #tpu.memory_space<semaphore_mem>>)
      } else {
      }
      %add3A_425 = arith.constant 5 : i32
      %add3A_426 = arith.addi %mul3A_130, %add3A_425 : i32
      %dma_wait3A_427 = arith.constant 5 : i32
      %dma_wait3A_428 = arith.constant 0 : i32
      %dma_wait3A_429 = arith.constant 0 : i32
      %dma_wait3A_430 = tpu.memref_slice %arg7[%dma_wait3A_427, %dma_wait3A_428, %dma_wait3A_429] : memref<8x125x64xf32, #tpu.memory_space<vmem>> -> memref<1x125x64xf32, #tpu.memory_space<vmem>>
      %dma_wait3A_431 = tpu.memref_squeeze %dma_wait3A_430 : memref<1x125x64xf32, #tpu.memory_space<vmem>> -> memref<125x64xf32, #tpu.memory_space<vmem>>
      %dma_wait3A_432 = arith.constant 0 : i32
      %dma_wait3A_433 = tpu.memref_slice %arg6[%add3A_426, %dma_wait3A_432] : memref<80x125xi32, #tpu.memory_space<vmem>> -> memref<1x125xi32, #tpu.memory_space<vmem>>
      %dma_wait3A_434 = tpu.memref_squeeze %dma_wait3A_433 : memref<1x125xi32, #tpu.memory_space<vmem>> -> memref<125xi32, #tpu.memory_space<vmem>>
      %dma_wait3A_435 = arith.constant 0 : i32
      %dma_wait3A_436 = arith.constant 0 : i32
      %dma_wait3A_437 = tpu.memref_slice %arg9[%dma_wait3A_435, %dma_wait3A_436] : memref<10240x64xf32, #tpu.memory_space<vmem_shared>> -> memref<10240x64xf32, #tpu.memory_space<vmem_shared>>
      tpu.wait_indirect_dma semaphore(%arg23 : memref<!tpu.dma_semaphore, #tpu.memory_space<semaphore_mem>>) src(%dma_wait3A_431 : memref<125x64xf32, #tpu.memory_space<vmem>>) dst(%dma_wait3A_437 : memref<10240x64xf32, #tpu.memory_space<vmem_shared>>)
      %lt3A_438 = arith.constant 9 : i32
      %lt3A_439 = arith.cmpi slt, %scan3A_127, %lt3A_438 : i32
      %convert_element_type3A_440 = arith.extui %lt3A_439 : i1 to i32
      %cond3A_441 = arith.constant 0 : i32
      %cond3A_442 = arith.cmpi ne, %convert_element_type3A_440, %cond3A_441 : i32
      scf.if %cond3A_442 {
        %add3A_480 = arith.constant 8 : i32
        %add3A_481 = arith.addi %mul3A_130, %add3A_480 : i32
        %add3A_482 = arith.constant 5 : i32
        %add3A_483 = arith.addi %add3A_481, %add3A_482 : i32
        %dma_start3A_484 = arith.constant 5 : i32
        %dma_start3A_485 = arith.constant 0 : i32
        %dma_start3A_486 = arith.constant 0 : i32
        %dma_start3A_487 = tpu.memref_slice %arg7[%dma_start3A_484, %dma_start3A_485, %dma_start3A_486] : memref<8x125x64xf32, #tpu.memory_space<vmem>> -> memref<1x125x64xf32, #tpu.memory_space<vmem>>
        %dma_start3A_488 = tpu.memref_squeeze %dma_start3A_487 : memref<1x125x64xf32, #tpu.memory_space<vmem>> -> memref<125x64xf32, #tpu.memory_space<vmem>>
        %dma_start3A_489 = arith.constant 0 : i32
        %dma_start3A_490 = tpu.memref_slice %arg5[%add3A_483, %dma_start3A_489] : memref<80x125xi32, #tpu.memory_space<vmem>> -> memref<1x125xi32, #tpu.memory_space<vmem>>
        %dma_start3A_491 = tpu.memref_squeeze %dma_start3A_490 : memref<1x125xi32, #tpu.memory_space<vmem>> -> memref<125xi32, #tpu.memory_space<vmem>>
        %dma_start3A_492 = arith.constant 0 : i32
        %dma_start3A_493 = arith.constant 0 : i32
        %dma_start3A_494 = tpu.memref_slice %arg2[%dma_start3A_492, %dma_start3A_493] : memref<10000x64xf32, #tpu.memory_space<hbm>> -> memref<10000x64xf32, #tpu.memory_space<hbm>>
        tpu.enqueue_indirect_dma source(%dma_start3A_494 : memref<10000x64xf32, #tpu.memory_space<hbm>>) target(%dma_start3A_488 : memref<125x64xf32, #tpu.memory_space<vmem>>) offsets(%dma_start3A_491 : memref<125xi32, #tpu.memory_space<vmem>>) semaphore(%arg15 : memref<!tpu.dma_semaphore, #tpu.memory_space<semaphore_mem>>)
      } else {
      }
      %add3A_443 = arith.constant 6 : i32
      %add3A_444 = arith.addi %mul3A_130, %add3A_443 : i32
      %dma_wait3A_445 = arith.constant 6 : i32
      %dma_wait3A_446 = arith.constant 0 : i32
      %dma_wait3A_447 = arith.constant 0 : i32
      %dma_wait3A_448 = tpu.memref_slice %arg7[%dma_wait3A_445, %dma_wait3A_446, %dma_wait3A_447] : memref<8x125x64xf32, #tpu.memory_space<vmem>> -> memref<1x125x64xf32, #tpu.memory_space<vmem>>
      %dma_wait3A_449 = tpu.memref_squeeze %dma_wait3A_448 : memref<1x125x64xf32, #tpu.memory_space<vmem>> -> memref<125x64xf32, #tpu.memory_space<vmem>>
      %dma_wait3A_450 = arith.constant 0 : i32
      %dma_wait3A_451 = tpu.memref_slice %arg6[%add3A_444, %dma_wait3A_450] : memref<80x125xi32, #tpu.memory_space<vmem>> -> memref<1x125xi32, #tpu.memory_space<vmem>>
      %dma_wait3A_452 = tpu.memref_squeeze %dma_wait3A_451 : memref<1x125xi32, #tpu.memory_space<vmem>> -> memref<125xi32, #tpu.memory_space<vmem>>
      %dma_wait3A_453 = arith.constant 0 : i32
      %dma_wait3A_454 = arith.constant 0 : i32
      %dma_wait3A_455 = tpu.memref_slice %arg9[%dma_wait3A_453, %dma_wait3A_454] : memref<10240x64xf32, #tpu.memory_space<vmem_shared>> -> memref<10240x64xf32, #tpu.memory_space<vmem_shared>>
      tpu.wait_indirect_dma semaphore(%arg24 : memref<!tpu.dma_semaphore, #tpu.memory_space<semaphore_mem>>) src(%dma_wait3A_449 : memref<125x64xf32, #tpu.memory_space<vmem>>) dst(%dma_wait3A_455 : memref<10240x64xf32, #tpu.memory_space<vmem_shared>>)
      %lt3A_456 = arith.constant 9 : i32
      %lt3A_457 = arith.cmpi slt, %scan3A_127, %lt3A_456 : i32
      %convert_element_type3A_458 = arith.extui %lt3A_457 : i1 to i32
      %cond3A_459 = arith.constant 0 : i32
      %cond3A_460 = arith.cmpi ne, %convert_element_type3A_458, %cond3A_459 : i32
      scf.if %cond3A_460 {
        %add3A_480 = arith.constant 8 : i32
        %add3A_481 = arith.addi %mul3A_130, %add3A_480 : i32
        %add3A_482 = arith.constant 6 : i32
        %add3A_483 = arith.addi %add3A_481, %add3A_482 : i32
        %dma_start3A_484 = arith.constant 6 : i32
        %dma_start3A_485 = arith.constant 0 : i32
        %dma_start3A_486 = arith.constant 0 : i32
        %dma_start3A_487 = tpu.memref_slice %arg7[%dma_start3A_484, %dma_start3A_485, %dma_start3A_486] : memref<8x125x64xf32, #tpu.memory_space<vmem>> -> memref<1x125x64xf32, #tpu.memory_space<vmem>>
        %dma_start3A_488 = tpu.memref_squeeze %dma_start3A_487 : memref<1x125x64xf32, #tpu.memory_space<vmem>> -> memref<125x64xf32, #tpu.memory_space<vmem>>
        %dma_start3A_489 = arith.constant 0 : i32
        %dma_start3A_490 = tpu.memref_slice %arg5[%add3A_483, %dma_start3A_489] : memref<80x125xi32, #tpu.memory_space<vmem>> -> memref<1x125xi32, #tpu.memory_space<vmem>>
        %dma_start3A_491 = tpu.memref_squeeze %dma_start3A_490 : memref<1x125xi32, #tpu.memory_space<vmem>> -> memref<125xi32, #tpu.memory_space<vmem>>
        %dma_start3A_492 = arith.constant 0 : i32
        %dma_start3A_493 = arith.constant 0 : i32
        %dma_start3A_494 = tpu.memref_slice %arg2[%dma_start3A_492, %dma_start3A_493] : memref<10000x64xf32, #tpu.memory_space<hbm>> -> memref<10000x64xf32, #tpu.memory_space<hbm>>
        tpu.enqueue_indirect_dma source(%dma_start3A_494 : memref<10000x64xf32, #tpu.memory_space<hbm>>) target(%dma_start3A_488 : memref<125x64xf32, #tpu.memory_space<vmem>>) offsets(%dma_start3A_491 : memref<125xi32, #tpu.memory_space<vmem>>) semaphore(%arg16 : memref<!tpu.dma_semaphore, #tpu.memory_space<semaphore_mem>>)
      } else {
      }
      %add3A_461 = arith.constant 7 : i32
      %add3A_462 = arith.addi %mul3A_130, %add3A_461 : i32
      %dma_wait3A_463 = arith.constant 7 : i32
      %dma_wait3A_464 = arith.constant 0 : i32
      %dma_wait3A_465 = arith.constant 0 : i32
      %dma_wait3A_466 = tpu.memref_slice %arg7[%dma_wait3A_463, %dma_wait3A_464, %dma_wait3A_465] : memref<8x125x64xf32, #tpu.memory_space<vmem>> -> memref<1x125x64xf32, #tpu.memory_space<vmem>>
      %dma_wait3A_467 = tpu.memref_squeeze %dma_wait3A_466 : memref<1x125x64xf32, #tpu.memory_space<vmem>> -> memref<125x64xf32, #tpu.memory_space<vmem>>
      %dma_wait3A_468 = arith.constant 0 : i32
      %dma_wait3A_469 = tpu.memref_slice %arg6[%add3A_462, %dma_wait3A_468] : memref<80x125xi32, #tpu.memory_space<vmem>> -> memref<1x125xi32, #tpu.memory_space<vmem>>
      %dma_wait3A_470 = tpu.memref_squeeze %dma_wait3A_469 : memref<1x125xi32, #tpu.memory_space<vmem>> -> memref<125xi32, #tpu.memory_space<vmem>>
      %dma_wait3A_471 = arith.constant 0 : i32
      %dma_wait3A_472 = arith.constant 0 : i32
      %dma_wait3A_473 = tpu.memref_slice %arg9[%dma_wait3A_471, %dma_wait3A_472] : memref<10240x64xf32, #tpu.memory_space<vmem_shared>> -> memref<10240x64xf32, #tpu.memory_space<vmem_shared>>
      tpu.wait_indirect_dma semaphore(%arg25 : memref<!tpu.dma_semaphore, #tpu.memory_space<semaphore_mem>>) src(%dma_wait3A_467 : memref<125x64xf32, #tpu.memory_space<vmem>>) dst(%dma_wait3A_473 : memref<10240x64xf32, #tpu.memory_space<vmem_shared>>)
      %lt3A_474 = arith.constant 9 : i32
      %lt3A_475 = arith.cmpi slt, %scan3A_127, %lt3A_474 : i32
      %convert_element_type3A_476 = arith.extui %lt3A_475 : i1 to i32
      %cond3A_477 = arith.constant 0 : i32
      %cond3A_478 = arith.cmpi ne, %convert_element_type3A_476, %cond3A_477 : i32
      scf.if %cond3A_478 {
        %add3A_480 = arith.constant 8 : i32
        %add3A_481 = arith.addi %mul3A_130, %add3A_480 : i32
        %add3A_482 = arith.constant 7 : i32
        %add3A_483 = arith.addi %add3A_481, %add3A_482 : i32
        %dma_start3A_484 = arith.constant 7 : i32
        %dma_start3A_485 = arith.constant 0 : i32
        %dma_start3A_486 = arith.constant 0 : i32
        %dma_start3A_487 = tpu.memref_slice %arg7[%dma_start3A_484, %dma_start3A_485, %dma_start3A_486] : memref<8x125x64xf32, #tpu.memory_space<vmem>> -> memref<1x125x64xf32, #tpu.memory_space<vmem>>
        %dma_start3A_488 = tpu.memref_squeeze %dma_start3A_487 : memref<1x125x64xf32, #tpu.memory_space<vmem>> -> memref<125x64xf32, #tpu.memory_space<vmem>>
        %dma_start3A_489 = arith.constant 0 : i32
        %dma_start3A_490 = tpu.memref_slice %arg5[%add3A_483, %dma_start3A_489] : memref<80x125xi32, #tpu.memory_space<vmem>> -> memref<1x125xi32, #tpu.memory_space<vmem>>
        %dma_start3A_491 = tpu.memref_squeeze %dma_start3A_490 : memref<1x125xi32, #tpu.memory_space<vmem>> -> memref<125xi32, #tpu.memory_space<vmem>>
        %dma_start3A_492 = arith.constant 0 : i32
        %dma_start3A_493 = arith.constant 0 : i32
        %dma_start3A_494 = tpu.memref_slice %arg2[%dma_start3A_492, %dma_start3A_493] : memref<10000x64xf32, #tpu.memory_space<hbm>> -> memref<10000x64xf32, #tpu.memory_space<hbm>>
        tpu.enqueue_indirect_dma source(%dma_start3A_494 : memref<10000x64xf32, #tpu.memory_space<hbm>>) target(%dma_start3A_488 : memref<125x64xf32, #tpu.memory_space<vmem>>) offsets(%dma_start3A_491 : memref<125xi32, #tpu.memory_space<vmem>>) semaphore(%arg17 : memref<!tpu.dma_semaphore, #tpu.memory_space<semaphore_mem>>)
      } else {
      }
      %scan3A_479 = arith.constant 0 : i32
      scf.yield %scan3A_479 : i32
    }
    %scan3A_121 = arith.constant 10 : i32
    %barrier3A_122 = arith.constant 0 : index
    tpu.barrier barrier_id(%barrier3A_122)
    %mul3A_123 = arith.constant 625 : i32
    %mul3A_124 = arith.muli %arg1, %mul3A_123 : i32
    %mul3A_125 = arith.constant 625 : i32
    %mul3A_126 = arith.muli %arg1, %mul3A_125 : i32
    "tpu.region"() ({
      %run_scoped3A_127 = tpu.sem_alloc : memref<!tpu.dma_semaphore, #tpu.memory_space<semaphore_mem>>
      %dma_start3A_128 = arith.constant 0 : i32
      %dma_start3A_129 = tpu.memref_slice %arg4[%arg0, %mul3A_126, %dma_start3A_128] : memref<2x10000x64xf32, #tpu.memory_space<hbm>> -> memref<1x625x64xf32, #tpu.memory_space<hbm>>
      %dma_start3A_130 = tpu.memref_squeeze %dma_start3A_129 : memref<1x625x64xf32, #tpu.memory_space<hbm>> -> memref<625x64xf32, #tpu.memory_space<hbm>>
      %dma_start3A_131 = arith.constant 0 : i32
      %dma_start3A_132 = tpu.memref_slice %arg9[%mul3A_124, %dma_start3A_131] : memref<10240x64xf32, #tpu.memory_space<vmem_shared>> -> memref<625x64xf32, #tpu.memory_space<vmem_shared>>
      tpu.enqueue_dma source(%dma_start3A_132 : memref<625x64xf32, #tpu.memory_space<vmem_shared>>) target(%dma_start3A_130 : memref<625x64xf32, #tpu.memory_space<hbm>>) target_semaphore(%run_scoped3A_127 : memref<!tpu.dma_semaphore, #tpu.memory_space<semaphore_mem>>)
      %dma_wait3A = arith.constant 0 : i32
      %dma_wait3A_133 = tpu.memref_slice %arg4[%arg0, %mul3A_126, %dma_wait3A] : memref<2x10000x64xf32, #tpu.memory_space<hbm>> -> memref<1x625x64xf32, #tpu.memory_space<hbm>>
      %dma_wait3A_134 = tpu.memref_squeeze %dma_wait3A_133 : memref<1x625x64xf32, #tpu.memory_space<hbm>> -> memref<625x64xf32, #tpu.memory_space<hbm>>
      %dma_wait3A_135 = arith.constant 0 : i32
      %dma_wait3A_136 = tpu.memref_slice %arg9[%mul3A_124, %dma_wait3A_135] : memref<10240x64xf32, #tpu.memory_space<vmem_shared>> -> memref<625x64xf32, #tpu.memory_space<vmem_shared>>
      tpu.wait_dma2 semaphore(%run_scoped3A_127 : memref<!tpu.dma_semaphore, #tpu.memory_space<semaphore_mem>>) src(%dma_wait3A_136 : memref<625x64xf32, #tpu.memory_space<vmem_shared>>) dst(%dma_wait3A_134 : memref<625x64xf32, #tpu.memory_space<hbm>>)
      tpu.yield
    }) : () -> ()
    return
  }
}

#map = affine_map<(d0, d1) -> (0, 0)>
#map1 = affine_map<(d0, d1) -> (0, 0, 0)>
module attributes {stable_mosaic.version = 14 : i64} {
  func.func @_sc_aggregate(%arg0: i32, %arg1: i32, %arg2: memref<10000x64xf32, #tpu.memory_space<hbm>>, %arg3: memref<2x2560x125xi32, #tpu.memory_space<hbm>>, %arg4: memref<2x10000x64xf32, #tpu.memory_space<hbm>>, %arg5: memref<80x125xi32, #tpu.memory_space<vmem>>, %arg6: memref<80x125xi32, #tpu.memory_space<vmem>>, %arg7: memref<8x125x64xf32, #tpu.memory_space<vmem>>, %arg8: memref<64x64xf32, #tpu.memory_space<vmem>>, %arg9: memref<10240x64xf32, #tpu.memory_space<vmem_shared>>, %arg10: memref<!tpu.dma_semaphore, #tpu.memory_space<semaphore_mem>>, %arg11: memref<!tpu.dma_semaphore, #tpu.memory_space<semaphore_mem>>, %arg12: memref<!tpu.dma_semaphore, #tpu.memory_space<semaphore_mem>>, %arg13: memref<!tpu.dma_semaphore, #tpu.memory_space<semaphore_mem>>, %arg14: memref<!tpu.dma_semaphore, #tpu.memory_space<semaphore_mem>>, %arg15: memref<!tpu.dma_semaphore, #tpu.memory_space<semaphore_mem>>, %arg16: memref<!tpu.dma_semaphore, #tpu.memory_space<semaphore_mem>>, %arg17: memref<!tpu.dma_semaphore, #tpu.memory_space<semaphore_mem>>, %arg18: memref<!tpu.dma_semaphore, #tpu.memory_space<semaphore_mem>>, %arg19: memref<!tpu.dma_semaphore, #tpu.memory_space<semaphore_mem>>, %arg20: memref<!tpu.dma_semaphore, #tpu.memory_space<semaphore_mem>>, %arg21: memref<!tpu.dma_semaphore, #tpu.memory_space<semaphore_mem>>, %arg22: memref<!tpu.dma_semaphore, #tpu.memory_space<semaphore_mem>>, %arg23: memref<!tpu.dma_semaphore, #tpu.memory_space<semaphore_mem>>, %arg24: memref<!tpu.dma_semaphore, #tpu.memory_space<semaphore_mem>>, %arg25: memref<!tpu.dma_semaphore, #tpu.memory_space<semaphore_mem>>) attributes {dimension_semantics = [#tpu.dimension_semantics<core_parallel>, #tpu.dimension_semantics<subcore_parallel>], iteration_bounds = array<i64: 2, 16>, scalar_prefetch = 0 : i64, scratch_operands = 21 : i64, tpu.core_type = #tpu.core_type<sc_vector_subcore>, window_params = [{transform_indices = #map}, {transform_indices = #map1}, {transform_indices = #map1}]} {
    %mul3A = arith.constant 2 : i32
    %mul3A_0 = arith.muli %arg1, %mul3A : i32
    %add3A = arith.addi %mul3A_0, %arg0 : i32
    %broadcast_in_dim3A = arith.constant 0.000000e+00 : f32
    %broadcast_in_dim3A_1 = vector.broadcast %broadcast_in_dim3A : f32 to vector<16xf32>
    %scan3A = arith.constant 0 : i32
    %scan3A_2 = arith.constant 0 : i32
    %scan3A_3 = arith.constant 64 : i32
    %scan3A_4 = arith.addi %scan3A_2, %scan3A_3 : i32
    %scan3A_5 = arith.constant 1 : i32
    %scan3A_6 = scf.for %scan3A_127 = %scan3A_2 to %scan3A_4 step %scan3A_5 iter_args(%scan3A_128 = %scan3A) -> (i32)  : i32 {
      %swap3A = arith.index_cast %scan3A_127 : i32 to index
      %swap3A_129 = arith.constant 0 : index
      %swap3A_130 = tpu.vector_load %arg8[%swap3A, %swap3A_129] {strides = array<i32>} : memref<64x64xf32, #tpu.memory_space<vmem>>, vector<1x16xf32>,
      %swap3A_131 = vector.shape_cast %swap3A_130 : vector<1x16xf32> to vector<16xf32>
      %swap3A_132 = vector.shape_cast %broadcast_in_dim3A_1 : vector<16xf32> to vector<1x16xf32>
      tpu.vector_store %arg8[%swap3A, %swap3A_129], %swap3A_132 {strides = array<i32>} : memref<64x64xf32, #tpu.memory_space<vmem>>, vector<1x16xf32>,
      %swap3A_133 = arith.index_cast %scan3A_127 : i32 to index
      %swap3A_134 = arith.constant 16 : index
      %swap3A_135 = tpu.vector_load %arg8[%swap3A_133, %swap3A_134] {strides = array<i32>} : memref<64x64xf32, #tpu.memory_space<vmem>>, vector<1x16xf32>,
      %swap3A_136 = vector.shape_cast %swap3A_135 : vector<1x16xf32> to vector<16xf32>
      %swap3A_137 = vector.shape_cast %broadcast_in_dim3A_1 : vector<16xf32> to vector<1x16xf32>
      tpu.vector_store %arg8[%swap3A_133, %swap3A_134], %swap3A_137 {strides = array<i32>} : memref<64x64xf32, #tpu.memory_space<vmem>>, vector<1x16xf32>,
      %swap3A_138 = arith.index_cast %scan3A_127 : i32 to index
      %swap3A_139 = arith.constant 32 : index
      %swap3A_140 = tpu.vector_load %arg8[%swap3A_138, %swap3A_139] {strides = array<i32>} : memref<64x64xf32, #tpu.memory_space<vmem>>, vector<1x16xf32>,
      %swap3A_141 = vector.shape_cast %swap3A_140 : vector<1x16xf32> to vector<16xf32>
      %swap3A_142 = vector.shape_cast %broadcast_in_dim3A_1 : vector<16xf32> to vector<1x16xf32>
      tpu.vector_store %arg8[%swap3A_138, %swap3A_139], %swap3A_142 {strides = array<i32>} : memref<64x64xf32, #tpu.memory_space<vmem>>, vector<1x16xf32>,
      %swap3A_143 = arith.index_cast %scan3A_127 : i32 to index
      %swap3A_144 = arith.constant 48 : index
      %swap3A_145 = tpu.vector_load %arg8[%swap3A_143, %swap3A_144] {strides = array<i32>} : memref<64x64xf32, #tpu.memory_space<vmem>>, vector<1x16xf32>,
      %swap3A_146 = vector.shape_cast %swap3A_145 : vector<1x16xf32> to vector<16xf32>
      %swap3A_147 = vector.shape_cast %broadcast_in_dim3A_1 : vector<16xf32> to vector<1x16xf32>
      tpu.vector_store %arg8[%swap3A_143, %swap3A_144], %swap3A_147 {strides = array<i32>} : memref<64x64xf32, #tpu.memory_space<vmem>>, vector<1x16xf32>,
      %scan3A_148 = arith.constant 0 : i32
      scf.yield %scan3A_148 : i32
    }
    %scan3A_7 = arith.constant 64 : i32
    %scan3A_8 = arith.constant 0 : i32
    %scan3A_9 = arith.constant 0 : i32
    %scan3A_10 = arith.constant 10 : i32
    %scan3A_11 = arith.addi %scan3A_9, %scan3A_10 : i32
    %scan3A_12 = arith.constant 1 : i32
    %scan3A_13 = scf.for %scan3A_127 = %scan3A_9 to %scan3A_11 step %scan3A_12 iter_args(%scan3A_128 = %scan3A_8) -> (i32)  : i32 {
      %mul3A_129 = arith.constant 640 : i32
      %mul3A_130 = arith.muli %arg1, %mul3A_129 : i32
      %mul3A_131 = arith.constant 64 : i32
      %mul3A_132 = arith.muli %scan3A_127, %mul3A_131 : i32
      %add3A_133 = arith.addi %mul3A_130, %mul3A_132 : i32
      "tpu.region"() ({
        %run_scoped3A_135 = tpu.sem_alloc : memref<!tpu.dma_semaphore, #tpu.memory_space<semaphore_mem>>
        %dma_start3A_136 = arith.constant 0 : i32
        %dma_start3A_137 = tpu.memref_slice %arg9[%add3A_133, %dma_start3A_136] : memref<10240x64xf32, #tpu.memory_space<vmem_shared>> -> memref<64x64xf32, #tpu.memory_space<vmem_shared>>
        %dma_start3A_138 = arith.constant 0 : i32
        %dma_start3A_139 = tpu.memref_slice %arg9[%add3A_133, %dma_start3A_138] : memref<10240x64xf32, #tpu.memory_space<vmem_shared>> -> memref<64x64xf32, #tpu.memory_space<vmem_shared>>
        tpu.enqueue_dma source(%arg8 : memref<64x64xf32, #tpu.memory_space<vmem>>) target(%dma_start3A_139 : memref<64x64xf32, #tpu.memory_space<vmem_shared>>) target_semaphore(%run_scoped3A_135 : memref<!tpu.dma_semaphore, #tpu.memory_space<semaphore_mem>>)
        %dma_wait3A = arith.constant 0 : i32
        %dma_wait3A_140 = tpu.memref_slice %arg9[%add3A_133, %dma_wait3A] : memref<10240x64xf32, #tpu.memory_space<vmem_shared>> -> memref<64x64xf32, #tpu.memory_space<vmem_shared>>
        %dma_wait3A_141 = arith.constant 0 : i32
        %dma_wait3A_142 = tpu.memref_slice %arg9[%add3A_133, %dma_wait3A_141] : memref<10240x64xf32, #tpu.memory_space<vmem_shared>> -> memref<64x64xf32, #tpu.memory_space<vmem_shared>>
        tpu.wait_dma2 semaphore(%run_scoped3A_135 : memref<!tpu.dma_semaphore, #tpu.memory_space<semaphore_mem>>) src(%arg8 : memref<64x64xf32, #tpu.memory_space<vmem>>) dst(%dma_wait3A_142 : memref<64x64xf32, #tpu.memory_space<vmem_shared>>)
        tpu.yield
      }) : () -> ()
      %scan3A_134 = arith.constant 0 : i32
      scf.yield %scan3A_134 : i32
    }
    %scan3A_14 = arith.constant 10 : i32
    %mul3A_15 = arith.constant 80 : i32
    %mul3A_16 = arith.muli %add3A, %mul3A_15 : i32
    %run_scoped3A = arith.constant 0 : i32
    "tpu.region"() ({
      %run_scoped3A_127 = tpu.sem_alloc : memref<!tpu.dma_semaphore, #tpu.memory_space<semaphore_mem>>
      %dma_start3A_128 = arith.constant 0 : i32
      %dma_start3A_129 = tpu.memref_slice %arg3[%run_scoped3A, %mul3A_16, %dma_start3A_128] : memref<2x2560x125xi32, #tpu.memory_space<hbm>> -> memref<1x80x125xi32, #tpu.memory_space<hbm>>
      %dma_start3A_130 = tpu.memref_squeeze %dma_start3A_129 : memref<1x80x125xi32, #tpu.memory_space<hbm>> -> memref<80x125xi32, #tpu.memory_space<hbm>>
      %dma_start3A_131 = arith.constant 0 : i32
      %dma_start3A_132 = tpu.memref_slice %arg3[%run_scoped3A, %mul3A_16, %dma_start3A_131] : memref<2x2560x125xi32, #tpu.memory_space<hbm>> -> memref<1x80x125xi32, #tpu.memory_space<hbm>>
      %dma_start3A_133 = tpu.memref_squeeze %dma_start3A_132 : memref<1x80x125xi32, #tpu.memory_space<hbm>> -> memref<80x125xi32, #tpu.memory_space<hbm>>
      tpu.enqueue_dma source(%dma_start3A_133 : memref<80x125xi32, #tpu.memory_space<hbm>>) target(%arg5 : memref<80x125xi32, #tpu.memory_space<vmem>>) target_semaphore(%run_scoped3A_127 : memref<!tpu.dma_semaphore, #tpu.memory_space<semaphore_mem>>)
      %dma_wait3A = arith.constant 0 : i32
      %dma_wait3A_134 = tpu.memref_slice %arg3[%run_scoped3A, %mul3A_16, %dma_wait3A] : memref<2x2560x125xi32, #tpu.memory_space<hbm>> -> memref<1x80x125xi32, #tpu.memory_space<hbm>>
      %dma_wait3A_135 = tpu.memref_squeeze %dma_wait3A_134 : memref<1x80x125xi32, #tpu.memory_space<hbm>> -> memref<80x125xi32, #tpu.memory_space<hbm>>
      %dma_wait3A_136 = arith.constant 0 : i32
      %dma_wait3A_137 = tpu.memref_slice %arg3[%run_scoped3A, %mul3A_16, %dma_wait3A_136] : memref<2x2560x125xi32, #tpu.memory_space<hbm>> -> memref<1x80x125xi32, #tpu.memory_space<hbm>>
      %dma_wait3A_138 = tpu.memref_squeeze %dma_wait3A_137 : memref<1x80x125xi32, #tpu.memory_space<hbm>> -> memref<80x125xi32, #tpu.memory_space<hbm>>
      tpu.wait_dma2 semaphore(%run_scoped3A_127 : memref<!tpu.dma_semaphore, #tpu.memory_space<semaphore_mem>>) src(%dma_wait3A_138 : memref<80x125xi32, #tpu.memory_space<hbm>>) dst(%arg5 : memref<80x125xi32, #tpu.memory_space<vmem>>)
      tpu.yield
    }) : () -> ()
    %mul3A_17 = arith.constant 80 : i32
    %mul3A_18 = arith.muli %add3A, %mul3A_17 : i32
    %run_scoped3A_19 = arith.constant 1 : i32
    "tpu.region"() ({
      %run_scoped3A_127 = tpu.sem_alloc : memref<!tpu.dma_semaphore, #tpu.memory_space<semaphore_mem>>
      %dma_start3A_128 = arith.constant 0 : i32
      %dma_start3A_129 = tpu.memref_slice %arg3[%run_scoped3A_19, %mul3A_18, %dma_start3A_128] : memref<2x2560x125xi32, #tpu.memory_space<hbm>> -> memref<1x80x125xi32, #tpu.memory_space<hbm>>
      %dma_start3A_130 = tpu.memref_squeeze %dma_start3A_129 : memref<1x80x125xi32, #tpu.memory_space<hbm>> -> memref<80x125xi32, #tpu.memory_space<hbm>>
      %dma_start3A_131 = arith.constant 0 : i32
      %dma_start3A_132 = tpu.memref_slice %arg3[%run_scoped3A_19, %mul3A_18, %dma_start3A_131] : memref<2x2560x125xi32, #tpu.memory_space<hbm>> -> memref<1x80x125xi32, #tpu.memory_space<hbm>>
      %dma_start3A_133 = tpu.memref_squeeze %dma_start3A_132 : memref<1x80x125xi32, #tpu.memory_space<hbm>> -> memref<80x125xi32, #tpu.memory_space<hbm>>
      tpu.enqueue_dma source(%dma_start3A_133 : memref<80x125xi32, #tpu.memory_space<hbm>>) target(%arg6 : memref<80x125xi32, #tpu.memory_space<vmem>>) target_semaphore(%run_scoped3A_127 : memref<!tpu.dma_semaphore, #tpu.memory_space<semaphore_mem>>)
      %dma_wait3A = arith.constant 0 : i32
      %dma_wait3A_134 = tpu.memref_slice %arg3[%run_scoped3A_19, %mul3A_18, %dma_wait3A] : memref<2x2560x125xi32, #tpu.memory_space<hbm>> -> memref<1x80x125xi32, #tpu.memory_space<hbm>>
      %dma_wait3A_135 = tpu.memref_squeeze %dma_wait3A_134 : memref<1x80x125xi32, #tpu.memory_space<hbm>> -> memref<80x125xi32, #tpu.memory_space<hbm>>
      %dma_wait3A_136 = arith.constant 0 : i32
      %dma_wait3A_137 = tpu.memref_slice %arg3[%run_scoped3A_19, %mul3A_18, %dma_wait3A_136] : memref<2x2560x125xi32, #tpu.memory_space<hbm>> -> memref<1x80x125xi32, #tpu.memory_space<hbm>>
      %dma_wait3A_138 = tpu.memref_squeeze %dma_wait3A_137 : memref<1x80x125xi32, #tpu.memory_space<hbm>> -> memref<80x125xi32, #tpu.memory_space<hbm>>
      tpu.wait_dma2 semaphore(%run_scoped3A_127 : memref<!tpu.dma_semaphore, #tpu.memory_space<semaphore_mem>>) src(%dma_wait3A_138 : memref<80x125xi32, #tpu.memory_space<hbm>>) dst(%arg6 : memref<80x125xi32, #tpu.memory_space<vmem>>)
      tpu.yield
    }) : () -> ()
    %barrier3A = arith.constant 0 : index
    tpu.barrier barrier_id(%barrier3A)
    %dma_start3A = arith.constant 0 : i32
    %dma_start3A_20 = arith.constant 0 : i32
    %dma_start3A_21 = arith.constant 0 : i32
    %dma_start3A_22 = arith.constant 0 : i32
    %dma_start3A_23 = tpu.memref_slice %arg7[%dma_start3A_20, %dma_start3A_21, %dma_start3A_22] : memref<8x125x64xf32, #tpu.memory_space<vmem>> -> memref<1x125x64xf32, #tpu.memory_space<vmem>>
    %dma_start3A_24 = tpu.memref_squeeze %dma_start3A_23 : memref<1x125x64xf32, #tpu.memory_space<vmem>> -> memref<125x64xf32, #tpu.memory_space<vmem>>
    %dma_start3A_25 = arith.constant 0 : i32
    %dma_start3A_26 = tpu.memref_slice %arg5[%dma_start3A, %dma_start3A_25] : memref<80x125xi32, #tpu.memory_space<vmem>> -> memref<1x125xi32, #tpu.memory_space<vmem>>
    %dma_start3A_27 = tpu.memref_squeeze %dma_start3A_26 : memref<1x125xi32, #tpu.memory_space<vmem>> -> memref<125xi32, #tpu.memory_space<vmem>>
    %dma_start3A_28 = arith.constant 0 : i32
    %dma_start3A_29 = arith.constant 0 : i32
    %dma_start3A_30 = tpu.memref_slice %arg2[%dma_start3A_28, %dma_start3A_29] : memref<10000x64xf32, #tpu.memory_space<hbm>> -> memref<10000x64xf32, #tpu.memory_space<hbm>>
    tpu.enqueue_indirect_dma source(%dma_start3A_30 : memref<10000x64xf32, #tpu.memory_space<hbm>>) target(%dma_start3A_24 : memref<125x64xf32, #tpu.memory_space<vmem>>) offsets(%dma_start3A_27 : memref<125xi32, #tpu.memory_space<vmem>>) semaphore(%arg10 : memref<!tpu.dma_semaphore, #tpu.memory_space<semaphore_mem>>)
    %dma_start3A_31 = arith.constant 1 : i32
    %dma_start3A_32 = arith.constant 1 : i32
    %dma_start3A_33 = arith.constant 0 : i32
    %dma_start3A_34 = arith.constant 0 : i32
    %dma_start3A_35 = tpu.memref_slice %arg7[%dma_start3A_32, %dma_start3A_33, %dma_start3A_34] : memref<8x125x64xf32, #tpu.memory_space<vmem>> -> memref<1x125x64xf32, #tpu.memory_space<vmem>>
    %dma_start3A_36 = tpu.memref_squeeze %dma_start3A_35 : memref<1x125x64xf32, #tpu.memory_space<vmem>> -> memref<125x64xf32, #tpu.memory_space<vmem>>
    %dma_start3A_37 = arith.constant 0 : i32
    %dma_start3A_38 = tpu.memref_slice %arg5[%dma_start3A_31, %dma_start3A_37] : memref<80x125xi32, #tpu.memory_space<vmem>> -> memref<1x125xi32, #tpu.memory_space<vmem>>
    %dma_start3A_39 = tpu.memref_squeeze %dma_start3A_38 : memref<1x125xi32, #tpu.memory_space<vmem>> -> memref<125xi32, #tpu.memory_space<vmem>>
    %dma_start3A_40 = arith.constant 0 : i32
    %dma_start3A_41 = arith.constant 0 : i32
    %dma_start3A_42 = tpu.memref_slice %arg2[%dma_start3A_40, %dma_start3A_41] : memref<10000x64xf32, #tpu.memory_space<hbm>> -> memref<10000x64xf32, #tpu.memory_space<hbm>>
    tpu.enqueue_indirect_dma source(%dma_start3A_42 : memref<10000x64xf32, #tpu.memory_space<hbm>>) target(%dma_start3A_36 : memref<125x64xf32, #tpu.memory_space<vmem>>) offsets(%dma_start3A_39 : memref<125xi32, #tpu.memory_space<vmem>>) semaphore(%arg11 : memref<!tpu.dma_semaphore, #tpu.memory_space<semaphore_mem>>)
    %dma_start3A_43 = arith.constant 2 : i32
    %dma_start3A_44 = arith.constant 2 : i32
    %dma_start3A_45 = arith.constant 0 : i32
    %dma_start3A_46 = arith.constant 0 : i32
    %dma_start3A_47 = tpu.memref_slice %arg7[%dma_start3A_44, %dma_start3A_45, %dma_start3A_46] : memref<8x125x64xf32, #tpu.memory_space<vmem>> -> memref<1x125x64xf32, #tpu.memory_space<vmem>>
    %dma_start3A_48 = tpu.memref_squeeze %dma_start3A_47 : memref<1x125x64xf32, #tpu.memory_space<vmem>> -> memref<125x64xf32, #tpu.memory_space<vmem>>
    %dma_start3A_49 = arith.constant 0 : i32
    %dma_start3A_50 = tpu.memref_slice %arg5[%dma_start3A_43, %dma_start3A_49] : memref<80x125xi32, #tpu.memory_space<vmem>> -> memref<1x125xi32, #tpu.memory_space<vmem>>
    %dma_start3A_51 = tpu.memref_squeeze %dma_start3A_50 : memref<1x125xi32, #tpu.memory_space<vmem>> -> memref<125xi32, #tpu.memory_space<vmem>>
    %dma_start3A_52 = arith.constant 0 : i32
    %dma_start3A_53 = arith.constant 0 : i32
    %dma_start3A_54 = tpu.memref_slice %arg2[%dma_start3A_52, %dma_start3A_53] : memref<10000x64xf32, #tpu.memory_space<hbm>> -> memref<10000x64xf32, #tpu.memory_space<hbm>>
    tpu.enqueue_indirect_dma source(%dma_start3A_54 : memref<10000x64xf32, #tpu.memory_space<hbm>>) target(%dma_start3A_48 : memref<125x64xf32, #tpu.memory_space<vmem>>) offsets(%dma_start3A_51 : memref<125xi32, #tpu.memory_space<vmem>>) semaphore(%arg12 : memref<!tpu.dma_semaphore, #tpu.memory_space<semaphore_mem>>)
    %dma_start3A_55 = arith.constant 3 : i32
    %dma_start3A_56 = arith.constant 3 : i32
    %dma_start3A_57 = arith.constant 0 : i32
    %dma_start3A_58 = arith.constant 0 : i32
    %dma_start3A_59 = tpu.memref_slice %arg7[%dma_start3A_56, %dma_start3A_57, %dma_start3A_58] : memref<8x125x64xf32, #tpu.memory_space<vmem>> -> memref<1x125x64xf32, #tpu.memory_space<vmem>>
    %dma_start3A_60 = tpu.memref_squeeze %dma_start3A_59 : memref<1x125x64xf32, #tpu.memory_space<vmem>> -> memref<125x64xf32, #tpu.memory_space<vmem>>
    %dma_start3A_61 = arith.constant 0 : i32
    %dma_start3A_62 = tpu.memref_slice %arg5[%dma_start3A_55, %dma_start3A_61] : memref<80x125xi32, #tpu.memory_space<vmem>> -> memref<1x125xi32, #tpu.memory_space<vmem>>
    %dma_start3A_63 = tpu.memref_squeeze %dma_start3A_62 : memref<1x125xi32, #tpu.memory_space<vmem>> -> memref<125xi32, #tpu.memory_space<vmem>>
    %dma_start3A_64 = arith.constant 0 : i32
    %dma_start3A_65 = arith.constant 0 : i32
    %dma_start3A_66 = tpu.memref_slice %arg2[%dma_start3A_64, %dma_start3A_65] : memref<10000x64xf32, #tpu.memory_space<hbm>> -> memref<10000x64xf32, #tpu.memory_space<hbm>>
    tpu.enqueue_indirect_dma source(%dma_start3A_66 : memref<10000x64xf32, #tpu.memory_space<hbm>>) target(%dma_start3A_60 : memref<125x64xf32, #tpu.memory_space<vmem>>) offsets(%dma_start3A_63 : memref<125xi32, #tpu.memory_space<vmem>>) semaphore(%arg13 : memref<!tpu.dma_semaphore, #tpu.memory_space<semaphore_mem>>)
    %dma_start3A_67 = arith.constant 4 : i32
    %dma_start3A_68 = arith.constant 4 : i32
    %dma_start3A_69 = arith.constant 0 : i32
    %dma_start3A_70 = arith.constant 0 : i32
    %dma_start3A_71 = tpu.memref_slice %arg7[%dma_start3A_68, %dma_start3A_69, %dma_start3A_70] : memref<8x125x64xf32, #tpu.memory_space<vmem>> -> memref<1x125x64xf32, #tpu.memory_space<vmem>>
    %dma_start3A_72 = tpu.memref_squeeze %dma_start3A_71 : memref<1x125x64xf32, #tpu.memory_space<vmem>> -> memref<125x64xf32, #tpu.memory_space<vmem>>
    %dma_start3A_73 = arith.constant 0 : i32
    %dma_start3A_74 = tpu.memref_slice %arg5[%dma_start3A_67, %dma_start3A_73] : memref<80x125xi32, #tpu.memory_space<vmem>> -> memref<1x125xi32, #tpu.memory_space<vmem>>
    %dma_start3A_75 = tpu.memref_squeeze %dma_start3A_74 : memref<1x125xi32, #tpu.memory_space<vmem>> -> memref<125xi32, #tpu.memory_space<vmem>>
    %dma_start3A_76 = arith.constant 0 : i32
    %dma_start3A_77 = arith.constant 0 : i32
    %dma_start3A_78 = tpu.memref_slice %arg2[%dma_start3A_76, %dma_start3A_77] : memref<10000x64xf32, #tpu.memory_space<hbm>> -> memref<10000x64xf32, #tpu.memory_space<hbm>>
    tpu.enqueue_indirect_dma source(%dma_start3A_78 : memref<10000x64xf32, #tpu.memory_space<hbm>>) target(%dma_start3A_72 : memref<125x64xf32, #tpu.memory_space<vmem>>) offsets(%dma_start3A_75 : memref<125xi32, #tpu.memory_space<vmem>>) semaphore(%arg14 : memref<!tpu.dma_semaphore, #tpu.memory_space<semaphore_mem>>)
    %dma_start3A_79 = arith.constant 5 : i32
    %dma_start3A_80 = arith.constant 5 : i32
    %dma_start3A_81 = arith.constant 0 : i32
    %dma_start3A_82 = arith.constant 0 : i32
    %dma_start3A_83 = tpu.memref_slice %arg7[%dma_start3A_80, %dma_start3A_81, %dma_start3A_82] : memref<8x125x64xf32, #tpu.memory_space<vmem>> -> memref<1x125x64xf32, #tpu.memory_space<vmem>>
    %dma_start3A_84 = tpu.memref_squeeze %dma_start3A_83 : memref<1x125x64xf32, #tpu.memory_space<vmem>> -> memref<125x64xf32, #tpu.memory_space<vmem>>
    %dma_start3A_85 = arith.constant 0 : i32
    %dma_start3A_86 = tpu.memref_slice %arg5[%dma_start3A_79, %dma_start3A_85] : memref<80x125xi32, #tpu.memory_space<vmem>> -> memref<1x125xi32, #tpu.memory_space<vmem>>
    %dma_start3A_87 = tpu.memref_squeeze %dma_start3A_86 : memref<1x125xi32, #tpu.memory_space<vmem>> -> memref<125xi32, #tpu.memory_space<vmem>>
    %dma_start3A_88 = arith.constant 0 : i32
    %dma_start3A_89 = arith.constant 0 : i32
    %dma_start3A_90 = tpu.memref_slice %arg2[%dma_start3A_88, %dma_start3A_89] : memref<10000x64xf32, #tpu.memory_space<hbm>> -> memref<10000x64xf32, #tpu.memory_space<hbm>>
    tpu.enqueue_indirect_dma source(%dma_start3A_90 : memref<10000x64xf32, #tpu.memory_space<hbm>>) target(%dma_start3A_84 : memref<125x64xf32, #tpu.memory_space<vmem>>) offsets(%dma_start3A_87 : memref<125xi32, #tpu.memory_space<vmem>>) semaphore(%arg15 : memref<!tpu.dma_semaphore, #tpu.memory_space<semaphore_mem>>)
    %dma_start3A_91 = arith.constant 6 : i32
    %dma_start3A_92 = arith.constant 6 : i32
    %dma_start3A_93 = arith.constant 0 : i32
    %dma_start3A_94 = arith.constant 0 : i32
    %dma_start3A_95 = tpu.memref_slice %arg7[%dma_start3A_92, %dma_start3A_93, %dma_start3A_94] : memref<8x125x64xf32, #tpu.memory_space<vmem>> -> memref<1x125x64xf32, #tpu.memory_space<vmem>>
    %dma_start3A_96 = tpu.memref_squeeze %dma_start3A_95 : memref<1x125x64xf32, #tpu.memory_space<vmem>> -> memref<125x64xf32, #tpu.memory_space<vmem>>
    %dma_start3A_97 = arith.constant 0 : i32
    %dma_start3A_98 = tpu.memref_slice %arg5[%dma_start3A_91, %dma_start3A_97] : memref<80x125xi32, #tpu.memory_space<vmem>> -> memref<1x125xi32, #tpu.memory_space<vmem>>
    %dma_start3A_99 = tpu.memref_squeeze %dma_start3A_98 : memref<1x125xi32, #tpu.memory_space<vmem>> -> memref<125xi32, #tpu.memory_space<vmem>>
    %dma_start3A_100 = arith.constant 0 : i32
    %dma_start3A_101 = arith.constant 0 : i32
    %dma_start3A_102 = tpu.memref_slice %arg2[%dma_start3A_100, %dma_start3A_101] : memref<10000x64xf32, #tpu.memory_space<hbm>> -> memref<10000x64xf32, #tpu.memory_space<hbm>>
    tpu.enqueue_indirect_dma source(%dma_start3A_102 : memref<10000x64xf32, #tpu.memory_space<hbm>>) target(%dma_start3A_96 : memref<125x64xf32, #tpu.memory_space<vmem>>) offsets(%dma_start3A_99 : memref<125xi32, #tpu.memory_space<vmem>>) semaphore(%arg16 : memref<!tpu.dma_semaphore, #tpu.memory_space<semaphore_mem>>)
    %dma_start3A_103 = arith.constant 7 : i32
    %dma_start3A_104 = arith.constant 7 : i32
    %dma_start3A_105 = arith.constant 0 : i32
    %dma_start3A_106 = arith.constant 0 : i32
    %dma_start3A_107 = tpu.memref_slice %arg7[%dma_start3A_104, %dma_start3A_105, %dma_start3A_106] : memref<8x125x64xf32, #tpu.memory_space<vmem>> -> memref<1x125x64xf32, #tpu.memory_space<vmem>>
    %dma_start3A_108 = tpu.memref_squeeze %dma_start3A_107 : memref<1x125x64xf32, #tpu.memory_space<vmem>> -> memref<125x64xf32, #tpu.memory_space<vmem>>
    %dma_start3A_109 = arith.constant 0 : i32
    %dma_start3A_110 = tpu.memref_slice %arg5[%dma_start3A_103, %dma_start3A_109] : memref<80x125xi32, #tpu.memory_space<vmem>> -> memref<1x125xi32, #tpu.memory_space<vmem>>
    %dma_start3A_111 = tpu.memref_squeeze %dma_start3A_110 : memref<1x125xi32, #tpu.memory_space<vmem>> -> memref<125xi32, #tpu.memory_space<vmem>>
    %dma_start3A_112 = arith.constant 0 : i32
    %dma_start3A_113 = arith.constant 0 : i32
    %dma_start3A_114 = tpu.memref_slice %arg2[%dma_start3A_112, %dma_start3A_113] : memref<10000x64xf32, #tpu.memory_space<hbm>> -> memref<10000x64xf32, #tpu.memory_space<hbm>>
    tpu.enqueue_indirect_dma source(%dma_start3A_114 : memref<10000x64xf32, #tpu.memory_space<hbm>>) target(%dma_start3A_108 : memref<125x64xf32, #tpu.memory_space<vmem>>) offsets(%dma_start3A_111 : memref<125xi32, #tpu.memory_space<vmem>>) semaphore(%arg17 : memref<!tpu.dma_semaphore, #tpu.memory_space<semaphore_mem>>)
    %scan3A_115 = arith.constant 0 : i32
    %scan3A_116 = arith.constant 0 : i32
    %scan3A_117 = arith.constant 10 : i32
    %scan3A_118 = arith.addi %scan3A_116, %scan3A_117 : i32
    %scan3A_119 = arith.constant 1 : i32
    %scan3A_120 = scf.for %scan3A_127 = %scan3A_116 to %scan3A_118 step %scan3A_119 iter_args(%scan3A_128 = %scan3A_115) -> (i32)  : i32 {
      %mul3A_129 = arith.constant 8 : i32
      %mul3A_130 = arith.muli %scan3A_127, %mul3A_129 : i32
      %add3A_131 = arith.constant 0 : i32
      %add3A_132 = arith.addi %mul3A_130, %add3A_131 : i32
      %dma_wait3A = arith.constant 0 : i32
      %dma_wait3A_133 = arith.constant 0 : i32
      %dma_wait3A_134 = arith.constant 0 : i32
      %dma_wait3A_135 = tpu.memref_slice %arg7[%dma_wait3A, %dma_wait3A_133, %dma_wait3A_134] : memref<8x125x64xf32, #tpu.memory_space<vmem>> -> memref<1x125x64xf32, #tpu.memory_space<vmem>>
      %dma_wait3A_136 = tpu.memref_squeeze %dma_wait3A_135 : memref<1x125x64xf32, #tpu.memory_space<vmem>> -> memref<125x64xf32, #tpu.memory_space<vmem>>
      %dma_wait3A_137 = arith.constant 0 : i32
      %dma_wait3A_138 = tpu.memref_slice %arg5[%add3A_132, %dma_wait3A_137] : memref<80x125xi32, #tpu.memory_space<vmem>> -> memref<1x125xi32, #tpu.memory_space<vmem>>
      %dma_wait3A_139 = tpu.memref_squeeze %dma_wait3A_138 : memref<1x125xi32, #tpu.memory_space<vmem>> -> memref<125xi32, #tpu.memory_space<vmem>>
      %dma_wait3A_140 = arith.constant 0 : i32
      %dma_wait3A_141 = arith.constant 0 : i32
      %dma_wait3A_142 = tpu.memref_slice %arg2[%dma_wait3A_140, %dma_wait3A_141] : memref<10000x64xf32, #tpu.memory_space<hbm>> -> memref<10000x64xf32, #tpu.memory_space<hbm>>
      tpu.wait_indirect_dma semaphore(%arg10 : memref<!tpu.dma_semaphore, #tpu.memory_space<semaphore_mem>>) src(%dma_wait3A_142 : memref<10000x64xf32, #tpu.memory_space<hbm>>) dst(%dma_wait3A_136 : memref<125x64xf32, #tpu.memory_space<vmem>>)
      %add3A_143 = arith.constant 0 : i32
      %add3A_144 = arith.addi %mul3A_130, %add3A_143 : i32
      %dma_start3A_145 = arith.constant 0 : i32
      %dma_start3A_146 = arith.constant 0 : i32
      %dma_start3A_147 = arith.constant 0 : i32
      %dma_start3A_148 = tpu.memref_slice %arg7[%dma_start3A_145, %dma_start3A_146, %dma_start3A_147] : memref<8x125x64xf32, #tpu.memory_space<vmem>> -> memref<1x125x64xf32, #tpu.memory_space<vmem>>
      %dma_start3A_149 = tpu.memref_squeeze %dma_start3A_148 : memref<1x125x64xf32, #tpu.memory_space<vmem>> -> memref<125x64xf32, #tpu.memory_space<vmem>>
      %dma_start3A_150 = arith.constant 0 : i32
      %dma_start3A_151 = tpu.memref_slice %arg6[%add3A_144, %dma_start3A_150] : memref<80x125xi32, #tpu.memory_space<vmem>> -> memref<1x125xi32, #tpu.memory_space<vmem>>
      %dma_start3A_152 = tpu.memref_squeeze %dma_start3A_151 : memref<1x125xi32, #tpu.memory_space<vmem>> -> memref<125xi32, #tpu.memory_space<vmem>>
      %dma_start3A_153 = arith.constant 0 : i32
      %dma_start3A_154 = arith.constant 0 : i32
      %dma_start3A_155 = tpu.memref_slice %arg9[%dma_start3A_153, %dma_start3A_154] : memref<10240x64xf32, #tpu.memory_space<vmem_shared>> -> memref<10240x64xf32, #tpu.memory_space<vmem_shared>>
      tpu.enqueue_indirect_dma source(%dma_start3A_149 : memref<125x64xf32, #tpu.memory_space<vmem>>) target(%dma_start3A_155 : memref<10240x64xf32, #tpu.memory_space<vmem_shared>>) offsets(%dma_start3A_152 : memref<125xi32, #tpu.memory_space<vmem>>) semaphore(%arg18 : memref<!tpu.dma_semaphore, #tpu.memory_space<semaphore_mem>>) {add = true}
      %add3A_156 = arith.constant 1 : i32
      %add3A_157 = arith.addi %mul3A_130, %add3A_156 : i32
      %dma_wait3A_158 = arith.constant 1 : i32
      %dma_wait3A_159 = arith.constant 0 : i32
      %dma_wait3A_160 = arith.constant 0 : i32
      %dma_wait3A_161 = tpu.memref_slice %arg7[%dma_wait3A_158, %dma_wait3A_159, %dma_wait3A_160] : memref<8x125x64xf32, #tpu.memory_space<vmem>> -> memref<1x125x64xf32, #tpu.memory_space<vmem>>
      %dma_wait3A_162 = tpu.memref_squeeze %dma_wait3A_161 : memref<1x125x64xf32, #tpu.memory_space<vmem>> -> memref<125x64xf32, #tpu.memory_space<vmem>>
      %dma_wait3A_163 = arith.constant 0 : i32
      %dma_wait3A_164 = tpu.memref_slice %arg5[%add3A_157, %dma_wait3A_163] : memref<80x125xi32, #tpu.memory_space<vmem>> -> memref<1x125xi32, #tpu.memory_space<vmem>>
      %dma_wait3A_165 = tpu.memref_squeeze %dma_wait3A_164 : memref<1x125xi32, #tpu.memory_space<vmem>> -> memref<125xi32, #tpu.memory_space<vmem>>
      %dma_wait3A_166 = arith.constant 0 : i32
      %dma_wait3A_167 = arith.constant 0 : i32
      %dma_wait3A_168 = tpu.memref_slice %arg2[%dma_wait3A_166, %dma_wait3A_167] : memref<10000x64xf32, #tpu.memory_space<hbm>> -> memref<10000x64xf32, #tpu.memory_space<hbm>>
      tpu.wait_indirect_dma semaphore(%arg11 : memref<!tpu.dma_semaphore, #tpu.memory_space<semaphore_mem>>) src(%dma_wait3A_168 : memref<10000x64xf32, #tpu.memory_space<hbm>>) dst(%dma_wait3A_162 : memref<125x64xf32, #tpu.memory_space<vmem>>)
      %add3A_169 = arith.constant 1 : i32
      %add3A_170 = arith.addi %mul3A_130, %add3A_169 : i32
      %dma_start3A_171 = arith.constant 1 : i32
      %dma_start3A_172 = arith.constant 0 : i32
      %dma_start3A_173 = arith.constant 0 : i32
      %dma_start3A_174 = tpu.memref_slice %arg7[%dma_start3A_171, %dma_start3A_172, %dma_start3A_173] : memref<8x125x64xf32, #tpu.memory_space<vmem>> -> memref<1x125x64xf32, #tpu.memory_space<vmem>>
      %dma_start3A_175 = tpu.memref_squeeze %dma_start3A_174 : memref<1x125x64xf32, #tpu.memory_space<vmem>> -> memref<125x64xf32, #tpu.memory_space<vmem>>
      %dma_start3A_176 = arith.constant 0 : i32
      %dma_start3A_177 = tpu.memref_slice %arg6[%add3A_170, %dma_start3A_176] : memref<80x125xi32, #tpu.memory_space<vmem>> -> memref<1x125xi32, #tpu.memory_space<vmem>>
      %dma_start3A_178 = tpu.memref_squeeze %dma_start3A_177 : memref<1x125xi32, #tpu.memory_space<vmem>> -> memref<125xi32, #tpu.memory_space<vmem>>
      %dma_start3A_179 = arith.constant 0 : i32
      %dma_start3A_180 = arith.constant 0 : i32
      %dma_start3A_181 = tpu.memref_slice %arg9[%dma_start3A_179, %dma_start3A_180] : memref<10240x64xf32, #tpu.memory_space<vmem_shared>> -> memref<10240x64xf32, #tpu.memory_space<vmem_shared>>
      tpu.enqueue_indirect_dma source(%dma_start3A_175 : memref<125x64xf32, #tpu.memory_space<vmem>>) target(%dma_start3A_181 : memref<10240x64xf32, #tpu.memory_space<vmem_shared>>) offsets(%dma_start3A_178 : memref<125xi32, #tpu.memory_space<vmem>>) semaphore(%arg19 : memref<!tpu.dma_semaphore, #tpu.memory_space<semaphore_mem>>) {add = true}
      %add3A_182 = arith.constant 2 : i32
      %add3A_183 = arith.addi %mul3A_130, %add3A_182 : i32
      %dma_wait3A_184 = arith.constant 2 : i32
      %dma_wait3A_185 = arith.constant 0 : i32
      %dma_wait3A_186 = arith.constant 0 : i32
      %dma_wait3A_187 = tpu.memref_slice %arg7[%dma_wait3A_184, %dma_wait3A_185, %dma_wait3A_186] : memref<8x125x64xf32, #tpu.memory_space<vmem>> -> memref<1x125x64xf32, #tpu.memory_space<vmem>>
      %dma_wait3A_188 = tpu.memref_squeeze %dma_wait3A_187 : memref<1x125x64xf32, #tpu.memory_space<vmem>> -> memref<125x64xf32, #tpu.memory_space<vmem>>
      %dma_wait3A_189 = arith.constant 0 : i32
      %dma_wait3A_190 = tpu.memref_slice %arg5[%add3A_183, %dma_wait3A_189] : memref<80x125xi32, #tpu.memory_space<vmem>> -> memref<1x125xi32, #tpu.memory_space<vmem>>
      %dma_wait3A_191 = tpu.memref_squeeze %dma_wait3A_190 : memref<1x125xi32, #tpu.memory_space<vmem>> -> memref<125xi32, #tpu.memory_space<vmem>>
      %dma_wait3A_192 = arith.constant 0 : i32
      %dma_wait3A_193 = arith.constant 0 : i32
      %dma_wait3A_194 = tpu.memref_slice %arg2[%dma_wait3A_192, %dma_wait3A_193] : memref<10000x64xf32, #tpu.memory_space<hbm>> -> memref<10000x64xf32, #tpu.memory_space<hbm>>
      tpu.wait_indirect_dma semaphore(%arg12 : memref<!tpu.dma_semaphore, #tpu.memory_space<semaphore_mem>>) src(%dma_wait3A_194 : memref<10000x64xf32, #tpu.memory_space<hbm>>) dst(%dma_wait3A_188 : memref<125x64xf32, #tpu.memory_space<vmem>>)
      %add3A_195 = arith.constant 2 : i32
      %add3A_196 = arith.addi %mul3A_130, %add3A_195 : i32
      %dma_start3A_197 = arith.constant 2 : i32
      %dma_start3A_198 = arith.constant 0 : i32
      %dma_start3A_199 = arith.constant 0 : i32
      %dma_start3A_200 = tpu.memref_slice %arg7[%dma_start3A_197, %dma_start3A_198, %dma_start3A_199] : memref<8x125x64xf32, #tpu.memory_space<vmem>> -> memref<1x125x64xf32, #tpu.memory_space<vmem>>
      %dma_start3A_201 = tpu.memref_squeeze %dma_start3A_200 : memref<1x125x64xf32, #tpu.memory_space<vmem>> -> memref<125x64xf32, #tpu.memory_space<vmem>>
      %dma_start3A_202 = arith.constant 0 : i32
      %dma_start3A_203 = tpu.memref_slice %arg6[%add3A_196, %dma_start3A_202] : memref<80x125xi32, #tpu.memory_space<vmem>> -> memref<1x125xi32, #tpu.memory_space<vmem>>
      %dma_start3A_204 = tpu.memref_squeeze %dma_start3A_203 : memref<1x125xi32, #tpu.memory_space<vmem>> -> memref<125xi32, #tpu.memory_space<vmem>>
      %dma_start3A_205 = arith.constant 0 : i32
      %dma_start3A_206 = arith.constant 0 : i32
      %dma_start3A_207 = tpu.memref_slice %arg9[%dma_start3A_205, %dma_start3A_206] : memref<10240x64xf32, #tpu.memory_space<vmem_shared>> -> memref<10240x64xf32, #tpu.memory_space<vmem_shared>>
      tpu.enqueue_indirect_dma source(%dma_start3A_201 : memref<125x64xf32, #tpu.memory_space<vmem>>) target(%dma_start3A_207 : memref<10240x64xf32, #tpu.memory_space<vmem_shared>>) offsets(%dma_start3A_204 : memref<125xi32, #tpu.memory_space<vmem>>) semaphore(%arg20 : memref<!tpu.dma_semaphore, #tpu.memory_space<semaphore_mem>>) {add = true}
      %add3A_208 = arith.constant 3 : i32
      %add3A_209 = arith.addi %mul3A_130, %add3A_208 : i32
      %dma_wait3A_210 = arith.constant 3 : i32
      %dma_wait3A_211 = arith.constant 0 : i32
      %dma_wait3A_212 = arith.constant 0 : i32
      %dma_wait3A_213 = tpu.memref_slice %arg7[%dma_wait3A_210, %dma_wait3A_211, %dma_wait3A_212] : memref<8x125x64xf32, #tpu.memory_space<vmem>> -> memref<1x125x64xf32, #tpu.memory_space<vmem>>
      %dma_wait3A_214 = tpu.memref_squeeze %dma_wait3A_213 : memref<1x125x64xf32, #tpu.memory_space<vmem>> -> memref<125x64xf32, #tpu.memory_space<vmem>>
      %dma_wait3A_215 = arith.constant 0 : i32
      %dma_wait3A_216 = tpu.memref_slice %arg5[%add3A_209, %dma_wait3A_215] : memref<80x125xi32, #tpu.memory_space<vmem>> -> memref<1x125xi32, #tpu.memory_space<vmem>>
      %dma_wait3A_217 = tpu.memref_squeeze %dma_wait3A_216 : memref<1x125xi32, #tpu.memory_space<vmem>> -> memref<125xi32, #tpu.memory_space<vmem>>
      %dma_wait3A_218 = arith.constant 0 : i32
      %dma_wait3A_219 = arith.constant 0 : i32
      %dma_wait3A_220 = tpu.memref_slice %arg2[%dma_wait3A_218, %dma_wait3A_219] : memref<10000x64xf32, #tpu.memory_space<hbm>> -> memref<10000x64xf32, #tpu.memory_space<hbm>>
      tpu.wait_indirect_dma semaphore(%arg13 : memref<!tpu.dma_semaphore, #tpu.memory_space<semaphore_mem>>) src(%dma_wait3A_220 : memref<10000x64xf32, #tpu.memory_space<hbm>>) dst(%dma_wait3A_214 : memref<125x64xf32, #tpu.memory_space<vmem>>)
      %add3A_221 = arith.constant 3 : i32
      %add3A_222 = arith.addi %mul3A_130, %add3A_221 : i32
      %dma_start3A_223 = arith.constant 3 : i32
      %dma_start3A_224 = arith.constant 0 : i32
      %dma_start3A_225 = arith.constant 0 : i32
      %dma_start3A_226 = tpu.memref_slice %arg7[%dma_start3A_223, %dma_start3A_224, %dma_start3A_225] : memref<8x125x64xf32, #tpu.memory_space<vmem>> -> memref<1x125x64xf32, #tpu.memory_space<vmem>>
      %dma_start3A_227 = tpu.memref_squeeze %dma_start3A_226 : memref<1x125x64xf32, #tpu.memory_space<vmem>> -> memref<125x64xf32, #tpu.memory_space<vmem>>
      %dma_start3A_228 = arith.constant 0 : i32
      %dma_start3A_229 = tpu.memref_slice %arg6[%add3A_222, %dma_start3A_228] : memref<80x125xi32, #tpu.memory_space<vmem>> -> memref<1x125xi32, #tpu.memory_space<vmem>>
      %dma_start3A_230 = tpu.memref_squeeze %dma_start3A_229 : memref<1x125xi32, #tpu.memory_space<vmem>> -> memref<125xi32, #tpu.memory_space<vmem>>
      %dma_start3A_231 = arith.constant 0 : i32
      %dma_start3A_232 = arith.constant 0 : i32
      %dma_start3A_233 = tpu.memref_slice %arg9[%dma_start3A_231, %dma_start3A_232] : memref<10240x64xf32, #tpu.memory_space<vmem_shared>> -> memref<10240x64xf32, #tpu.memory_space<vmem_shared>>
      tpu.enqueue_indirect_dma source(%dma_start3A_227 : memref<125x64xf32, #tpu.memory_space<vmem>>) target(%dma_start3A_233 : memref<10240x64xf32, #tpu.memory_space<vmem_shared>>) offsets(%dma_start3A_230 : memref<125xi32, #tpu.memory_space<vmem>>) semaphore(%arg21 : memref<!tpu.dma_semaphore, #tpu.memory_space<semaphore_mem>>) {add = true}
      %add3A_234 = arith.constant 0 : i32
      %add3A_235 = arith.addi %mul3A_130, %add3A_234 : i32
      %dma_wait3A_236 = arith.constant 0 : i32
      %dma_wait3A_237 = arith.constant 0 : i32
      %dma_wait3A_238 = arith.constant 0 : i32
      %dma_wait3A_239 = tpu.memref_slice %arg7[%dma_wait3A_236, %dma_wait3A_237, %dma_wait3A_238] : memref<8x125x64xf32, #tpu.memory_space<vmem>> -> memref<1x125x64xf32, #tpu.memory_space<vmem>>
      %dma_wait3A_240 = tpu.memref_squeeze %dma_wait3A_239 : memref<1x125x64xf32, #tpu.memory_space<vmem>> -> memref<125x64xf32, #tpu.memory_space<vmem>>
      %dma_wait3A_241 = arith.constant 0 : i32
      %dma_wait3A_242 = tpu.memref_slice %arg6[%add3A_235, %dma_wait3A_241] : memref<80x125xi32, #tpu.memory_space<vmem>> -> memref<1x125xi32, #tpu.memory_space<vmem>>
      %dma_wait3A_243 = tpu.memref_squeeze %dma_wait3A_242 : memref<1x125xi32, #tpu.memory_space<vmem>> -> memref<125xi32, #tpu.memory_space<vmem>>
      %dma_wait3A_244 = arith.constant 0 : i32
      %dma_wait3A_245 = arith.constant 0 : i32
      %dma_wait3A_246 = tpu.memref_slice %arg9[%dma_wait3A_244, %dma_wait3A_245] : memref<10240x64xf32, #tpu.memory_space<vmem_shared>> -> memref<10240x64xf32, #tpu.memory_space<vmem_shared>>
      tpu.wait_indirect_dma semaphore(%arg18 : memref<!tpu.dma_semaphore, #tpu.memory_space<semaphore_mem>>) src(%dma_wait3A_240 : memref<125x64xf32, #tpu.memory_space<vmem>>) dst(%dma_wait3A_246 : memref<10240x64xf32, #tpu.memory_space<vmem_shared>>)
      %lt3A = arith.constant 9 : i32
      %lt3A_247 = arith.cmpi slt, %scan3A_127, %lt3A : i32
      %convert_element_type3A = arith.extui %lt3A_247 : i1 to i32
      %cond3A = arith.constant 0 : i32
      %cond3A_248 = arith.cmpi ne, %convert_element_type3A, %cond3A : i32
      scf.if %cond3A_248 {
        %add3A_480 = arith.constant 8 : i32
        %add3A_481 = arith.addi %mul3A_130, %add3A_480 : i32
        %add3A_482 = arith.constant 0 : i32
        %add3A_483 = arith.addi %add3A_481, %add3A_482 : i32
        %dma_start3A_484 = arith.constant 0 : i32
        %dma_start3A_485 = arith.constant 0 : i32
        %dma_start3A_486 = arith.constant 0 : i32
        %dma_start3A_487 = tpu.memref_slice %arg7[%dma_start3A_484, %dma_start3A_485, %dma_start3A_486] : memref<8x125x64xf32, #tpu.memory_space<vmem>> -> memref<1x125x64xf32, #tpu.memory_space<vmem>>
        %dma_start3A_488 = tpu.memref_squeeze %dma_start3A_487 : memref<1x125x64xf32, #tpu.memory_space<vmem>> -> memref<125x64xf32, #tpu.memory_space<vmem>>
        %dma_start3A_489 = arith.constant 0 : i32
        %dma_start3A_490 = tpu.memref_slice %arg5[%add3A_483, %dma_start3A_489] : memref<80x125xi32, #tpu.memory_space<vmem>> -> memref<1x125xi32, #tpu.memory_space<vmem>>
        %dma_start3A_491 = tpu.memref_squeeze %dma_start3A_490 : memref<1x125xi32, #tpu.memory_space<vmem>> -> memref<125xi32, #tpu.memory_space<vmem>>
        %dma_start3A_492 = arith.constant 0 : i32
        %dma_start3A_493 = arith.constant 0 : i32
        %dma_start3A_494 = tpu.memref_slice %arg2[%dma_start3A_492, %dma_start3A_493] : memref<10000x64xf32, #tpu.memory_space<hbm>> -> memref<10000x64xf32, #tpu.memory_space<hbm>>
        tpu.enqueue_indirect_dma source(%dma_start3A_494 : memref<10000x64xf32, #tpu.memory_space<hbm>>) target(%dma_start3A_488 : memref<125x64xf32, #tpu.memory_space<vmem>>) offsets(%dma_start3A_491 : memref<125xi32, #tpu.memory_space<vmem>>) semaphore(%arg10 : memref<!tpu.dma_semaphore, #tpu.memory_space<semaphore_mem>>)
      } else {
      }
      %add3A_249 = arith.constant 1 : i32
      %add3A_250 = arith.addi %mul3A_130, %add3A_249 : i32
      %dma_wait3A_251 = arith.constant 1 : i32
      %dma_wait3A_252 = arith.constant 0 : i32
      %dma_wait3A_253 = arith.constant 0 : i32
      %dma_wait3A_254 = tpu.memref_slice %arg7[%dma_wait3A_251, %dma_wait3A_252, %dma_wait3A_253] : memref<8x125x64xf32, #tpu.memory_space<vmem>> -> memref<1x125x64xf32, #tpu.memory_space<vmem>>
      %dma_wait3A_255 = tpu.memref_squeeze %dma_wait3A_254 : memref<1x125x64xf32, #tpu.memory_space<vmem>> -> memref<125x64xf32, #tpu.memory_space<vmem>>
      %dma_wait3A_256 = arith.constant 0 : i32
      %dma_wait3A_257 = tpu.memref_slice %arg6[%add3A_250, %dma_wait3A_256] : memref<80x125xi32, #tpu.memory_space<vmem>> -> memref<1x125xi32, #tpu.memory_space<vmem>>
      %dma_wait3A_258 = tpu.memref_squeeze %dma_wait3A_257 : memref<1x125xi32, #tpu.memory_space<vmem>> -> memref<125xi32, #tpu.memory_space<vmem>>
      %dma_wait3A_259 = arith.constant 0 : i32
      %dma_wait3A_260 = arith.constant 0 : i32
      %dma_wait3A_261 = tpu.memref_slice %arg9[%dma_wait3A_259, %dma_wait3A_260] : memref<10240x64xf32, #tpu.memory_space<vmem_shared>> -> memref<10240x64xf32, #tpu.memory_space<vmem_shared>>
      tpu.wait_indirect_dma semaphore(%arg19 : memref<!tpu.dma_semaphore, #tpu.memory_space<semaphore_mem>>) src(%dma_wait3A_255 : memref<125x64xf32, #tpu.memory_space<vmem>>) dst(%dma_wait3A_261 : memref<10240x64xf32, #tpu.memory_space<vmem_shared>>)
      %lt3A_262 = arith.constant 9 : i32
      %lt3A_263 = arith.cmpi slt, %scan3A_127, %lt3A_262 : i32
      %convert_element_type3A_264 = arith.extui %lt3A_263 : i1 to i32
      %cond3A_265 = arith.constant 0 : i32
      %cond3A_266 = arith.cmpi ne, %convert_element_type3A_264, %cond3A_265 : i32
      scf.if %cond3A_266 {
        %add3A_480 = arith.constant 8 : i32
        %add3A_481 = arith.addi %mul3A_130, %add3A_480 : i32
        %add3A_482 = arith.constant 1 : i32
        %add3A_483 = arith.addi %add3A_481, %add3A_482 : i32
        %dma_start3A_484 = arith.constant 1 : i32
        %dma_start3A_485 = arith.constant 0 : i32
        %dma_start3A_486 = arith.constant 0 : i32
        %dma_start3A_487 = tpu.memref_slice %arg7[%dma_start3A_484, %dma_start3A_485, %dma_start3A_486] : memref<8x125x64xf32, #tpu.memory_space<vmem>> -> memref<1x125x64xf32, #tpu.memory_space<vmem>>
        %dma_start3A_488 = tpu.memref_squeeze %dma_start3A_487 : memref<1x125x64xf32, #tpu.memory_space<vmem>> -> memref<125x64xf32, #tpu.memory_space<vmem>>
        %dma_start3A_489 = arith.constant 0 : i32
        %dma_start3A_490 = tpu.memref_slice %arg5[%add3A_483, %dma_start3A_489] : memref<80x125xi32, #tpu.memory_space<vmem>> -> memref<1x125xi32, #tpu.memory_space<vmem>>
        %dma_start3A_491 = tpu.memref_squeeze %dma_start3A_490 : memref<1x125xi32, #tpu.memory_space<vmem>> -> memref<125xi32, #tpu.memory_space<vmem>>
        %dma_start3A_492 = arith.constant 0 : i32
        %dma_start3A_493 = arith.constant 0 : i32
        %dma_start3A_494 = tpu.memref_slice %arg2[%dma_start3A_492, %dma_start3A_493] : memref<10000x64xf32, #tpu.memory_space<hbm>> -> memref<10000x64xf32, #tpu.memory_space<hbm>>
        tpu.enqueue_indirect_dma source(%dma_start3A_494 : memref<10000x64xf32, #tpu.memory_space<hbm>>) target(%dma_start3A_488 : memref<125x64xf32, #tpu.memory_space<vmem>>) offsets(%dma_start3A_491 : memref<125xi32, #tpu.memory_space<vmem>>) semaphore(%arg11 : memref<!tpu.dma_semaphore, #tpu.memory_space<semaphore_mem>>)
      } else {
      }
      %add3A_267 = arith.constant 2 : i32
      %add3A_268 = arith.addi %mul3A_130, %add3A_267 : i32
      %dma_wait3A_269 = arith.constant 2 : i32
      %dma_wait3A_270 = arith.constant 0 : i32
      %dma_wait3A_271 = arith.constant 0 : i32
      %dma_wait3A_272 = tpu.memref_slice %arg7[%dma_wait3A_269, %dma_wait3A_270, %dma_wait3A_271] : memref<8x125x64xf32, #tpu.memory_space<vmem>> -> memref<1x125x64xf32, #tpu.memory_space<vmem>>
      %dma_wait3A_273 = tpu.memref_squeeze %dma_wait3A_272 : memref<1x125x64xf32, #tpu.memory_space<vmem>> -> memref<125x64xf32, #tpu.memory_space<vmem>>
      %dma_wait3A_274 = arith.constant 0 : i32
      %dma_wait3A_275 = tpu.memref_slice %arg6[%add3A_268, %dma_wait3A_274] : memref<80x125xi32, #tpu.memory_space<vmem>> -> memref<1x125xi32, #tpu.memory_space<vmem>>
      %dma_wait3A_276 = tpu.memref_squeeze %dma_wait3A_275 : memref<1x125xi32, #tpu.memory_space<vmem>> -> memref<125xi32, #tpu.memory_space<vmem>>
      %dma_wait3A_277 = arith.constant 0 : i32
      %dma_wait3A_278 = arith.constant 0 : i32
      %dma_wait3A_279 = tpu.memref_slice %arg9[%dma_wait3A_277, %dma_wait3A_278] : memref<10240x64xf32, #tpu.memory_space<vmem_shared>> -> memref<10240x64xf32, #tpu.memory_space<vmem_shared>>
      tpu.wait_indirect_dma semaphore(%arg20 : memref<!tpu.dma_semaphore, #tpu.memory_space<semaphore_mem>>) src(%dma_wait3A_273 : memref<125x64xf32, #tpu.memory_space<vmem>>) dst(%dma_wait3A_279 : memref<10240x64xf32, #tpu.memory_space<vmem_shared>>)
      %lt3A_280 = arith.constant 9 : i32
      %lt3A_281 = arith.cmpi slt, %scan3A_127, %lt3A_280 : i32
      %convert_element_type3A_282 = arith.extui %lt3A_281 : i1 to i32
      %cond3A_283 = arith.constant 0 : i32
      %cond3A_284 = arith.cmpi ne, %convert_element_type3A_282, %cond3A_283 : i32
      scf.if %cond3A_284 {
        %add3A_480 = arith.constant 8 : i32
        %add3A_481 = arith.addi %mul3A_130, %add3A_480 : i32
        %add3A_482 = arith.constant 2 : i32
        %add3A_483 = arith.addi %add3A_481, %add3A_482 : i32
        %dma_start3A_484 = arith.constant 2 : i32
        %dma_start3A_485 = arith.constant 0 : i32
        %dma_start3A_486 = arith.constant 0 : i32
        %dma_start3A_487 = tpu.memref_slice %arg7[%dma_start3A_484, %dma_start3A_485, %dma_start3A_486] : memref<8x125x64xf32, #tpu.memory_space<vmem>> -> memref<1x125x64xf32, #tpu.memory_space<vmem>>
        %dma_start3A_488 = tpu.memref_squeeze %dma_start3A_487 : memref<1x125x64xf32, #tpu.memory_space<vmem>> -> memref<125x64xf32, #tpu.memory_space<vmem>>
        %dma_start3A_489 = arith.constant 0 : i32
        %dma_start3A_490 = tpu.memref_slice %arg5[%add3A_483, %dma_start3A_489] : memref<80x125xi32, #tpu.memory_space<vmem>> -> memref<1x125xi32, #tpu.memory_space<vmem>>
        %dma_start3A_491 = tpu.memref_squeeze %dma_start3A_490 : memref<1x125xi32, #tpu.memory_space<vmem>> -> memref<125xi32, #tpu.memory_space<vmem>>
        %dma_start3A_492 = arith.constant 0 : i32
        %dma_start3A_493 = arith.constant 0 : i32
        %dma_start3A_494 = tpu.memref_slice %arg2[%dma_start3A_492, %dma_start3A_493] : memref<10000x64xf32, #tpu.memory_space<hbm>> -> memref<10000x64xf32, #tpu.memory_space<hbm>>
        tpu.enqueue_indirect_dma source(%dma_start3A_494 : memref<10000x64xf32, #tpu.memory_space<hbm>>) target(%dma_start3A_488 : memref<125x64xf32, #tpu.memory_space<vmem>>) offsets(%dma_start3A_491 : memref<125xi32, #tpu.memory_space<vmem>>) semaphore(%arg12 : memref<!tpu.dma_semaphore, #tpu.memory_space<semaphore_mem>>)
      } else {
      }
      %add3A_285 = arith.constant 3 : i32
      %add3A_286 = arith.addi %mul3A_130, %add3A_285 : i32
      %dma_wait3A_287 = arith.constant 3 : i32
      %dma_wait3A_288 = arith.constant 0 : i32
      %dma_wait3A_289 = arith.constant 0 : i32
      %dma_wait3A_290 = tpu.memref_slice %arg7[%dma_wait3A_287, %dma_wait3A_288, %dma_wait3A_289] : memref<8x125x64xf32, #tpu.memory_space<vmem>> -> memref<1x125x64xf32, #tpu.memory_space<vmem>>
      %dma_wait3A_291 = tpu.memref_squeeze %dma_wait3A_290 : memref<1x125x64xf32, #tpu.memory_space<vmem>> -> memref<125x64xf32, #tpu.memory_space<vmem>>
      %dma_wait3A_292 = arith.constant 0 : i32
      %dma_wait3A_293 = tpu.memref_slice %arg6[%add3A_286, %dma_wait3A_292] : memref<80x125xi32, #tpu.memory_space<vmem>> -> memref<1x125xi32, #tpu.memory_space<vmem>>
      %dma_wait3A_294 = tpu.memref_squeeze %dma_wait3A_293 : memref<1x125xi32, #tpu.memory_space<vmem>> -> memref<125xi32, #tpu.memory_space<vmem>>
      %dma_wait3A_295 = arith.constant 0 : i32
      %dma_wait3A_296 = arith.constant 0 : i32
      %dma_wait3A_297 = tpu.memref_slice %arg9[%dma_wait3A_295, %dma_wait3A_296] : memref<10240x64xf32, #tpu.memory_space<vmem_shared>> -> memref<10240x64xf32, #tpu.memory_space<vmem_shared>>
      tpu.wait_indirect_dma semaphore(%arg21 : memref<!tpu.dma_semaphore, #tpu.memory_space<semaphore_mem>>) src(%dma_wait3A_291 : memref<125x64xf32, #tpu.memory_space<vmem>>) dst(%dma_wait3A_297 : memref<10240x64xf32, #tpu.memory_space<vmem_shared>>)
      %lt3A_298 = arith.constant 9 : i32
      %lt3A_299 = arith.cmpi slt, %scan3A_127, %lt3A_298 : i32
      %convert_element_type3A_300 = arith.extui %lt3A_299 : i1 to i32
      %cond3A_301 = arith.constant 0 : i32
      %cond3A_302 = arith.cmpi ne, %convert_element_type3A_300, %cond3A_301 : i32
      scf.if %cond3A_302 {
        %add3A_480 = arith.constant 8 : i32
        %add3A_481 = arith.addi %mul3A_130, %add3A_480 : i32
        %add3A_482 = arith.constant 3 : i32
        %add3A_483 = arith.addi %add3A_481, %add3A_482 : i32
        %dma_start3A_484 = arith.constant 3 : i32
        %dma_start3A_485 = arith.constant 0 : i32
        %dma_start3A_486 = arith.constant 0 : i32
        %dma_start3A_487 = tpu.memref_slice %arg7[%dma_start3A_484, %dma_start3A_485, %dma_start3A_486] : memref<8x125x64xf32, #tpu.memory_space<vmem>> -> memref<1x125x64xf32, #tpu.memory_space<vmem>>
        %dma_start3A_488 = tpu.memref_squeeze %dma_start3A_487 : memref<1x125x64xf32, #tpu.memory_space<vmem>> -> memref<125x64xf32, #tpu.memory_space<vmem>>
        %dma_start3A_489 = arith.constant 0 : i32
        %dma_start3A_490 = tpu.memref_slice %arg5[%add3A_483, %dma_start3A_489] : memref<80x125xi32, #tpu.memory_space<vmem>> -> memref<1x125xi32, #tpu.memory_space<vmem>>
        %dma_start3A_491 = tpu.memref_squeeze %dma_start3A_490 : memref<1x125xi32, #tpu.memory_space<vmem>> -> memref<125xi32, #tpu.memory_space<vmem>>
        %dma_start3A_492 = arith.constant 0 : i32
        %dma_start3A_493 = arith.constant 0 : i32
        %dma_start3A_494 = tpu.memref_slice %arg2[%dma_start3A_492, %dma_start3A_493] : memref<10000x64xf32, #tpu.memory_space<hbm>> -> memref<10000x64xf32, #tpu.memory_space<hbm>>
        tpu.enqueue_indirect_dma source(%dma_start3A_494 : memref<10000x64xf32, #tpu.memory_space<hbm>>) target(%dma_start3A_488 : memref<125x64xf32, #tpu.memory_space<vmem>>) offsets(%dma_start3A_491 : memref<125xi32, #tpu.memory_space<vmem>>) semaphore(%arg13 : memref<!tpu.dma_semaphore, #tpu.memory_space<semaphore_mem>>)
      } else {
      }
      %add3A_303 = arith.constant 4 : i32
      %add3A_304 = arith.addi %mul3A_130, %add3A_303 : i32
      %dma_wait3A_305 = arith.constant 4 : i32
      %dma_wait3A_306 = arith.constant 0 : i32
      %dma_wait3A_307 = arith.constant 0 : i32
      %dma_wait3A_308 = tpu.memref_slice %arg7[%dma_wait3A_305, %dma_wait3A_306, %dma_wait3A_307] : memref<8x125x64xf32, #tpu.memory_space<vmem>> -> memref<1x125x64xf32, #tpu.memory_space<vmem>>
      %dma_wait3A_309 = tpu.memref_squeeze %dma_wait3A_308 : memref<1x125x64xf32, #tpu.memory_space<vmem>> -> memref<125x64xf32, #tpu.memory_space<vmem>>
      %dma_wait3A_310 = arith.constant 0 : i32
      %dma_wait3A_311 = tpu.memref_slice %arg5[%add3A_304, %dma_wait3A_310] : memref<80x125xi32, #tpu.memory_space<vmem>> -> memref<1x125xi32, #tpu.memory_space<vmem>>
      %dma_wait3A_312 = tpu.memref_squeeze %dma_wait3A_311 : memref<1x125xi32, #tpu.memory_space<vmem>> -> memref<125xi32, #tpu.memory_space<vmem>>
      %dma_wait3A_313 = arith.constant 0 : i32
      %dma_wait3A_314 = arith.constant 0 : i32
      %dma_wait3A_315 = tpu.memref_slice %arg2[%dma_wait3A_313, %dma_wait3A_314] : memref<10000x64xf32, #tpu.memory_space<hbm>> -> memref<10000x64xf32, #tpu.memory_space<hbm>>
      tpu.wait_indirect_dma semaphore(%arg14 : memref<!tpu.dma_semaphore, #tpu.memory_space<semaphore_mem>>) src(%dma_wait3A_315 : memref<10000x64xf32, #tpu.memory_space<hbm>>) dst(%dma_wait3A_309 : memref<125x64xf32, #tpu.memory_space<vmem>>)
      %add3A_316 = arith.constant 4 : i32
      %add3A_317 = arith.addi %mul3A_130, %add3A_316 : i32
      %dma_start3A_318 = arith.constant 4 : i32
      %dma_start3A_319 = arith.constant 0 : i32
      %dma_start3A_320 = arith.constant 0 : i32
      %dma_start3A_321 = tpu.memref_slice %arg7[%dma_start3A_318, %dma_start3A_319, %dma_start3A_320] : memref<8x125x64xf32, #tpu.memory_space<vmem>> -> memref<1x125x64xf32, #tpu.memory_space<vmem>>
      %dma_start3A_322 = tpu.memref_squeeze %dma_start3A_321 : memref<1x125x64xf32, #tpu.memory_space<vmem>> -> memref<125x64xf32, #tpu.memory_space<vmem>>
      %dma_start3A_323 = arith.constant 0 : i32
      %dma_start3A_324 = tpu.memref_slice %arg6[%add3A_317, %dma_start3A_323] : memref<80x125xi32, #tpu.memory_space<vmem>> -> memref<1x125xi32, #tpu.memory_space<vmem>>
      %dma_start3A_325 = tpu.memref_squeeze %dma_start3A_324 : memref<1x125xi32, #tpu.memory_space<vmem>> -> memref<125xi32, #tpu.memory_space<vmem>>
      %dma_start3A_326 = arith.constant 0 : i32
      %dma_start3A_327 = arith.constant 0 : i32
      %dma_start3A_328 = tpu.memref_slice %arg9[%dma_start3A_326, %dma_start3A_327] : memref<10240x64xf32, #tpu.memory_space<vmem_shared>> -> memref<10240x64xf32, #tpu.memory_space<vmem_shared>>
      tpu.enqueue_indirect_dma source(%dma_start3A_322 : memref<125x64xf32, #tpu.memory_space<vmem>>) target(%dma_start3A_328 : memref<10240x64xf32, #tpu.memory_space<vmem_shared>>) offsets(%dma_start3A_325 : memref<125xi32, #tpu.memory_space<vmem>>) semaphore(%arg22 : memref<!tpu.dma_semaphore, #tpu.memory_space<semaphore_mem>>) {add = true}
      %add3A_329 = arith.constant 5 : i32
      %add3A_330 = arith.addi %mul3A_130, %add3A_329 : i32
      %dma_wait3A_331 = arith.constant 5 : i32
      %dma_wait3A_332 = arith.constant 0 : i32
      %dma_wait3A_333 = arith.constant 0 : i32
      %dma_wait3A_334 = tpu.memref_slice %arg7[%dma_wait3A_331, %dma_wait3A_332, %dma_wait3A_333] : memref<8x125x64xf32, #tpu.memory_space<vmem>> -> memref<1x125x64xf32, #tpu.memory_space<vmem>>
      %dma_wait3A_335 = tpu.memref_squeeze %dma_wait3A_334 : memref<1x125x64xf32, #tpu.memory_space<vmem>> -> memref<125x64xf32, #tpu.memory_space<vmem>>
      %dma_wait3A_336 = arith.constant 0 : i32
      %dma_wait3A_337 = tpu.memref_slice %arg5[%add3A_330, %dma_wait3A_336] : memref<80x125xi32, #tpu.memory_space<vmem>> -> memref<1x125xi32, #tpu.memory_space<vmem>>
      %dma_wait3A_338 = tpu.memref_squeeze %dma_wait3A_337 : memref<1x125xi32, #tpu.memory_space<vmem>> -> memref<125xi32, #tpu.memory_space<vmem>>
      %dma_wait3A_339 = arith.constant 0 : i32
      %dma_wait3A_340 = arith.constant 0 : i32
      %dma_wait3A_341 = tpu.memref_slice %arg2[%dma_wait3A_339, %dma_wait3A_340] : memref<10000x64xf32, #tpu.memory_space<hbm>> -> memref<10000x64xf32, #tpu.memory_space<hbm>>
      tpu.wait_indirect_dma semaphore(%arg15 : memref<!tpu.dma_semaphore, #tpu.memory_space<semaphore_mem>>) src(%dma_wait3A_341 : memref<10000x64xf32, #tpu.memory_space<hbm>>) dst(%dma_wait3A_335 : memref<125x64xf32, #tpu.memory_space<vmem>>)
      %add3A_342 = arith.constant 5 : i32
      %add3A_343 = arith.addi %mul3A_130, %add3A_342 : i32
      %dma_start3A_344 = arith.constant 5 : i32
      %dma_start3A_345 = arith.constant 0 : i32
      %dma_start3A_346 = arith.constant 0 : i32
      %dma_start3A_347 = tpu.memref_slice %arg7[%dma_start3A_344, %dma_start3A_345, %dma_start3A_346] : memref<8x125x64xf32, #tpu.memory_space<vmem>> -> memref<1x125x64xf32, #tpu.memory_space<vmem>>
      %dma_start3A_348 = tpu.memref_squeeze %dma_start3A_347 : memref<1x125x64xf32, #tpu.memory_space<vmem>> -> memref<125x64xf32, #tpu.memory_space<vmem>>
      %dma_start3A_349 = arith.constant 0 : i32
      %dma_start3A_350 = tpu.memref_slice %arg6[%add3A_343, %dma_start3A_349] : memref<80x125xi32, #tpu.memory_space<vmem>> -> memref<1x125xi32, #tpu.memory_space<vmem>>
      %dma_start3A_351 = tpu.memref_squeeze %dma_start3A_350 : memref<1x125xi32, #tpu.memory_space<vmem>> -> memref<125xi32, #tpu.memory_space<vmem>>
      %dma_start3A_352 = arith.constant 0 : i32
      %dma_start3A_353 = arith.constant 0 : i32
      %dma_start3A_354 = tpu.memref_slice %arg9[%dma_start3A_352, %dma_start3A_353] : memref<10240x64xf32, #tpu.memory_space<vmem_shared>> -> memref<10240x64xf32, #tpu.memory_space<vmem_shared>>
      tpu.enqueue_indirect_dma source(%dma_start3A_348 : memref<125x64xf32, #tpu.memory_space<vmem>>) target(%dma_start3A_354 : memref<10240x64xf32, #tpu.memory_space<vmem_shared>>) offsets(%dma_start3A_351 : memref<125xi32, #tpu.memory_space<vmem>>) semaphore(%arg23 : memref<!tpu.dma_semaphore, #tpu.memory_space<semaphore_mem>>) {add = true}
      %add3A_355 = arith.constant 6 : i32
      %add3A_356 = arith.addi %mul3A_130, %add3A_355 : i32
      %dma_wait3A_357 = arith.constant 6 : i32
      %dma_wait3A_358 = arith.constant 0 : i32
      %dma_wait3A_359 = arith.constant 0 : i32
      %dma_wait3A_360 = tpu.memref_slice %arg7[%dma_wait3A_357, %dma_wait3A_358, %dma_wait3A_359] : memref<8x125x64xf32, #tpu.memory_space<vmem>> -> memref<1x125x64xf32, #tpu.memory_space<vmem>>
      %dma_wait3A_361 = tpu.memref_squeeze %dma_wait3A_360 : memref<1x125x64xf32, #tpu.memory_space<vmem>> -> memref<125x64xf32, #tpu.memory_space<vmem>>
      %dma_wait3A_362 = arith.constant 0 : i32
      %dma_wait3A_363 = tpu.memref_slice %arg5[%add3A_356, %dma_wait3A_362] : memref<80x125xi32, #tpu.memory_space<vmem>> -> memref<1x125xi32, #tpu.memory_space<vmem>>
      %dma_wait3A_364 = tpu.memref_squeeze %dma_wait3A_363 : memref<1x125xi32, #tpu.memory_space<vmem>> -> memref<125xi32, #tpu.memory_space<vmem>>
      %dma_wait3A_365 = arith.constant 0 : i32
      %dma_wait3A_366 = arith.constant 0 : i32
      %dma_wait3A_367 = tpu.memref_slice %arg2[%dma_wait3A_365, %dma_wait3A_366] : memref<10000x64xf32, #tpu.memory_space<hbm>> -> memref<10000x64xf32, #tpu.memory_space<hbm>>
      tpu.wait_indirect_dma semaphore(%arg16 : memref<!tpu.dma_semaphore, #tpu.memory_space<semaphore_mem>>) src(%dma_wait3A_367 : memref<10000x64xf32, #tpu.memory_space<hbm>>) dst(%dma_wait3A_361 : memref<125x64xf32, #tpu.memory_space<vmem>>)
      %add3A_368 = arith.constant 6 : i32
      %add3A_369 = arith.addi %mul3A_130, %add3A_368 : i32
      %dma_start3A_370 = arith.constant 6 : i32
      %dma_start3A_371 = arith.constant 0 : i32
      %dma_start3A_372 = arith.constant 0 : i32
      %dma_start3A_373 = tpu.memref_slice %arg7[%dma_start3A_370, %dma_start3A_371, %dma_start3A_372] : memref<8x125x64xf32, #tpu.memory_space<vmem>> -> memref<1x125x64xf32, #tpu.memory_space<vmem>>
      %dma_start3A_374 = tpu.memref_squeeze %dma_start3A_373 : memref<1x125x64xf32, #tpu.memory_space<vmem>> -> memref<125x64xf32, #tpu.memory_space<vmem>>
      %dma_start3A_375 = arith.constant 0 : i32
      %dma_start3A_376 = tpu.memref_slice %arg6[%add3A_369, %dma_start3A_375] : memref<80x125xi32, #tpu.memory_space<vmem>> -> memref<1x125xi32, #tpu.memory_space<vmem>>
      %dma_start3A_377 = tpu.memref_squeeze %dma_start3A_376 : memref<1x125xi32, #tpu.memory_space<vmem>> -> memref<125xi32, #tpu.memory_space<vmem>>
      %dma_start3A_378 = arith.constant 0 : i32
      %dma_start3A_379 = arith.constant 0 : i32
      %dma_start3A_380 = tpu.memref_slice %arg9[%dma_start3A_378, %dma_start3A_379] : memref<10240x64xf32, #tpu.memory_space<vmem_shared>> -> memref<10240x64xf32, #tpu.memory_space<vmem_shared>>
      tpu.enqueue_indirect_dma source(%dma_start3A_374 : memref<125x64xf32, #tpu.memory_space<vmem>>) target(%dma_start3A_380 : memref<10240x64xf32, #tpu.memory_space<vmem_shared>>) offsets(%dma_start3A_377 : memref<125xi32, #tpu.memory_space<vmem>>) semaphore(%arg24 : memref<!tpu.dma_semaphore, #tpu.memory_space<semaphore_mem>>) {add = true}
      %add3A_381 = arith.constant 7 : i32
      %add3A_382 = arith.addi %mul3A_130, %add3A_381 : i32
      %dma_wait3A_383 = arith.constant 7 : i32
      %dma_wait3A_384 = arith.constant 0 : i32
      %dma_wait3A_385 = arith.constant 0 : i32
      %dma_wait3A_386 = tpu.memref_slice %arg7[%dma_wait3A_383, %dma_wait3A_384, %dma_wait3A_385] : memref<8x125x64xf32, #tpu.memory_space<vmem>> -> memref<1x125x64xf32, #tpu.memory_space<vmem>>
      %dma_wait3A_387 = tpu.memref_squeeze %dma_wait3A_386 : memref<1x125x64xf32, #tpu.memory_space<vmem>> -> memref<125x64xf32, #tpu.memory_space<vmem>>
      %dma_wait3A_388 = arith.constant 0 : i32
      %dma_wait3A_389 = tpu.memref_slice %arg5[%add3A_382, %dma_wait3A_388] : memref<80x125xi32, #tpu.memory_space<vmem>> -> memref<1x125xi32, #tpu.memory_space<vmem>>
      %dma_wait3A_390 = tpu.memref_squeeze %dma_wait3A_389 : memref<1x125xi32, #tpu.memory_space<vmem>> -> memref<125xi32, #tpu.memory_space<vmem>>
      %dma_wait3A_391 = arith.constant 0 : i32
      %dma_wait3A_392 = arith.constant 0 : i32
      %dma_wait3A_393 = tpu.memref_slice %arg2[%dma_wait3A_391, %dma_wait3A_392] : memref<10000x64xf32, #tpu.memory_space<hbm>> -> memref<10000x64xf32, #tpu.memory_space<hbm>>
      tpu.wait_indirect_dma semaphore(%arg17 : memref<!tpu.dma_semaphore, #tpu.memory_space<semaphore_mem>>) src(%dma_wait3A_393 : memref<10000x64xf32, #tpu.memory_space<hbm>>) dst(%dma_wait3A_387 : memref<125x64xf32, #tpu.memory_space<vmem>>)
      %add3A_394 = arith.constant 7 : i32
      %add3A_395 = arith.addi %mul3A_130, %add3A_394 : i32
      %dma_start3A_396 = arith.constant 7 : i32
      %dma_start3A_397 = arith.constant 0 : i32
      %dma_start3A_398 = arith.constant 0 : i32
      %dma_start3A_399 = tpu.memref_slice %arg7[%dma_start3A_396, %dma_start3A_397, %dma_start3A_398] : memref<8x125x64xf32, #tpu.memory_space<vmem>> -> memref<1x125x64xf32, #tpu.memory_space<vmem>>
      %dma_start3A_400 = tpu.memref_squeeze %dma_start3A_399 : memref<1x125x64xf32, #tpu.memory_space<vmem>> -> memref<125x64xf32, #tpu.memory_space<vmem>>
      %dma_start3A_401 = arith.constant 0 : i32
      %dma_start3A_402 = tpu.memref_slice %arg6[%add3A_395, %dma_start3A_401] : memref<80x125xi32, #tpu.memory_space<vmem>> -> memref<1x125xi32, #tpu.memory_space<vmem>>
      %dma_start3A_403 = tpu.memref_squeeze %dma_start3A_402 : memref<1x125xi32, #tpu.memory_space<vmem>> -> memref<125xi32, #tpu.memory_space<vmem>>
      %dma_start3A_404 = arith.constant 0 : i32
      %dma_start3A_405 = arith.constant 0 : i32
      %dma_start3A_406 = tpu.memref_slice %arg9[%dma_start3A_404, %dma_start3A_405] : memref<10240x64xf32, #tpu.memory_space<vmem_shared>> -> memref<10240x64xf32, #tpu.memory_space<vmem_shared>>
      tpu.enqueue_indirect_dma source(%dma_start3A_400 : memref<125x64xf32, #tpu.memory_space<vmem>>) target(%dma_start3A_406 : memref<10240x64xf32, #tpu.memory_space<vmem_shared>>) offsets(%dma_start3A_403 : memref<125xi32, #tpu.memory_space<vmem>>) semaphore(%arg25 : memref<!tpu.dma_semaphore, #tpu.memory_space<semaphore_mem>>) {add = true}
      %add3A_407 = arith.constant 4 : i32
      %add3A_408 = arith.addi %mul3A_130, %add3A_407 : i32
      %dma_wait3A_409 = arith.constant 4 : i32
      %dma_wait3A_410 = arith.constant 0 : i32
      %dma_wait3A_411 = arith.constant 0 : i32
      %dma_wait3A_412 = tpu.memref_slice %arg7[%dma_wait3A_409, %dma_wait3A_410, %dma_wait3A_411] : memref<8x125x64xf32, #tpu.memory_space<vmem>> -> memref<1x125x64xf32, #tpu.memory_space<vmem>>
      %dma_wait3A_413 = tpu.memref_squeeze %dma_wait3A_412 : memref<1x125x64xf32, #tpu.memory_space<vmem>> -> memref<125x64xf32, #tpu.memory_space<vmem>>
      %dma_wait3A_414 = arith.constant 0 : i32
      %dma_wait3A_415 = tpu.memref_slice %arg6[%add3A_408, %dma_wait3A_414] : memref<80x125xi32, #tpu.memory_space<vmem>> -> memref<1x125xi32, #tpu.memory_space<vmem>>
      %dma_wait3A_416 = tpu.memref_squeeze %dma_wait3A_415 : memref<1x125xi32, #tpu.memory_space<vmem>> -> memref<125xi32, #tpu.memory_space<vmem>>
      %dma_wait3A_417 = arith.constant 0 : i32
      %dma_wait3A_418 = arith.constant 0 : i32
      %dma_wait3A_419 = tpu.memref_slice %arg9[%dma_wait3A_417, %dma_wait3A_418] : memref<10240x64xf32, #tpu.memory_space<vmem_shared>> -> memref<10240x64xf32, #tpu.memory_space<vmem_shared>>
      tpu.wait_indirect_dma semaphore(%arg22 : memref<!tpu.dma_semaphore, #tpu.memory_space<semaphore_mem>>) src(%dma_wait3A_413 : memref<125x64xf32, #tpu.memory_space<vmem>>) dst(%dma_wait3A_419 : memref<10240x64xf32, #tpu.memory_space<vmem_shared>>)
      %lt3A_420 = arith.constant 9 : i32
      %lt3A_421 = arith.cmpi slt, %scan3A_127, %lt3A_420 : i32
      %convert_element_type3A_422 = arith.extui %lt3A_421 : i1 to i32
      %cond3A_423 = arith.constant 0 : i32
      %cond3A_424 = arith.cmpi ne, %convert_element_type3A_422, %cond3A_423 : i32
      scf.if %cond3A_424 {
        %add3A_480 = arith.constant 8 : i32
        %add3A_481 = arith.addi %mul3A_130, %add3A_480 : i32
        %add3A_482 = arith.constant 4 : i32
        %add3A_483 = arith.addi %add3A_481, %add3A_482 : i32
        %dma_start3A_484 = arith.constant 4 : i32
        %dma_start3A_485 = arith.constant 0 : i32
        %dma_start3A_486 = arith.constant 0 : i32
        %dma_start3A_487 = tpu.memref_slice %arg7[%dma_start3A_484, %dma_start3A_485, %dma_start3A_486] : memref<8x125x64xf32, #tpu.memory_space<vmem>> -> memref<1x125x64xf32, #tpu.memory_space<vmem>>
        %dma_start3A_488 = tpu.memref_squeeze %dma_start3A_487 : memref<1x125x64xf32, #tpu.memory_space<vmem>> -> memref<125x64xf32, #tpu.memory_space<vmem>>
        %dma_start3A_489 = arith.constant 0 : i32
        %dma_start3A_490 = tpu.memref_slice %arg5[%add3A_483, %dma_start3A_489] : memref<80x125xi32, #tpu.memory_space<vmem>> -> memref<1x125xi32, #tpu.memory_space<vmem>>
        %dma_start3A_491 = tpu.memref_squeeze %dma_start3A_490 : memref<1x125xi32, #tpu.memory_space<vmem>> -> memref<125xi32, #tpu.memory_space<vmem>>
        %dma_start3A_492 = arith.constant 0 : i32
        %dma_start3A_493 = arith.constant 0 : i32
        %dma_start3A_494 = tpu.memref_slice %arg2[%dma_start3A_492, %dma_start3A_493] : memref<10000x64xf32, #tpu.memory_space<hbm>> -> memref<10000x64xf32, #tpu.memory_space<hbm>>
        tpu.enqueue_indirect_dma source(%dma_start3A_494 : memref<10000x64xf32, #tpu.memory_space<hbm>>) target(%dma_start3A_488 : memref<125x64xf32, #tpu.memory_space<vmem>>) offsets(%dma_start3A_491 : memref<125xi32, #tpu.memory_space<vmem>>) semaphore(%arg14 : memref<!tpu.dma_semaphore, #tpu.memory_space<semaphore_mem>>)
      } else {
      }
      %add3A_425 = arith.constant 5 : i32
      %add3A_426 = arith.addi %mul3A_130, %add3A_425 : i32
      %dma_wait3A_427 = arith.constant 5 : i32
      %dma_wait3A_428 = arith.constant 0 : i32
      %dma_wait3A_429 = arith.constant 0 : i32
      %dma_wait3A_430 = tpu.memref_slice %arg7[%dma_wait3A_427, %dma_wait3A_428, %dma_wait3A_429] : memref<8x125x64xf32, #tpu.memory_space<vmem>> -> memref<1x125x64xf32, #tpu.memory_space<vmem>>
      %dma_wait3A_431 = tpu.memref_squeeze %dma_wait3A_430 : memref<1x125x64xf32, #tpu.memory_space<vmem>> -> memref<125x64xf32, #tpu.memory_space<vmem>>
      %dma_wait3A_432 = arith.constant 0 : i32
      %dma_wait3A_433 = tpu.memref_slice %arg6[%add3A_426, %dma_wait3A_432] : memref<80x125xi32, #tpu.memory_space<vmem>> -> memref<1x125xi32, #tpu.memory_space<vmem>>
      %dma_wait3A_434 = tpu.memref_squeeze %dma_wait3A_433 : memref<1x125xi32, #tpu.memory_space<vmem>> -> memref<125xi32, #tpu.memory_space<vmem>>
      %dma_wait3A_435 = arith.constant 0 : i32
      %dma_wait3A_436 = arith.constant 0 : i32
      %dma_wait3A_437 = tpu.memref_slice %arg9[%dma_wait3A_435, %dma_wait3A_436] : memref<10240x64xf32, #tpu.memory_space<vmem_shared>> -> memref<10240x64xf32, #tpu.memory_space<vmem_shared>>
      tpu.wait_indirect_dma semaphore(%arg23 : memref<!tpu.dma_semaphore, #tpu.memory_space<semaphore_mem>>) src(%dma_wait3A_431 : memref<125x64xf32, #tpu.memory_space<vmem>>) dst(%dma_wait3A_437 : memref<10240x64xf32, #tpu.memory_space<vmem_shared>>)
      %lt3A_438 = arith.constant 9 : i32
      %lt3A_439 = arith.cmpi slt, %scan3A_127, %lt3A_438 : i32
      %convert_element_type3A_440 = arith.extui %lt3A_439 : i1 to i32
      %cond3A_441 = arith.constant 0 : i32
      %cond3A_442 = arith.cmpi ne, %convert_element_type3A_440, %cond3A_441 : i32
      scf.if %cond3A_442 {
        %add3A_480 = arith.constant 8 : i32
        %add3A_481 = arith.addi %mul3A_130, %add3A_480 : i32
        %add3A_482 = arith.constant 5 : i32
        %add3A_483 = arith.addi %add3A_481, %add3A_482 : i32
        %dma_start3A_484 = arith.constant 5 : i32
        %dma_start3A_485 = arith.constant 0 : i32
        %dma_start3A_486 = arith.constant 0 : i32
        %dma_start3A_487 = tpu.memref_slice %arg7[%dma_start3A_484, %dma_start3A_485, %dma_start3A_486] : memref<8x125x64xf32, #tpu.memory_space<vmem>> -> memref<1x125x64xf32, #tpu.memory_space<vmem>>
        %dma_start3A_488 = tpu.memref_squeeze %dma_start3A_487 : memref<1x125x64xf32, #tpu.memory_space<vmem>> -> memref<125x64xf32, #tpu.memory_space<vmem>>
        %dma_start3A_489 = arith.constant 0 : i32
        %dma_start3A_490 = tpu.memref_slice %arg5[%add3A_483, %dma_start3A_489] : memref<80x125xi32, #tpu.memory_space<vmem>> -> memref<1x125xi32, #tpu.memory_space<vmem>>
        %dma_start3A_491 = tpu.memref_squeeze %dma_start3A_490 : memref<1x125xi32, #tpu.memory_space<vmem>> -> memref<125xi32, #tpu.memory_space<vmem>>
        %dma_start3A_492 = arith.constant 0 : i32
        %dma_start3A_493 = arith.constant 0 : i32
        %dma_start3A_494 = tpu.memref_slice %arg2[%dma_start3A_492, %dma_start3A_493] : memref<10000x64xf32, #tpu.memory_space<hbm>> -> memref<10000x64xf32, #tpu.memory_space<hbm>>
        tpu.enqueue_indirect_dma source(%dma_start3A_494 : memref<10000x64xf32, #tpu.memory_space<hbm>>) target(%dma_start3A_488 : memref<125x64xf32, #tpu.memory_space<vmem>>) offsets(%dma_start3A_491 : memref<125xi32, #tpu.memory_space<vmem>>) semaphore(%arg15 : memref<!tpu.dma_semaphore, #tpu.memory_space<semaphore_mem>>)
      } else {
      }
      %add3A_443 = arith.constant 6 : i32
      %add3A_444 = arith.addi %mul3A_130, %add3A_443 : i32
      %dma_wait3A_445 = arith.constant 6 : i32
      %dma_wait3A_446 = arith.constant 0 : i32
      %dma_wait3A_447 = arith.constant 0 : i32
      %dma_wait3A_448 = tpu.memref_slice %arg7[%dma_wait3A_445, %dma_wait3A_446, %dma_wait3A_447] : memref<8x125x64xf32, #tpu.memory_space<vmem>> -> memref<1x125x64xf32, #tpu.memory_space<vmem>>
      %dma_wait3A_449 = tpu.memref_squeeze %dma_wait3A_448 : memref<1x125x64xf32, #tpu.memory_space<vmem>> -> memref<125x64xf32, #tpu.memory_space<vmem>>
      %dma_wait3A_450 = arith.constant 0 : i32
      %dma_wait3A_451 = tpu.memref_slice %arg6[%add3A_444, %dma_wait3A_450] : memref<80x125xi32, #tpu.memory_space<vmem>> -> memref<1x125xi32, #tpu.memory_space<vmem>>
      %dma_wait3A_452 = tpu.memref_squeeze %dma_wait3A_451 : memref<1x125xi32, #tpu.memory_space<vmem>> -> memref<125xi32, #tpu.memory_space<vmem>>
      %dma_wait3A_453 = arith.constant 0 : i32
      %dma_wait3A_454 = arith.constant 0 : i32
      %dma_wait3A_455 = tpu.memref_slice %arg9[%dma_wait3A_453, %dma_wait3A_454] : memref<10240x64xf32, #tpu.memory_space<vmem_shared>> -> memref<10240x64xf32, #tpu.memory_space<vmem_shared>>
      tpu.wait_indirect_dma semaphore(%arg24 : memref<!tpu.dma_semaphore, #tpu.memory_space<semaphore_mem>>) src(%dma_wait3A_449 : memref<125x64xf32, #tpu.memory_space<vmem>>) dst(%dma_wait3A_455 : memref<10240x64xf32, #tpu.memory_space<vmem_shared>>)
      %lt3A_456 = arith.constant 9 : i32
      %lt3A_457 = arith.cmpi slt, %scan3A_127, %lt3A_456 : i32
      %convert_element_type3A_458 = arith.extui %lt3A_457 : i1 to i32
      %cond3A_459 = arith.constant 0 : i32
      %cond3A_460 = arith.cmpi ne, %convert_element_type3A_458, %cond3A_459 : i32
      scf.if %cond3A_460 {
        %add3A_480 = arith.constant 8 : i32
        %add3A_481 = arith.addi %mul3A_130, %add3A_480 : i32
        %add3A_482 = arith.constant 6 : i32
        %add3A_483 = arith.addi %add3A_481, %add3A_482 : i32
        %dma_start3A_484 = arith.constant 6 : i32
        %dma_start3A_485 = arith.constant 0 : i32
        %dma_start3A_486 = arith.constant 0 : i32
        %dma_start3A_487 = tpu.memref_slice %arg7[%dma_start3A_484, %dma_start3A_485, %dma_start3A_486] : memref<8x125x64xf32, #tpu.memory_space<vmem>> -> memref<1x125x64xf32, #tpu.memory_space<vmem>>
        %dma_start3A_488 = tpu.memref_squeeze %dma_start3A_487 : memref<1x125x64xf32, #tpu.memory_space<vmem>> -> memref<125x64xf32, #tpu.memory_space<vmem>>
        %dma_start3A_489 = arith.constant 0 : i32
        %dma_start3A_490 = tpu.memref_slice %arg5[%add3A_483, %dma_start3A_489] : memref<80x125xi32, #tpu.memory_space<vmem>> -> memref<1x125xi32, #tpu.memory_space<vmem>>
        %dma_start3A_491 = tpu.memref_squeeze %dma_start3A_490 : memref<1x125xi32, #tpu.memory_space<vmem>> -> memref<125xi32, #tpu.memory_space<vmem>>
        %dma_start3A_492 = arith.constant 0 : i32
        %dma_start3A_493 = arith.constant 0 : i32
        %dma_start3A_494 = tpu.memref_slice %arg2[%dma_start3A_492, %dma_start3A_493] : memref<10000x64xf32, #tpu.memory_space<hbm>> -> memref<10000x64xf32, #tpu.memory_space<hbm>>
        tpu.enqueue_indirect_dma source(%dma_start3A_494 : memref<10000x64xf32, #tpu.memory_space<hbm>>) target(%dma_start3A_488 : memref<125x64xf32, #tpu.memory_space<vmem>>) offsets(%dma_start3A_491 : memref<125xi32, #tpu.memory_space<vmem>>) semaphore(%arg16 : memref<!tpu.dma_semaphore, #tpu.memory_space<semaphore_mem>>)
      } else {
      }
      %add3A_461 = arith.constant 7 : i32
      %add3A_462 = arith.addi %mul3A_130, %add3A_461 : i32
      %dma_wait3A_463 = arith.constant 7 : i32
      %dma_wait3A_464 = arith.constant 0 : i32
      %dma_wait3A_465 = arith.constant 0 : i32
      %dma_wait3A_466 = tpu.memref_slice %arg7[%dma_wait3A_463, %dma_wait3A_464, %dma_wait3A_465] : memref<8x125x64xf32, #tpu.memory_space<vmem>> -> memref<1x125x64xf32, #tpu.memory_space<vmem>>
      %dma_wait3A_467 = tpu.memref_squeeze %dma_wait3A_466 : memref<1x125x64xf32, #tpu.memory_space<vmem>> -> memref<125x64xf32, #tpu.memory_space<vmem>>
      %dma_wait3A_468 = arith.constant 0 : i32
      %dma_wait3A_469 = tpu.memref_slice %arg6[%add3A_462, %dma_wait3A_468] : memref<80x125xi32, #tpu.memory_space<vmem>> -> memref<1x125xi32, #tpu.memory_space<vmem>>
      %dma_wait3A_470 = tpu.memref_squeeze %dma_wait3A_469 : memref<1x125xi32, #tpu.memory_space<vmem>> -> memref<125xi32, #tpu.memory_space<vmem>>
      %dma_wait3A_471 = arith.constant 0 : i32
      %dma_wait3A_472 = arith.constant 0 : i32
      %dma_wait3A_473 = tpu.memref_slice %arg9[%dma_wait3A_471, %dma_wait3A_472] : memref<10240x64xf32, #tpu.memory_space<vmem_shared>> -> memref<10240x64xf32, #tpu.memory_space<vmem_shared>>
      tpu.wait_indirect_dma semaphore(%arg25 : memref<!tpu.dma_semaphore, #tpu.memory_space<semaphore_mem>>) src(%dma_wait3A_467 : memref<125x64xf32, #tpu.memory_space<vmem>>) dst(%dma_wait3A_473 : memref<10240x64xf32, #tpu.memory_space<vmem_shared>>)
      %lt3A_474 = arith.constant 9 : i32
      %lt3A_475 = arith.cmpi slt, %scan3A_127, %lt3A_474 : i32
      %convert_element_type3A_476 = arith.extui %lt3A_475 : i1 to i32
      %cond3A_477 = arith.constant 0 : i32
      %cond3A_478 = arith.cmpi ne, %convert_element_type3A_476, %cond3A_477 : i32
      scf.if %cond3A_478 {
        %add3A_480 = arith.constant 8 : i32
        %add3A_481 = arith.addi %mul3A_130, %add3A_480 : i32
        %add3A_482 = arith.constant 7 : i32
        %add3A_483 = arith.addi %add3A_481, %add3A_482 : i32
        %dma_start3A_484 = arith.constant 7 : i32
        %dma_start3A_485 = arith.constant 0 : i32
        %dma_start3A_486 = arith.constant 0 : i32
        %dma_start3A_487 = tpu.memref_slice %arg7[%dma_start3A_484, %dma_start3A_485, %dma_start3A_486] : memref<8x125x64xf32, #tpu.memory_space<vmem>> -> memref<1x125x64xf32, #tpu.memory_space<vmem>>
        %dma_start3A_488 = tpu.memref_squeeze %dma_start3A_487 : memref<1x125x64xf32, #tpu.memory_space<vmem>> -> memref<125x64xf32, #tpu.memory_space<vmem>>
        %dma_start3A_489 = arith.constant 0 : i32
        %dma_start3A_490 = tpu.memref_slice %arg5[%add3A_483, %dma_start3A_489] : memref<80x125xi32, #tpu.memory_space<vmem>> -> memref<1x125xi32, #tpu.memory_space<vmem>>
        %dma_start3A_491 = tpu.memref_squeeze %dma_start3A_490 : memref<1x125xi32, #tpu.memory_space<vmem>> -> memref<125xi32, #tpu.memory_space<vmem>>
        %dma_start3A_492 = arith.constant 0 : i32
        %dma_start3A_493 = arith.constant 0 : i32
        %dma_start3A_494 = tpu.memref_slice %arg2[%dma_start3A_492, %dma_start3A_493] : memref<10000x64xf32, #tpu.memory_space<hbm>> -> memref<10000x64xf32, #tpu.memory_space<hbm>>
        tpu.enqueue_indirect_dma source(%dma_start3A_494 : memref<10000x64xf32, #tpu.memory_space<hbm>>) target(%dma_start3A_488 : memref<125x64xf32, #tpu.memory_space<vmem>>) offsets(%dma_start3A_491 : memref<125xi32, #tpu.memory_space<vmem>>) semaphore(%arg17 : memref<!tpu.dma_semaphore, #tpu.memory_space<semaphore_mem>>)
      } else {
      }
      %scan3A_479 = arith.constant 0 : i32
      scf.yield %scan3A_479 : i32
    }
    %scan3A_121 = arith.constant 10 : i32
    %barrier3A_122 = arith.constant 0 : index
    tpu.barrier barrier_id(%barrier3A_122)
    %mul3A_123 = arith.constant 625 : i32
    %mul3A_124 = arith.muli %arg1, %mul3A_123 : i32
    %mul3A_125 = arith.constant 625 : i32
    %mul3A_126 = arith.muli %arg1, %mul3A_125 : i32
    "tpu.region"() ({
      %run_scoped3A_127 = tpu.sem_alloc : memref<!tpu.dma_semaphore, #tpu.memory_space<semaphore_mem>>
      %dma_start3A_128 = arith.constant 0 : i32
      %dma_start3A_129 = tpu.memref_slice %arg4[%arg0, %mul3A_126, %dma_start3A_128] : memref<2x10000x64xf32, #tpu.memory_space<hbm>> -> memref<1x625x64xf32, #tpu.memory_space<hbm>>
      %dma_start3A_130 = tpu.memref_squeeze %dma_start3A_129 : memref<1x625x64xf32, #tpu.memory_space<hbm>> -> memref<625x64xf32, #tpu.memory_space<hbm>>
      %dma_start3A_131 = arith.constant 0 : i32
      %dma_start3A_132 = tpu.memref_slice %arg9[%mul3A_124, %dma_start3A_131] : memref<10240x64xf32, #tpu.memory_space<vmem_shared>> -> memref<625x64xf32, #tpu.memory_space<vmem_shared>>
      tpu.enqueue_dma source(%dma_start3A_132 : memref<625x64xf32, #tpu.memory_space<vmem_shared>>) target(%dma_start3A_130 : memref<625x64xf32, #tpu.memory_space<hbm>>) target_semaphore(%run_scoped3A_127 : memref<!tpu.dma_semaphore, #tpu.memory_space<semaphore_mem>>)
      %dma_wait3A = arith.constant 0 : i32
      %dma_wait3A_133 = tpu.memref_slice %arg4[%arg0, %mul3A_126, %dma_wait3A] : memref<2x10000x64xf32, #tpu.memory_space<hbm>> -> memref<1x625x64xf32, #tpu.memory_space<hbm>>
      %dma_wait3A_134 = tpu.memref_squeeze %dma_wait3A_133 : memref<1x625x64xf32, #tpu.memory_space<hbm>> -> memref<625x64xf32, #tpu.memory_space<hbm>>
      %dma_wait3A_135 = arith.constant 0 : i32
      %dma_wait3A_136 = tpu.memref_slice %arg9[%mul3A_124, %dma_wait3A_135] : memref<10240x64xf32, #tpu.memory_space<vmem_shared>> -> memref<625x64xf32, #tpu.memory_space<vmem_shared>>
      tpu.wait_dma2 semaphore(%run_scoped3A_127 : memref<!tpu.dma_semaphore, #tpu.memory_space<semaphore_mem>>) src(%dma_wait3A_136 : memref<625x64xf32, #tpu.memory_space<vmem_shared>>) dst(%dma_wait3A_134 : memref<625x64xf32, #tpu.memory_space<hbm>>)
      tpu.yield
    }) : () -> ()
    return
  }
}

#map = affine_map<(d0, d1) -> (0, 0, 0)>
#map1 = affine_map<(d0, d1) -> (0, 0)>
module attributes {stable_mosaic.version = 14 : i64} {
  func.func @_sc_degree(%arg0: i32, %arg1: i32, %arg2: memref<2x2560x125xi32, #tpu.memory_space<hbm>>, %arg3: memref<2x10240xf32, #tpu.memory_space<hbm>>, %arg4: memref<80x125xi32, #tpu.memory_space<vmem>>, %arg5: memref<125xf32, #tpu.memory_space<vmem>>, %arg6: memref<640xf32, #tpu.memory_space<vmem>>, %arg7: memref<10240xf32, #tpu.memory_space<vmem_shared>>, %arg8: memref<!tpu.dma_semaphore, #tpu.memory_space<semaphore_mem>>, %arg9: memref<!tpu.dma_semaphore, #tpu.memory_space<semaphore_mem>>, %arg10: memref<!tpu.dma_semaphore, #tpu.memory_space<semaphore_mem>>, %arg11: memref<!tpu.dma_semaphore, #tpu.memory_space<semaphore_mem>>) attributes {dimension_semantics = [#tpu.dimension_semantics<core_parallel>, #tpu.dimension_semantics<subcore_parallel>], iteration_bounds = array<i64: 2, 16>, scalar_prefetch = 0 : i64, scratch_operands = 8 : i64, tpu.core_type = #tpu.core_type<sc_vector_subcore>, window_params = [{transform_indices = #map}, {transform_indices = #map1}]} {
    %mul3A = arith.constant 2 : i32
    %mul3A_0 = arith.muli %arg1, %mul3A : i32
    %add3A = arith.addi %mul3A_0, %arg0 : i32
    %broadcast_in_dim3A = arith.constant 0.000000e+00 : f32
    %broadcast_in_dim3A_1 = vector.broadcast %broadcast_in_dim3A : f32 to vector<16xf32>
    %broadcast_in_dim3A_2 = arith.constant 1.000000e+00 : f32
    %broadcast_in_dim3A_3 = vector.broadcast %broadcast_in_dim3A_2 : f32 to vector<16xf32>
    %scan3A = arith.constant 0 : i32
    %scan3A_4 = arith.constant 0 : i32
    %scan3A_5 = arith.constant 40 : i32
    %scan3A_6 = arith.addi %scan3A_4, %scan3A_5 : i32
    %scan3A_7 = arith.constant 1 : i32
    %scan3A_8 = scf.for %scan3A_103 = %scan3A_4 to %scan3A_6 step %scan3A_7 iter_args(%scan3A_104 = %scan3A) -> (i32)  : i32 {
      %mul3A_105 = arith.constant 16 : i32
      %mul3A_106 = arith.muli %scan3A_103, %mul3A_105 : i32
      %swap3A_107 = arith.index_cast %mul3A_106 : i32 to index
      %swap3A_108 = tpu.vector_load %arg6[%swap3A_107] {strides = array<i32>} : memref<640xf32, #tpu.memory_space<vmem>>, vector<16xf32>,
      %swap3A_109 = vector.shape_cast %swap3A_108 : vector<16xf32> to vector<16xf32>
      %swap3A_110 = vector.shape_cast %broadcast_in_dim3A_1 : vector<16xf32> to vector<16xf32>
      tpu.vector_store %arg6[%swap3A_107], %swap3A_110 {strides = array<i32>} : memref<640xf32, #tpu.memory_space<vmem>>, vector<16xf32>,
      %scan3A_111 = arith.constant 0 : i32
      scf.yield %scan3A_111 : i32
    }
    %scan3A_9 = arith.constant 40 : i32
    %swap3A = arith.constant 0 : index
    %swap3A_10 = tpu.vector_load %arg5[%swap3A] {strides = array<i32>} : memref<125xf32, #tpu.memory_space<vmem>>, vector<16xf32>,
    %swap3A_11 = vector.shape_cast %swap3A_10 : vector<16xf32> to vector<16xf32>
    %swap3A_12 = vector.shape_cast %broadcast_in_dim3A_3 : vector<16xf32> to vector<16xf32>
    tpu.vector_store %arg5[%swap3A], %swap3A_12 {strides = array<i32>} : memref<125xf32, #tpu.memory_space<vmem>>, vector<16xf32>,
    %swap3A_13 = arith.constant 16 : index
    %swap3A_14 = tpu.vector_load %arg5[%swap3A_13] {strides = array<i32>} : memref<125xf32, #tpu.memory_space<vmem>>, vector<16xf32>,
    %swap3A_15 = vector.shape_cast %swap3A_14 : vector<16xf32> to vector<16xf32>
    %swap3A_16 = vector.shape_cast %broadcast_in_dim3A_3 : vector<16xf32> to vector<16xf32>
    tpu.vector_store %arg5[%swap3A_13], %swap3A_16 {strides = array<i32>} : memref<125xf32, #tpu.memory_space<vmem>>, vector<16xf32>,
    %swap3A_17 = arith.constant 32 : index
    %swap3A_18 = tpu.vector_load %arg5[%swap3A_17] {strides = array<i32>} : memref<125xf32, #tpu.memory_space<vmem>>, vector<16xf32>,
    %swap3A_19 = vector.shape_cast %swap3A_18 : vector<16xf32> to vector<16xf32>
    %swap3A_20 = vector.shape_cast %broadcast_in_dim3A_3 : vector<16xf32> to vector<16xf32>
    tpu.vector_store %arg5[%swap3A_17], %swap3A_20 {strides = array<i32>} : memref<125xf32, #tpu.memory_space<vmem>>, vector<16xf32>,
    %swap3A_21 = arith.constant 48 : index
    %swap3A_22 = tpu.vector_load %arg5[%swap3A_21] {strides = array<i32>} : memref<125xf32, #tpu.memory_space<vmem>>, vector<16xf32>,
    %swap3A_23 = vector.shape_cast %swap3A_22 : vector<16xf32> to vector<16xf32>
    %swap3A_24 = vector.shape_cast %broadcast_in_dim3A_3 : vector<16xf32> to vector<16xf32>
    tpu.vector_store %arg5[%swap3A_21], %swap3A_24 {strides = array<i32>} : memref<125xf32, #tpu.memory_space<vmem>>, vector<16xf32>,
    %swap3A_25 = arith.constant 64 : index
    %swap3A_26 = tpu.vector_load %arg5[%swap3A_25] {strides = array<i32>} : memref<125xf32, #tpu.memory_space<vmem>>, vector<16xf32>,
    %swap3A_27 = vector.shape_cast %swap3A_26 : vector<16xf32> to vector<16xf32>
    %swap3A_28 = vector.shape_cast %broadcast_in_dim3A_3 : vector<16xf32> to vector<16xf32>
    tpu.vector_store %arg5[%swap3A_25], %swap3A_28 {strides = array<i32>} : memref<125xf32, #tpu.memory_space<vmem>>, vector<16xf32>,
    %swap3A_29 = arith.constant 80 : index
    %swap3A_30 = tpu.vector_load %arg5[%swap3A_29] {strides = array<i32>} : memref<125xf32, #tpu.memory_space<vmem>>, vector<16xf32>,
    %swap3A_31 = vector.shape_cast %swap3A_30 : vector<16xf32> to vector<16xf32>
    %swap3A_32 = vector.shape_cast %broadcast_in_dim3A_3 : vector<16xf32> to vector<16xf32>
    tpu.vector_store %arg5[%swap3A_29], %swap3A_32 {strides = array<i32>} : memref<125xf32, #tpu.memory_space<vmem>>, vector<16xf32>,
    %swap3A_33 = arith.constant 96 : index
    %swap3A_34 = tpu.vector_load %arg5[%swap3A_33] {strides = array<i32>} : memref<125xf32, #tpu.memory_space<vmem>>, vector<16xf32>,
    %swap3A_35 = vector.shape_cast %swap3A_34 : vector<16xf32> to vector<16xf32>
    %swap3A_36 = vector.shape_cast %broadcast_in_dim3A_3 : vector<16xf32> to vector<16xf32>
    tpu.vector_store %arg5[%swap3A_33], %swap3A_36 {strides = array<i32>} : memref<125xf32, #tpu.memory_space<vmem>>, vector<16xf32>,
    %swap3A_37 = arith.constant 109 : index
    %swap3A_38 = tpu.vector_load %arg5[%swap3A_37] {strides = array<i32>} : memref<125xf32, #tpu.memory_space<vmem>>, vector<16xf32>,
    %swap3A_39 = vector.shape_cast %swap3A_38 : vector<16xf32> to vector<16xf32>
    %swap3A_40 = vector.shape_cast %broadcast_in_dim3A_3 : vector<16xf32> to vector<16xf32>
    tpu.vector_store %arg5[%swap3A_37], %swap3A_40 {strides = array<i32>} : memref<125xf32, #tpu.memory_space<vmem>>, vector<16xf32>,
    %mul3A_41 = arith.constant 640 : i32
    %mul3A_42 = arith.muli %arg1, %mul3A_41 : i32
    "tpu.region"() ({
      %run_scoped3A_103 = tpu.sem_alloc : memref<!tpu.dma_semaphore, #tpu.memory_space<semaphore_mem>>
      %dma_start3A_104 = tpu.memref_slice %arg7[%mul3A_42] : memref<10240xf32, #tpu.memory_space<vmem_shared>> -> memref<640xf32, #tpu.memory_space<vmem_shared>>
      %dma_start3A_105 = tpu.memref_slice %arg7[%mul3A_42] : memref<10240xf32, #tpu.memory_space<vmem_shared>> -> memref<640xf32, #tpu.memory_space<vmem_shared>>
      tpu.enqueue_dma source(%arg6 : memref<640xf32, #tpu.memory_space<vmem>>) target(%dma_start3A_105 : memref<640xf32, #tpu.memory_space<vmem_shared>>) target_semaphore(%run_scoped3A_103 : memref<!tpu.dma_semaphore, #tpu.memory_space<semaphore_mem>>)
      %dma_wait3A_106 = tpu.memref_slice %arg7[%mul3A_42] : memref<10240xf32, #tpu.memory_space<vmem_shared>> -> memref<640xf32, #tpu.memory_space<vmem_shared>>
      %dma_wait3A_107 = tpu.memref_slice %arg7[%mul3A_42] : memref<10240xf32, #tpu.memory_space<vmem_shared>> -> memref<640xf32, #tpu.memory_space<vmem_shared>>
      tpu.wait_dma2 semaphore(%run_scoped3A_103 : memref<!tpu.dma_semaphore, #tpu.memory_space<semaphore_mem>>) src(%arg6 : memref<640xf32, #tpu.memory_space<vmem>>) dst(%dma_wait3A_107 : memref<640xf32, #tpu.memory_space<vmem_shared>>)
      tpu.yield
    }) : () -> ()
    %mul3A_43 = arith.constant 80 : i32
    %mul3A_44 = arith.muli %add3A, %mul3A_43 : i32
    %run_scoped3A = arith.constant 1 : i32
    "tpu.region"() ({
      %run_scoped3A_103 = tpu.sem_alloc : memref<!tpu.dma_semaphore, #tpu.memory_space<semaphore_mem>>
      %dma_start3A_104 = arith.constant 0 : i32
      %dma_start3A_105 = tpu.memref_slice %arg2[%run_scoped3A, %mul3A_44, %dma_start3A_104] : memref<2x2560x125xi32, #tpu.memory_space<hbm>> -> memref<1x80x125xi32, #tpu.memory_space<hbm>>
      %dma_start3A_106 = tpu.memref_squeeze %dma_start3A_105 : memref<1x80x125xi32, #tpu.memory_space<hbm>> -> memref<80x125xi32, #tpu.memory_space<hbm>>
      %dma_start3A_107 = arith.constant 0 : i32
      %dma_start3A_108 = tpu.memref_slice %arg2[%run_scoped3A, %mul3A_44, %dma_start3A_107] : memref<2x2560x125xi32, #tpu.memory_space<hbm>> -> memref<1x80x125xi32, #tpu.memory_space<hbm>>
      %dma_start3A_109 = tpu.memref_squeeze %dma_start3A_108 : memref<1x80x125xi32, #tpu.memory_space<hbm>> -> memref<80x125xi32, #tpu.memory_space<hbm>>
      tpu.enqueue_dma source(%dma_start3A_109 : memref<80x125xi32, #tpu.memory_space<hbm>>) target(%arg4 : memref<80x125xi32, #tpu.memory_space<vmem>>) target_semaphore(%run_scoped3A_103 : memref<!tpu.dma_semaphore, #tpu.memory_space<semaphore_mem>>)
      %dma_wait3A_110 = arith.constant 0 : i32
      %dma_wait3A_111 = tpu.memref_slice %arg2[%run_scoped3A, %mul3A_44, %dma_wait3A_110] : memref<2x2560x125xi32, #tpu.memory_space<hbm>> -> memref<1x80x125xi32, #tpu.memory_space<hbm>>
      %dma_wait3A_112 = tpu.memref_squeeze %dma_wait3A_111 : memref<1x80x125xi32, #tpu.memory_space<hbm>> -> memref<80x125xi32, #tpu.memory_space<hbm>>
      %dma_wait3A_113 = arith.constant 0 : i32
      %dma_wait3A_114 = tpu.memref_slice %arg2[%run_scoped3A, %mul3A_44, %dma_wait3A_113] : memref<2x2560x125xi32, #tpu.memory_space<hbm>> -> memref<1x80x125xi32, #tpu.memory_space<hbm>>
      %dma_wait3A_115 = tpu.memref_squeeze %dma_wait3A_114 : memref<1x80x125xi32, #tpu.memory_space<hbm>> -> memref<80x125xi32, #tpu.memory_space<hbm>>
      tpu.wait_dma2 semaphore(%run_scoped3A_103 : memref<!tpu.dma_semaphore, #tpu.memory_space<semaphore_mem>>) src(%dma_wait3A_115 : memref<80x125xi32, #tpu.memory_space<hbm>>) dst(%arg4 : memref<80x125xi32, #tpu.memory_space<vmem>>)
      tpu.yield
    }) : () -> ()
    %barrier3A = arith.constant 0 : index
    tpu.barrier barrier_id(%barrier3A)
    %dma_start3A = arith.constant 0 : i32
    %dma_start3A_45 = arith.constant 0 : i32
    %dma_start3A_46 = tpu.memref_slice %arg4[%dma_start3A, %dma_start3A_45] : memref<80x125xi32, #tpu.memory_space<vmem>> -> memref<1x125xi32, #tpu.memory_space<vmem>>
    %dma_start3A_47 = tpu.memref_squeeze %dma_start3A_46 : memref<1x125xi32, #tpu.memory_space<vmem>> -> memref<125xi32, #tpu.memory_space<vmem>>
    %dma_start3A_48 = arith.constant 0 : i32
    %dma_start3A_49 = tpu.memref_slice %arg7[%dma_start3A_48] : memref<10240xf32, #tpu.memory_space<vmem_shared>> -> memref<10240xf32, #tpu.memory_space<vmem_shared>>
    tpu.enqueue_indirect_dma source(%arg5 : memref<125xf32, #tpu.memory_space<vmem>>) target(%dma_start3A_49 : memref<10240xf32, #tpu.memory_space<vmem_shared>>) offsets(%dma_start3A_47 : memref<125xi32, #tpu.memory_space<vmem>>) semaphore(%arg8 : memref<!tpu.dma_semaphore, #tpu.memory_space<semaphore_mem>>) {add = true}
    %dma_start3A_50 = arith.constant 1 : i32
    %dma_start3A_51 = arith.constant 0 : i32
    %dma_start3A_52 = tpu.memref_slice %arg4[%dma_start3A_50, %dma_start3A_51] : memref<80x125xi32, #tpu.memory_space<vmem>> -> memref<1x125xi32, #tpu.memory_space<vmem>>
    %dma_start3A_53 = tpu.memref_squeeze %dma_start3A_52 : memref<1x125xi32, #tpu.memory_space<vmem>> -> memref<125xi32, #tpu.memory_space<vmem>>
    %dma_start3A_54 = arith.constant 0 : i32
    %dma_start3A_55 = tpu.memref_slice %arg7[%dma_start3A_54] : memref<10240xf32, #tpu.memory_space<vmem_shared>> -> memref<10240xf32, #tpu.memory_space<vmem_shared>>
    tpu.enqueue_indirect_dma source(%arg5 : memref<125xf32, #tpu.memory_space<vmem>>) target(%dma_start3A_55 : memref<10240xf32, #tpu.memory_space<vmem_shared>>) offsets(%dma_start3A_53 : memref<125xi32, #tpu.memory_space<vmem>>) semaphore(%arg9 : memref<!tpu.dma_semaphore, #tpu.memory_space<semaphore_mem>>) {add = true}
    %dma_start3A_56 = arith.constant 2 : i32
    %dma_start3A_57 = arith.constant 0 : i32
    %dma_start3A_58 = tpu.memref_slice %arg4[%dma_start3A_56, %dma_start3A_57] : memref<80x125xi32, #tpu.memory_space<vmem>> -> memref<1x125xi32, #tpu.memory_space<vmem>>
    %dma_start3A_59 = tpu.memref_squeeze %dma_start3A_58 : memref<1x125xi32, #tpu.memory_space<vmem>> -> memref<125xi32, #tpu.memory_space<vmem>>
    %dma_start3A_60 = arith.constant 0 : i32
    %dma_start3A_61 = tpu.memref_slice %arg7[%dma_start3A_60] : memref<10240xf32, #tpu.memory_space<vmem_shared>> -> memref<10240xf32, #tpu.memory_space<vmem_shared>>
    tpu.enqueue_indirect_dma source(%arg5 : memref<125xf32, #tpu.memory_space<vmem>>) target(%dma_start3A_61 : memref<10240xf32, #tpu.memory_space<vmem_shared>>) offsets(%dma_start3A_59 : memref<125xi32, #tpu.memory_space<vmem>>) semaphore(%arg10 : memref<!tpu.dma_semaphore, #tpu.memory_space<semaphore_mem>>) {add = true}
    %dma_start3A_62 = arith.constant 3 : i32
    %dma_start3A_63 = arith.constant 0 : i32
    %dma_start3A_64 = tpu.memref_slice %arg4[%dma_start3A_62, %dma_start3A_63] : memref<80x125xi32, #tpu.memory_space<vmem>> -> memref<1x125xi32, #tpu.memory_space<vmem>>
    %dma_start3A_65 = tpu.memref_squeeze %dma_start3A_64 : memref<1x125xi32, #tpu.memory_space<vmem>> -> memref<125xi32, #tpu.memory_space<vmem>>
    %dma_start3A_66 = arith.constant 0 : i32
    %dma_start3A_67 = tpu.memref_slice %arg7[%dma_start3A_66] : memref<10240xf32, #tpu.memory_space<vmem_shared>> -> memref<10240xf32, #tpu.memory_space<vmem_shared>>
    tpu.enqueue_indirect_dma source(%arg5 : memref<125xf32, #tpu.memory_space<vmem>>) target(%dma_start3A_67 : memref<10240xf32, #tpu.memory_space<vmem_shared>>) offsets(%dma_start3A_65 : memref<125xi32, #tpu.memory_space<vmem>>) semaphore(%arg11 : memref<!tpu.dma_semaphore, #tpu.memory_space<semaphore_mem>>) {add = true}
    %scan3A_68 = arith.constant 0 : i32
    %scan3A_69 = arith.constant 0 : i32
    %scan3A_70 = arith.constant 19 : i32
    %scan3A_71 = arith.addi %scan3A_69, %scan3A_70 : i32
    %scan3A_72 = arith.constant 1 : i32
    %scan3A_73 = scf.for %scan3A_103 = %scan3A_69 to %scan3A_71 step %scan3A_72 iter_args(%scan3A_104 = %scan3A_68) -> (i32)  : i32 {
      %mul3A_105 = arith.constant 4 : i32
      %mul3A_106 = arith.muli %scan3A_103, %mul3A_105 : i32
      %add3A_107 = arith.constant 0 : i32
      %add3A_108 = arith.addi %mul3A_106, %add3A_107 : i32
      %dma_wait3A_109 = arith.constant 0 : i32
      %dma_wait3A_110 = tpu.memref_slice %arg4[%add3A_108, %dma_wait3A_109] : memref<80x125xi32, #tpu.memory_space<vmem>> -> memref<1x125xi32, #tpu.memory_space<vmem>>
      %dma_wait3A_111 = tpu.memref_squeeze %dma_wait3A_110 : memref<1x125xi32, #tpu.memory_space<vmem>> -> memref<125xi32, #tpu.memory_space<vmem>>
      %dma_wait3A_112 = arith.constant 0 : i32
      %dma_wait3A_113 = tpu.memref_slice %arg7[%dma_wait3A_112] : memref<10240xf32, #tpu.memory_space<vmem_shared>> -> memref<10240xf32, #tpu.memory_space<vmem_shared>>
      tpu.wait_indirect_dma semaphore(%arg8 : memref<!tpu.dma_semaphore, #tpu.memory_space<semaphore_mem>>) src(%arg5 : memref<125xf32, #tpu.memory_space<vmem>>) dst(%dma_wait3A_113 : memref<10240xf32, #tpu.memory_space<vmem_shared>>)
      %add3A_114 = arith.constant 4 : i32
      %add3A_115 = arith.addi %add3A_108, %add3A_114 : i32
      %dma_start3A_116 = arith.constant 0 : i32
      %dma_start3A_117 = tpu.memref_slice %arg4[%add3A_115, %dma_start3A_116] : memref<80x125xi32, #tpu.memory_space<vmem>> -> memref<1x125xi32, #tpu.memory_space<vmem>>
      %dma_start3A_118 = tpu.memref_squeeze %dma_start3A_117 : memref<1x125xi32, #tpu.memory_space<vmem>> -> memref<125xi32, #tpu.memory_space<vmem>>
      %dma_start3A_119 = arith.constant 0 : i32
      %dma_start3A_120 = tpu.memref_slice %arg7[%dma_start3A_119] : memref<10240xf32, #tpu.memory_space<vmem_shared>> -> memref<10240xf32, #tpu.memory_space<vmem_shared>>
      tpu.enqueue_indirect_dma source(%arg5 : memref<125xf32, #tpu.memory_space<vmem>>) target(%dma_start3A_120 : memref<10240xf32, #tpu.memory_space<vmem_shared>>) offsets(%dma_start3A_118 : memref<125xi32, #tpu.memory_space<vmem>>) semaphore(%arg8 : memref<!tpu.dma_semaphore, #tpu.memory_space<semaphore_mem>>) {add = true}
      %mul3A_121 = arith.constant 4 : i32
      %mul3A_122 = arith.muli %scan3A_103, %mul3A_121 : i32
      %add3A_123 = arith.constant 1 : i32
      %add3A_124 = arith.addi %mul3A_122, %add3A_123 : i32
      %dma_wait3A_125 = arith.constant 0 : i32
      %dma_wait3A_126 = tpu.memref_slice %arg4[%add3A_124, %dma_wait3A_125] : memref<80x125xi32, #tpu.memory_space<vmem>> -> memref<1x125xi32, #tpu.memory_space<vmem>>
      %dma_wait3A_127 = tpu.memref_squeeze %dma_wait3A_126 : memref<1x125xi32, #tpu.memory_space<vmem>> -> memref<125xi32, #tpu.memory_space<vmem>>
      %dma_wait3A_128 = arith.constant 0 : i32
      %dma_wait3A_129 = tpu.memref_slice %arg7[%dma_wait3A_128] : memref<10240xf32, #tpu.memory_space<vmem_shared>> -> memref<10240xf32, #tpu.memory_space<vmem_shared>>
      tpu.wait_indirect_dma semaphore(%arg9 : memref<!tpu.dma_semaphore, #tpu.memory_space<semaphore_mem>>) src(%arg5 : memref<125xf32, #tpu.memory_space<vmem>>) dst(%dma_wait3A_129 : memref<10240xf32, #tpu.memory_space<vmem_shared>>)
      %add3A_130 = arith.constant 4 : i32
      %add3A_131 = arith.addi %add3A_124, %add3A_130 : i32
      %dma_start3A_132 = arith.constant 0 : i32
      %dma_start3A_133 = tpu.memref_slice %arg4[%add3A_131, %dma_start3A_132] : memref<80x125xi32, #tpu.memory_space<vmem>> -> memref<1x125xi32, #tpu.memory_space<vmem>>
      %dma_start3A_134 = tpu.memref_squeeze %dma_start3A_133 : memref<1x125xi32, #tpu.memory_space<vmem>> -> memref<125xi32, #tpu.memory_space<vmem>>
      %dma_start3A_135 = arith.constant 0 : i32
      %dma_start3A_136 = tpu.memref_slice %arg7[%dma_start3A_135] : memref<10240xf32, #tpu.memory_space<vmem_shared>> -> memref<10240xf32, #tpu.memory_space<vmem_shared>>
      tpu.enqueue_indirect_dma source(%arg5 : memref<125xf32, #tpu.memory_space<vmem>>) target(%dma_start3A_136 : memref<10240xf32, #tpu.memory_space<vmem_shared>>) offsets(%dma_start3A_134 : memref<125xi32, #tpu.memory_space<vmem>>) semaphore(%arg9 : memref<!tpu.dma_semaphore, #tpu.memory_space<semaphore_mem>>) {add = true}
      %mul3A_137 = arith.constant 4 : i32
      %mul3A_138 = arith.muli %scan3A_103, %mul3A_137 : i32
      %add3A_139 = arith.constant 2 : i32
      %add3A_140 = arith.addi %mul3A_138, %add3A_139 : i32
      %dma_wait3A_141 = arith.constant 0 : i32
      %dma_wait3A_142 = tpu.memref_slice %arg4[%add3A_140, %dma_wait3A_141] : memref<80x125xi32, #tpu.memory_space<vmem>> -> memref<1x125xi32, #tpu.memory_space<vmem>>
      %dma_wait3A_143 = tpu.memref_squeeze %dma_wait3A_142 : memref<1x125xi32, #tpu.memory_space<vmem>> -> memref<125xi32, #tpu.memory_space<vmem>>
      %dma_wait3A_144 = arith.constant 0 : i32
      %dma_wait3A_145 = tpu.memref_slice %arg7[%dma_wait3A_144] : memref<10240xf32, #tpu.memory_space<vmem_shared>> -> memref<10240xf32, #tpu.memory_space<vmem_shared>>
      tpu.wait_indirect_dma semaphore(%arg10 : memref<!tpu.dma_semaphore, #tpu.memory_space<semaphore_mem>>) src(%arg5 : memref<125xf32, #tpu.memory_space<vmem>>) dst(%dma_wait3A_145 : memref<10240xf32, #tpu.memory_space<vmem_shared>>)
      %add3A_146 = arith.constant 4 : i32
      %add3A_147 = arith.addi %add3A_140, %add3A_146 : i32
      %dma_start3A_148 = arith.constant 0 : i32
      %dma_start3A_149 = tpu.memref_slice %arg4[%add3A_147, %dma_start3A_148] : memref<80x125xi32, #tpu.memory_space<vmem>> -> memref<1x125xi32, #tpu.memory_space<vmem>>
      %dma_start3A_150 = tpu.memref_squeeze %dma_start3A_149 : memref<1x125xi32, #tpu.memory_space<vmem>> -> memref<125xi32, #tpu.memory_space<vmem>>
      %dma_start3A_151 = arith.constant 0 : i32
      %dma_start3A_152 = tpu.memref_slice %arg7[%dma_start3A_151] : memref<10240xf32, #tpu.memory_space<vmem_shared>> -> memref<10240xf32, #tpu.memory_space<vmem_shared>>
      tpu.enqueue_indirect_dma source(%arg5 : memref<125xf32, #tpu.memory_space<vmem>>) target(%dma_start3A_152 : memref<10240xf32, #tpu.memory_space<vmem_shared>>) offsets(%dma_start3A_150 : memref<125xi32, #tpu.memory_space<vmem>>) semaphore(%arg10 : memref<!tpu.dma_semaphore, #tpu.memory_space<semaphore_mem>>) {add = true}
      %mul3A_153 = arith.constant 4 : i32
      %mul3A_154 = arith.muli %scan3A_103, %mul3A_153 : i32
      %add3A_155 = arith.constant 3 : i32
      %add3A_156 = arith.addi %mul3A_154, %add3A_155 : i32
      %dma_wait3A_157 = arith.constant 0 : i32
      %dma_wait3A_158 = tpu.memref_slice %arg4[%add3A_156, %dma_wait3A_157] : memref<80x125xi32, #tpu.memory_space<vmem>> -> memref<1x125xi32, #tpu.memory_space<vmem>>
      %dma_wait3A_159 = tpu.memref_squeeze %dma_wait3A_158 : memref<1x125xi32, #tpu.memory_space<vmem>> -> memref<125xi32, #tpu.memory_space<vmem>>
      %dma_wait3A_160 = arith.constant 0 : i32
      %dma_wait3A_161 = tpu.memref_slice %arg7[%dma_wait3A_160] : memref<10240xf32, #tpu.memory_space<vmem_shared>> -> memref<10240xf32, #tpu.memory_space<vmem_shared>>
      tpu.wait_indirect_dma semaphore(%arg11 : memref<!tpu.dma_semaphore, #tpu.memory_space<semaphore_mem>>) src(%arg5 : memref<125xf32, #tpu.memory_space<vmem>>) dst(%dma_wait3A_161 : memref<10240xf32, #tpu.memory_space<vmem_shared>>)
      %add3A_162 = arith.constant 4 : i32
      %add3A_163 = arith.addi %add3A_156, %add3A_162 : i32
      %dma_start3A_164 = arith.constant 0 : i32
      %dma_start3A_165 = tpu.memref_slice %arg4[%add3A_163, %dma_start3A_164] : memref<80x125xi32, #tpu.memory_space<vmem>> -> memref<1x125xi32, #tpu.memory_space<vmem>>
      %dma_start3A_166 = tpu.memref_squeeze %dma_start3A_165 : memref<1x125xi32, #tpu.memory_space<vmem>> -> memref<125xi32, #tpu.memory_space<vmem>>
      %dma_start3A_167 = arith.constant 0 : i32
      %dma_start3A_168 = tpu.memref_slice %arg7[%dma_start3A_167] : memref<10240xf32, #tpu.memory_space<vmem_shared>> -> memref<10240xf32, #tpu.memory_space<vmem_shared>>
      tpu.enqueue_indirect_dma source(%arg5 : memref<125xf32, #tpu.memory_space<vmem>>) target(%dma_start3A_168 : memref<10240xf32, #tpu.memory_space<vmem_shared>>) offsets(%dma_start3A_166 : memref<125xi32, #tpu.memory_space<vmem>>) semaphore(%arg11 : memref<!tpu.dma_semaphore, #tpu.memory_space<semaphore_mem>>) {add = true}
      %scan3A_169 = arith.constant 0 : i32
      scf.yield %scan3A_169 : i32
    }
    %scan3A_74 = arith.constant 19 : i32
    %dma_wait3A = arith.constant 76 : i32
    %dma_wait3A_75 = arith.constant 0 : i32
    %dma_wait3A_76 = tpu.memref_slice %arg4[%dma_wait3A, %dma_wait3A_75] : memref<80x125xi32, #tpu.memory_space<vmem>> -> memref<1x125xi32, #tpu.memory_space<vmem>>
    %dma_wait3A_77 = tpu.memref_squeeze %dma_wait3A_76 : memref<1x125xi32, #tpu.memory_space<vmem>> -> memref<125xi32, #tpu.memory_space<vmem>>
    %dma_wait3A_78 = arith.constant 0 : i32
    %dma_wait3A_79 = tpu.memref_slice %arg7[%dma_wait3A_78] : memref<10240xf32, #tpu.memory_space<vmem_shared>> -> memref<10240xf32, #tpu.memory_space<vmem_shared>>
    tpu.wait_indirect_dma semaphore(%arg8 : memref<!tpu.dma_semaphore, #tpu.memory_space<semaphore_mem>>) src(%arg5 : memref<125xf32, #tpu.memory_space<vmem>>) dst(%dma_wait3A_79 : memref<10240xf32, #tpu.memory_space<vmem_shared>>)
    %dma_wait3A_80 = arith.constant 77 : i32
    %dma_wait3A_81 = arith.constant 0 : i32
    %dma_wait3A_82 = tpu.memref_slice %arg4[%dma_wait3A_80, %dma_wait3A_81] : memref<80x125xi32, #tpu.memory_space<vmem>> -> memref<1x125xi32, #tpu.memory_space<vmem>>
    %dma_wait3A_83 = tpu.memref_squeeze %dma_wait3A_82 : memref<1x125xi32, #tpu.memory_space<vmem>> -> memref<125xi32, #tpu.memory_space<vmem>>
    %dma_wait3A_84 = arith.constant 0 : i32
    %dma_wait3A_85 = tpu.memref_slice %arg7[%dma_wait3A_84] : memref<10240xf32, #tpu.memory_space<vmem_shared>> -> memref<10240xf32, #tpu.memory_space<vmem_shared>>
    tpu.wait_indirect_dma semaphore(%arg9 : memref<!tpu.dma_semaphore, #tpu.memory_space<semaphore_mem>>) src(%arg5 : memref<125xf32, #tpu.memory_space<vmem>>) dst(%dma_wait3A_85 : memref<10240xf32, #tpu.memory_space<vmem_shared>>)
    %dma_wait3A_86 = arith.constant 78 : i32
    %dma_wait3A_87 = arith.constant 0 : i32
    %dma_wait3A_88 = tpu.memref_slice %arg4[%dma_wait3A_86, %dma_wait3A_87] : memref<80x125xi32, #tpu.memory_space<vmem>> -> memref<1x125xi32, #tpu.memory_space<vmem>>
    %dma_wait3A_89 = tpu.memref_squeeze %dma_wait3A_88 : memref<1x125xi32, #tpu.memory_space<vmem>> -> memref<125xi32, #tpu.memory_space<vmem>>
    %dma_wait3A_90 = arith.constant 0 : i32
    %dma_wait3A_91 = tpu.memref_slice %arg7[%dma_wait3A_90] : memref<10240xf32, #tpu.memory_space<vmem_shared>> -> memref<10240xf32, #tpu.memory_space<vmem_shared>>
    tpu.wait_indirect_dma semaphore(%arg10 : memref<!tpu.dma_semaphore, #tpu.memory_space<semaphore_mem>>) src(%arg5 : memref<125xf32, #tpu.memory_space<vmem>>) dst(%dma_wait3A_91 : memref<10240xf32, #tpu.memory_space<vmem_shared>>)
    %dma_wait3A_92 = arith.constant 79 : i32
    %dma_wait3A_93 = arith.constant 0 : i32
    %dma_wait3A_94 = tpu.memref_slice %arg4[%dma_wait3A_92, %dma_wait3A_93] : memref<80x125xi32, #tpu.memory_space<vmem>> -> memref<1x125xi32, #tpu.memory_space<vmem>>
    %dma_wait3A_95 = tpu.memref_squeeze %dma_wait3A_94 : memref<1x125xi32, #tpu.memory_space<vmem>> -> memref<125xi32, #tpu.memory_space<vmem>>
    %dma_wait3A_96 = arith.constant 0 : i32
    %dma_wait3A_97 = tpu.memref_slice %arg7[%dma_wait3A_96] : memref<10240xf32, #tpu.memory_space<vmem_shared>> -> memref<10240xf32, #tpu.memory_space<vmem_shared>>
    tpu.wait_indirect_dma semaphore(%arg11 : memref<!tpu.dma_semaphore, #tpu.memory_space<semaphore_mem>>) src(%arg5 : memref<125xf32, #tpu.memory_space<vmem>>) dst(%dma_wait3A_97 : memref<10240xf32, #tpu.memory_space<vmem_shared>>)
    %barrier3A_98 = arith.constant 0 : index
    tpu.barrier barrier_id(%barrier3A_98)
    %mul3A_99 = arith.constant 640 : i32
    %mul3A_100 = arith.muli %arg1, %mul3A_99 : i32
    %mul3A_101 = arith.constant 640 : i32
    %mul3A_102 = arith.muli %arg1, %mul3A_101 : i32
    "tpu.region"() ({
      %run_scoped3A_103 = tpu.sem_alloc : memref<!tpu.dma_semaphore, #tpu.memory_space<semaphore_mem>>
      %dma_start3A_104 = tpu.memref_slice %arg3[%arg0, %mul3A_102] : memref<2x10240xf32, #tpu.memory_space<hbm>> -> memref<1x640xf32, #tpu.memory_space<hbm>>
      %dma_start3A_105 = tpu.memref_squeeze %dma_start3A_104 : memref<1x640xf32, #tpu.memory_space<hbm>> -> memref<640xf32, #tpu.memory_space<hbm>>
      %dma_start3A_106 = tpu.memref_slice %arg7[%mul3A_100] : memref<10240xf32, #tpu.memory_space<vmem_shared>> -> memref<640xf32, #tpu.memory_space<vmem_shared>>
      tpu.enqueue_dma source(%dma_start3A_106 : memref<640xf32, #tpu.memory_space<vmem_shared>>) target(%dma_start3A_105 : memref<640xf32, #tpu.memory_space<hbm>>) target_semaphore(%run_scoped3A_103 : memref<!tpu.dma_semaphore, #tpu.memory_space<semaphore_mem>>)
      %dma_wait3A_107 = tpu.memref_slice %arg3[%arg0, %mul3A_102] : memref<2x10240xf32, #tpu.memory_space<hbm>> -> memref<1x640xf32, #tpu.memory_space<hbm>>
      %dma_wait3A_108 = tpu.memref_squeeze %dma_wait3A_107 : memref<1x640xf32, #tpu.memory_space<hbm>> -> memref<640xf32, #tpu.memory_space<hbm>>
      %dma_wait3A_109 = tpu.memref_slice %arg7[%mul3A_100] : memref<10240xf32, #tpu.memory_space<vmem_shared>> -> memref<640xf32, #tpu.memory_space<vmem_shared>>
      tpu.wait_dma2 semaphore(%run_scoped3A_103 : memref<!tpu.dma_semaphore, #tpu.memory_space<semaphore_mem>>) src(%dma_wait3A_109 : memref<640xf32, #tpu.memory_space<vmem_shared>>) dst(%dma_wait3A_108 : memref<640xf32, #tpu.memory_space<hbm>>)
      tpu.yield
    }) : () -> ()
    return
  }
}

module attributes {stable_mosaic.version = 14 : i64} {
  func.func @_mm1_body(%arg0: i32, %arg1: memref<1000x128xf32, #tpu.memory_space<vmem>>, %arg2: memref<1000x128xf32, #tpu.memory_space<vmem>>, %arg3: memref<128x64xf32, #tpu.memory_space<vmem>>, %arg4: memref<2x1000x2xf32, #tpu.memory_space<vmem>>, %arg5: memref<1000x128xf32, #tpu.memory_space<vmem>>, %arg6: memref<1000x128xf32, #tpu.memory_space<vmem>>) attributes {dimension_semantics = [#tpu.dimension_semantics<arbitrary>], iteration_bounds = array<i64: 5>, scalar_prefetch = 0 : i64, scratch_operands = 0 : i64, tpu.core_type = #tpu.core_type<tc>, window_params = [{transform_indices = @transform_0, window_bounds = array<i64: 1000, 128>}, {transform_indices = @transform_1, window_bounds = array<i64: 1000, 128>}, {pipeline_mode = #tpu.pipeline_mode<synchronous>, transform_indices = @transform_2, window_bounds = array<i64: 128, 64>}, {transform_indices = @transform_3, window_bounds = array<i64: 2, 1000, 2>}, {transform_indices = @transform_4, window_bounds = array<i64: 1000, 128>}, {transform_indices = @transform_5, window_bounds = array<i64: 1000, 128>}]} {
    %get3A = arith.constant 0 : index
    %get3A_0 = arith.constant 0 : index
    %get3A_1 = arith.constant 0 : index
    %get3A_2 = vector.load %arg4[%get3A, %get3A_0, %get3A_1] : memref<2x1000x2xf32, #tpu.memory_space<vmem>>, vector<1x1000x2xf32>
    %get3A_3 = vector.shape_cast %get3A_2 : vector<1x1000x2xf32> to vector<1000x2xf32>
    %get3A_4 = arith.constant 1 : index
    %get3A_5 = arith.constant 0 : index
    %get3A_6 = arith.constant 0 : index
    %get3A_7 = vector.load %arg4[%get3A_4, %get3A_5, %get3A_6] : memref<2x1000x2xf32, #tpu.memory_space<vmem>>, vector<1x1000x2xf32>
    %get3A_8 = vector.shape_cast %get3A_7 : vector<1x1000x2xf32> to vector<1000x2xf32>
    %add3A = arith.addf %get3A_3, %get3A_8 : vector<1000x2xf32>
    %add3A_9 = arith.constant 1.000000e+00 : f32
    %add3A_10 = vector.broadcast %add3A_9 : f32 to vector<1000x2xf32>
    %add3A_11 = arith.addf %add3A, %add3A_10 : vector<1000x2xf32>
    %slice3A = vector.extract_strided_slice %add3A_11 {offsets = [0, 0], sizes = [1000, 1], strides = [1, 1]} : vector<1000x2xf32> to vector<1000x1xf32>
    %rsqrt3A = math.rsqrt %slice3A : vector<1000x1xf32>
    %slice3A_12 = vector.extract_strided_slice %add3A_11 {offsets = [0, 1], sizes = [1000, 1], strides = [1, 1]} : vector<1000x2xf32> to vector<1000x1xf32>
    %rsqrt3A_13 = math.rsqrt %slice3A_12 : vector<1000x1xf32>
    %broadcast_in_dim3A = vector.shape_cast %rsqrt3A : vector<1000x1xf32> to vector<1000x1xf32>
    %broadcast_in_dim3A_14 = vector.broadcast %broadcast_in_dim3A : vector<1000x1xf32> to vector<1000x64xf32>
    %broadcast_in_dim3A_15 = vector.shape_cast %rsqrt3A_13 : vector<1000x1xf32> to vector<1000x1xf32>
    %broadcast_in_dim3A_16 = vector.broadcast %broadcast_in_dim3A_15 : vector<1000x1xf32> to vector<1000x64xf32>
    %get3A_17 = arith.constant 0 : index
    %get3A_18 = arith.constant 0 : index
    %get3A_19 = vector.load %arg1[%get3A_17, %get3A_18] : memref<1000x128xf32, #tpu.memory_space<vmem>>, vector<1000x128xf32>
    %get3A_20 = arith.constant 0 : index
    %get3A_21 = arith.constant 0 : index
    %get3A_22 = vector.load %arg3[%get3A_20, %get3A_21] : memref<128x64xf32, #tpu.memory_space<vmem>>, vector<128x64xf32>
    %dot_general3A = arith.constant dense<0.000000e+00> : vector<1000x64xf32>
    %dot_general3A_23 = tpu.matmul %get3A_19, %get3A_22, %dot_general3A {dimension_numbers = #tpu.dot_dimension_numbers<[1], [0], [0], [1], [0, 0, 1, 1], [], []>, transpose_lhs_hint = false} : vector<1000x128xf32>, vector<128x64xf32>, vector<1000x64xf32> -> vector<1000x64xf32>
    %get3A_24 = arith.constant 0 : index
    %get3A_25 = arith.constant 0 : index
    %get3A_26 = vector.load %arg2[%get3A_24, %get3A_25] : memref<1000x128xf32, #tpu.memory_space<vmem>>, vector<1000x128xf32>
    %get3A_27 = arith.constant 0 : index
    %get3A_28 = arith.constant 0 : index
    %get3A_29 = vector.load %arg3[%get3A_27, %get3A_28] : memref<128x64xf32, #tpu.memory_space<vmem>>, vector<128x64xf32>
    %dot_general3A_30 = arith.constant dense<0.000000e+00> : vector<1000x64xf32>
    %dot_general3A_31 = tpu.matmul %get3A_26, %get3A_29, %dot_general3A_30 {dimension_numbers = #tpu.dot_dimension_numbers<[1], [0], [0], [1], [0, 0, 1, 1], [], []>, transpose_lhs_hint = false} : vector<1000x128xf32>, vector<128x64xf32>, vector<1000x64xf32> -> vector<1000x64xf32>
    %mul3A = arith.mulf %dot_general3A_23, %broadcast_in_dim3A_14 : vector<1000x64xf32>
    %mul3A_32 = arith.mulf %dot_general3A_31, %broadcast_in_dim3A_16 : vector<1000x64xf32>
    %concatenate3A = tpu.concatenate %mul3A, %mul3A_32 in 1 : vector<1000x64xf32>, vector<1000x64xf32> -> vector<1000x128xf32>
    %swap3A = arith.constant 0 : index
    %swap3A_33 = arith.constant 0 : index
    %swap3A_34 = vector.load %arg5[%swap3A, %swap3A_33] : memref<1000x128xf32, #tpu.memory_space<vmem>>, vector<1000x128xf32>
    tpu.vector_store %arg5[%swap3A, %swap3A_33], %concatenate3A {strides = array<i32>} : memref<1000x128xf32, #tpu.memory_space<vmem>>, vector<1000x128xf32>,
    %concatenate3A_35 = tpu.concatenate %broadcast_in_dim3A_14, %broadcast_in_dim3A_16 in 1 : vector<1000x64xf32>, vector<1000x64xf32> -> vector<1000x128xf32>
    %swap3A_36 = arith.constant 0 : index
    %swap3A_37 = arith.constant 0 : index
    %swap3A_38 = vector.load %arg6[%swap3A_36, %swap3A_37] : memref<1000x128xf32, #tpu.memory_space<vmem>>, vector<1000x128xf32>
    tpu.vector_store %arg6[%swap3A_36, %swap3A_37], %concatenate3A_35 {strides = array<i32>} : memref<1000x128xf32, #tpu.memory_space<vmem>>, vector<1000x128xf32>,
    return
  }
  func.func @transform_0(%arg0: i32) -> (i32, i32) {
    %c0_i32 = arith.constant 0 : i32
    %c0_i32_0 = arith.constant 0 : i32
    return %arg0, %c0_i32 : i32, i32
  }
  func.func @transform_1(%arg0: i32) -> (i32, i32) {
    %add3A = arith.constant 5 : i32
    %add3A_0 = arith.addi %arg0, %add3A : i32
    %c0_i32 = arith.constant 0 : i32
    %c0_i32_1 = arith.constant 0 : i32
    return %add3A_0, %c0_i32 : i32, i32
  }
  func.func @transform_2(%arg0: i32) -> (i32, i32) {
    %c0_i32 = arith.constant 0 : i32
    %c0_i32_0 = arith.constant 0 : i32
    %c0_i32_1 = arith.constant 0 : i32
    return %c0_i32, %c0_i32_0 : i32, i32
  }
  func.func @transform_3(%arg0: i32) -> (i32, i32, i32) {
    %c0_i32 = arith.constant 0 : i32
    %c0_i32_0 = arith.constant 0 : i32
    %c0_i32_1 = arith.constant 0 : i32
    return %c0_i32, %arg0, %c0_i32_0 : i32, i32, i32
  }
  func.func @transform_4(%arg0: i32) -> (i32, i32) {
    %c0_i32 = arith.constant 0 : i32
    %c0_i32_0 = arith.constant 0 : i32
    return %arg0, %c0_i32 : i32, i32
  }
  func.func @transform_5(%arg0: i32) -> (i32, i32) {
    %c0_i32 = arith.constant 0 : i32
    %c0_i32_0 = arith.constant 0 : i32
    return %arg0, %c0_i32 : i32, i32
  }
}

module attributes {stable_mosaic.version = 14 : i64} {
  func.func @_combine_body(%arg0: i32, %arg1: memref<2x1000x128xf32, #tpu.memory_space<vmem>>, %arg2: memref<1000x128xf32, #tpu.memory_space<vmem>>, %arg3: memref<1000x128xf32, #tpu.memory_space<vmem>>, %arg4: memref<1x128xf32, #tpu.memory_space<vmem>>, %arg5: memref<128x128xf32, #tpu.memory_space<vmem>>, %arg6: memref<1000x128xf32, #tpu.memory_space<vmem>>) attributes {dimension_semantics = [#tpu.dimension_semantics<arbitrary>], iteration_bounds = array<i64: 5>, scalar_prefetch = 0 : i64, scratch_operands = 0 : i64, tpu.core_type = #tpu.core_type<tc>, window_params = [{transform_indices = @transform_0, window_bounds = array<i64: 2, 1000, 128>}, {transform_indices = @transform_1, window_bounds = array<i64: 1000, 128>}, {transform_indices = @transform_2, window_bounds = array<i64: 1000, 128>}, {pipeline_mode = #tpu.pipeline_mode<synchronous>, transform_indices = @transform_3, window_bounds = array<i64: 1, 128>}, {pipeline_mode = #tpu.pipeline_mode<synchronous>, transform_indices = @transform_4, window_bounds = array<i64: 128, 128>}, {transform_indices = @transform_5, window_bounds = array<i64: 1000, 128>}]} {
    %get3A = arith.constant 0 : index
    %get3A_0 = arith.constant 0 : index
    %get3A_1 = vector.load %arg3[%get3A, %get3A_0] : memref<1000x128xf32, #tpu.memory_space<vmem>>, vector<1000x128xf32>
    %get3A_2 = arith.constant 0 : index
    %get3A_3 = arith.constant 0 : index
    %get3A_4 = arith.constant 0 : index
    %get3A_5 = vector.load %arg1[%get3A_2, %get3A_3, %get3A_4] : memref<2x1000x128xf32, #tpu.memory_space<vmem>>, vector<1x1000x128xf32>
    %get3A_6 = vector.shape_cast %get3A_5 : vector<1x1000x128xf32> to vector<1000x128xf32>
    %get3A_7 = arith.constant 1 : index
    %get3A_8 = arith.constant 0 : index
    %get3A_9 = arith.constant 0 : index
    %get3A_10 = vector.load %arg1[%get3A_7, %get3A_8, %get3A_9] : memref<2x1000x128xf32, #tpu.memory_space<vmem>>, vector<1x1000x128xf32>
    %get3A_11 = vector.shape_cast %get3A_10 : vector<1x1000x128xf32> to vector<1000x128xf32>
    %add3A = arith.addf %get3A_6, %get3A_11 : vector<1000x128xf32>
    %get3A_12 = arith.constant 0 : index
    %get3A_13 = arith.constant 0 : index
    %get3A_14 = vector.load %arg2[%get3A_12, %get3A_13] : memref<1000x128xf32, #tpu.memory_space<vmem>>, vector<1000x128xf32>
    %add3A_15 = arith.addf %add3A, %get3A_14 : vector<1000x128xf32>
    %mul3A = arith.mulf %add3A_15, %get3A_1 : vector<1000x128xf32>
    %get3A_16 = arith.constant 0 : index
    %get3A_17 = arith.constant 0 : index
    %get3A_18 = vector.load %arg4[%get3A_16, %get3A_17] : memref<1x128xf32, #tpu.memory_space<vmem>>, vector<1x128xf32>
    %add3A_19 = vector.broadcast %get3A_18 : vector<1x128xf32> to vector<1000x128xf32>
    %add3A_20 = arith.addf %mul3A, %add3A_19 : vector<1000x128xf32>
    %max3A = arith.constant 0.000000e+00 : f32
    %max3A_21 = vector.broadcast %max3A : f32 to vector<1000x128xf32>
    %max3A_22 = arith.maximumf %add3A_20, %max3A_21 : vector<1000x128xf32>
    %get3A_23 = arith.constant 0 : index
    %get3A_24 = arith.constant 0 : index
    %get3A_25 = vector.load %arg5[%get3A_23, %get3A_24] : memref<128x128xf32, #tpu.memory_space<vmem>>, vector<128x128xf32>
    %dot_general3A = arith.constant dense<0.000000e+00> : vector<1000x128xf32>
    %dot_general3A_26 = tpu.matmul %max3A_22, %get3A_25, %dot_general3A {dimension_numbers = #tpu.dot_dimension_numbers<[1], [0], [0], [1], [0, 0, 1, 1], [], []>, transpose_lhs_hint = false} : vector<1000x128xf32>, vector<128x128xf32>, vector<1000x128xf32> -> vector<1000x128xf32>
    %mul3A_27 = arith.mulf %dot_general3A_26, %get3A_1 : vector<1000x128xf32>
    %swap3A = arith.constant 0 : index
    %swap3A_28 = arith.constant 0 : index
    %swap3A_29 = vector.load %arg6[%swap3A, %swap3A_28] : memref<1000x128xf32, #tpu.memory_space<vmem>>, vector<1000x128xf32>
    tpu.vector_store %arg6[%swap3A, %swap3A_28], %mul3A_27 {strides = array<i32>} : memref<1000x128xf32, #tpu.memory_space<vmem>>, vector<1000x128xf32>,
    return
  }
  func.func @transform_0(%arg0: i32) -> (i32, i32, i32) {
    %c0_i32 = arith.constant 0 : i32
    %c0_i32_0 = arith.constant 0 : i32
    %c0_i32_1 = arith.constant 0 : i32
    return %c0_i32, %arg0, %c0_i32_0 : i32, i32, i32
  }
  func.func @transform_1(%arg0: i32) -> (i32, i32) {
    %c0_i32 = arith.constant 0 : i32
    %c0_i32_0 = arith.constant 0 : i32
    return %arg0, %c0_i32 : i32, i32
  }
  func.func @transform_2(%arg0: i32) -> (i32, i32) {
    %c0_i32 = arith.constant 0 : i32
    %c0_i32_0 = arith.constant 0 : i32
    return %arg0, %c0_i32 : i32, i32
  }
  func.func @transform_3(%arg0: i32) -> (i32, i32) {
    %c0_i32 = arith.constant 0 : i32
    %c0_i32_0 = arith.constant 0 : i32
    %c0_i32_1 = arith.constant 0 : i32
    return %c0_i32, %c0_i32_0 : i32, i32
  }
  func.func @transform_4(%arg0: i32) -> (i32, i32) {
    %c0_i32 = arith.constant 0 : i32
    %c0_i32_0 = arith.constant 0 : i32
    %c0_i32_1 = arith.constant 0 : i32
    return %c0_i32, %c0_i32_0 : i32, i32
  }
  func.func @transform_5(%arg0: i32) -> (i32, i32) {
    %c0_i32 = arith.constant 0 : i32
    %c0_i32_0 = arith.constant 0 : i32
    return %arg0, %c0_i32 : i32, i32
  }
}

module attributes {stable_mosaic.version = 14 : i64} {
  func.func @_final_body(%arg0: i32, %arg1: memref<2x1000x128xf32, #tpu.memory_space<vmem>>, %arg2: memref<1000x128xf32, #tpu.memory_space<vmem>>, %arg3: memref<1000x128xf32, #tpu.memory_space<vmem>>, %arg4: memref<1x128xf32, #tpu.memory_space<vmem>>, %arg5: memref<1000x64xf32, #tpu.memory_space<vmem>>, %arg6: memref<1000x64xf32, #tpu.memory_space<vmem>>, %arg7: memref<64x16xf32, #tpu.memory_space<vmem>>, %arg8: memref<80x32xf32, #tpu.memory_space<vmem>>, %arg9: memref<1x32xf32, #tpu.memory_space<vmem>>, %arg10: memref<32x1xf32, #tpu.memory_space<vmem>>, %arg11: memref<1x1xf32, #tpu.memory_space<vmem>>, %arg12: memref<64x1xf32, #tpu.memory_space<vmem>>, %arg13: memref<64x64xf32, #tpu.memory_space<vmem>>, %arg14: memref<64x1xf32, #tpu.memory_space<vmem>>) attributes {dimension_semantics = [#tpu.dimension_semantics<arbitrary>], iteration_bounds = array<i64: 5>, scalar_prefetch = 0 : i64, scratch_operands = 2 : i64, tpu.core_type = #tpu.core_type<tc>, window_params = [{transform_indices = @transform_0, window_bounds = array<i64: 2, 1000, 128>}, {transform_indices = @transform_1, window_bounds = array<i64: 1000, 128>}, {transform_indices = @transform_2, window_bounds = array<i64: 1000, 128>}, {pipeline_mode = #tpu.pipeline_mode<synchronous>, transform_indices = @transform_3, window_bounds = array<i64: 1, 128>}, {transform_indices = @transform_4, window_bounds = array<i64: 1000, 64>}, {transform_indices = @transform_5, window_bounds = array<i64: 1000, 64>}, {pipeline_mode = #tpu.pipeline_mode<synchronous>, transform_indices = @transform_6, window_bounds = array<i64: 64, 16>}, {pipeline_mode = #tpu.pipeline_mode<synchronous>, transform_indices = @transform_7, window_bounds = array<i64: 80, 32>}, {pipeline_mode = #tpu.pipeline_mode<synchronous>, transform_indices = @transform_8, window_bounds = array<i64: 1, 32>}, {pipeline_mode = #tpu.pipeline_mode<synchronous>, transform_indices = @transform_9, window_bounds = array<i64: 32, 1>}, {pipeline_mode = #tpu.pipeline_mode<synchronous>, transform_indices = @transform_10, window_bounds = array<i64: 1, 1>}, {pipeline_mode = #tpu.pipeline_mode<synchronous>, transform_indices = @transform_11, window_bounds = array<i64: 64, 1>}]} {
    %eq3A = arith.constant 0 : i32
    %eq3A_0 = arith.cmpi eq, %arg0, %eq3A : i32
    %convert_element_type3A = arith.extui %eq3A_0 : i1 to i32
    %cond3A = arith.constant 0 : i32
    %cond3A_1 = arith.cmpi ne, %convert_element_type3A, %cond3A : i32
    scf.if %cond3A_1 {
      %broadcast_in_dim3A_60 = arith.constant 0.000000e+00 : f32
      %broadcast_in_dim3A_61 = vector.broadcast %broadcast_in_dim3A_60 : f32 to vector<64x64xf32>
      %swap3A_62 = arith.constant 0 : index
      %swap3A_63 = arith.constant 0 : index
      %swap3A_64 = vector.load %arg13[%swap3A_62, %swap3A_63] : memref<64x64xf32, #tpu.memory_space<vmem>>, vector<64x64xf32>
      tpu.vector_store %arg13[%swap3A_62, %swap3A_63], %broadcast_in_dim3A_61 {strides = array<i32>} : memref<64x64xf32, #tpu.memory_space<vmem>>, vector<64x64xf32>,
      %broadcast_in_dim3A_65 = arith.constant 0.000000e+00 : f32
      %broadcast_in_dim3A_66 = vector.broadcast %broadcast_in_dim3A_65 : f32 to vector<64x1xf32>
      %swap3A_67 = arith.constant 0 : index
      %swap3A_68 = arith.constant 0 : index
      %swap3A_69 = vector.load %arg14[%swap3A_67, %swap3A_68] : memref<64x1xf32, #tpu.memory_space<vmem>>, vector<64x1xf32>
      tpu.vector_store %arg14[%swap3A_67, %swap3A_68], %broadcast_in_dim3A_66 {strides = array<i32>} : memref<64x1xf32, #tpu.memory_space<vmem>>, vector<64x1xf32>,
    } else {
    }
    %get3A = arith.constant 0 : index
    %get3A_2 = arith.constant 0 : index
    %get3A_3 = vector.load %arg3[%get3A, %get3A_2] : memref<1000x128xf32, #tpu.memory_space<vmem>>, vector<1000x128xf32>
    %get3A_4 = arith.constant 0 : index
    %get3A_5 = arith.constant 0 : index
    %get3A_6 = arith.constant 0 : index
    %get3A_7 = vector.load %arg1[%get3A_4, %get3A_5, %get3A_6] : memref<2x1000x128xf32, #tpu.memory_space<vmem>>, vector<1x1000x128xf32>
    %get3A_8 = vector.shape_cast %get3A_7 : vector<1x1000x128xf32> to vector<1000x128xf32>
    %get3A_9 = arith.constant 1 : index
    %get3A_10 = arith.constant 0 : index
    %get3A_11 = arith.constant 0 : index
    %get3A_12 = vector.load %arg1[%get3A_9, %get3A_10, %get3A_11] : memref<2x1000x128xf32, #tpu.memory_space<vmem>>, vector<1x1000x128xf32>
    %get3A_13 = vector.shape_cast %get3A_12 : vector<1x1000x128xf32> to vector<1000x128xf32>
    %add3A = arith.addf %get3A_8, %get3A_13 : vector<1000x128xf32>
    %get3A_14 = arith.constant 0 : index
    %get3A_15 = arith.constant 0 : index
    %get3A_16 = vector.load %arg2[%get3A_14, %get3A_15] : memref<1000x128xf32, #tpu.memory_space<vmem>>, vector<1000x128xf32>
    %add3A_17 = arith.addf %add3A, %get3A_16 : vector<1000x128xf32>
    %mul3A = arith.mulf %add3A_17, %get3A_3 : vector<1000x128xf32>
    %get3A_18 = arith.constant 0 : index
    %get3A_19 = arith.constant 0 : index
    %get3A_20 = vector.load %arg4[%get3A_18, %get3A_19] : memref<1x128xf32, #tpu.memory_space<vmem>>, vector<1x128xf32>
    %add3A_21 = vector.broadcast %get3A_20 : vector<1x128xf32> to vector<1000x128xf32>
    %add3A_22 = arith.addf %mul3A, %add3A_21 : vector<1000x128xf32>
    %max3A = arith.constant 0.000000e+00 : f32
    %max3A_23 = vector.broadcast %max3A : f32 to vector<1000x128xf32>
    %max3A_24 = arith.maximumf %add3A_22, %max3A_23 : vector<1000x128xf32>
    %slice3A = vector.extract_strided_slice %max3A_24 {offsets = [0, 0], sizes = [1000, 64], strides = [1, 1]} : vector<1000x128xf32> to vector<1000x64xf32>
    %slice3A_25 = vector.extract_strided_slice %max3A_24 {offsets = [0, 64], sizes = [1000, 64], strides = [1, 1]} : vector<1000x128xf32> to vector<1000x64xf32>
    %get3A_26 = arith.constant 0 : index
    %get3A_27 = arith.constant 0 : index
    %get3A_28 = vector.load %arg5[%get3A_26, %get3A_27] : memref<1000x64xf32, #tpu.memory_space<vmem>>, vector<1000x64xf32>
    %get3A_29 = arith.constant 0 : index
    %get3A_30 = arith.constant 0 : index
    %get3A_31 = vector.load %arg6[%get3A_29, %get3A_30] : memref<1000x64xf32, #tpu.memory_space<vmem>>, vector<1000x64xf32>
    %get3A_32 = arith.constant 0 : index
    %get3A_33 = arith.constant 0 : index
    %get3A_34 = vector.load %arg13[%get3A_32, %get3A_33] : memref<64x64xf32, #tpu.memory_space<vmem>>, vector<64x64xf32>
    %dot_general3A = arith.constant dense<0.000000e+00> : vector<64x64xf32>
    %dot_general3A_35 = tpu.matmul %get3A_28, %slice3A, %dot_general3A {dimension_numbers = #tpu.dot_dimension_numbers<[0], [0], [1], [1], [0, 1, 1, 1], [], []>, transpose_lhs_hint = false} : vector<1000x64xf32>, vector<1000x64xf32>, vector<64x64xf32> -> vector<64x64xf32>
    %dot_general3A_36 = arith.constant dense<0.000000e+00> : vector<64x64xf32>
    %dot_general3A_37 = tpu.matmul %get3A_31, %slice3A_25, %dot_general3A_36 {dimension_numbers = #tpu.dot_dimension_numbers<[0], [0], [1], [1], [0, 1, 1, 1], [], []>, transpose_lhs_hint = false} : vector<1000x64xf32>, vector<1000x64xf32>, vector<64x64xf32> -> vector<64x64xf32>
    %add3A_38 = arith.addf %dot_general3A_35, %dot_general3A_37 : vector<64x64xf32>
    %add3A_39 = arith.addf %get3A_34, %add3A_38 : vector<64x64xf32>
    %swap3A = arith.constant 0 : index
    %swap3A_40 = arith.constant 0 : index
    %swap3A_41 = vector.load %arg13[%swap3A, %swap3A_40] : memref<64x64xf32, #tpu.memory_space<vmem>>, vector<64x64xf32>
    tpu.vector_store %arg13[%swap3A, %swap3A_40], %add3A_39 {strides = array<i32>} : memref<64x64xf32, #tpu.memory_space<vmem>>, vector<64x64xf32>,
    %broadcast_in_dim3A = arith.constant 1.000000e+00 : f32
    %broadcast_in_dim3A_42 = vector.broadcast %broadcast_in_dim3A : f32 to vector<1000x1xf32>
    %get3A_43 = arith.constant 0 : index
    %get3A_44 = arith.constant 0 : index
    %get3A_45 = vector.load %arg14[%get3A_43, %get3A_44] : memref<64x1xf32, #tpu.memory_space<vmem>>, vector<64x1xf32>
    %dot_general3A_46 = arith.constant dense<0.000000e+00> : vector<64x1xf32>
    %dot_general3A_47 = tpu.matmul %get3A_28, %broadcast_in_dim3A_42, %dot_general3A_46 {dimension_numbers = #tpu.dot_dimension_numbers<[0], [0], [1], [1], [0, 1, 1, 1], [], []>, transpose_lhs_hint = false} : vector<1000x64xf32>, vector<1000x1xf32>, vector<64x1xf32> -> vector<64x1xf32>
    %dot_general3A_48 = arith.constant dense<0.000000e+00> : vector<64x1xf32>
    %dot_general3A_49 = tpu.matmul %get3A_31, %broadcast_in_dim3A_42, %dot_general3A_48 {dimension_numbers = #tpu.dot_dimension_numbers<[0], [0], [1], [1], [0, 1, 1, 1], [], []>, transpose_lhs_hint = false} : vector<1000x64xf32>, vector<1000x1xf32>, vector<64x1xf32> -> vector<64x1xf32>
    %add3A_50 = arith.addf %dot_general3A_47, %dot_general3A_49 : vector<64x1xf32>
    %add3A_51 = arith.addf %get3A_45, %add3A_50 : vector<64x1xf32>
    %swap3A_52 = arith.constant 0 : index
    %swap3A_53 = arith.constant 0 : index
    %swap3A_54 = vector.load %arg14[%swap3A_52, %swap3A_53] : memref<64x1xf32, #tpu.memory_space<vmem>>, vector<64x1xf32>
    tpu.vector_store %arg14[%swap3A_52, %swap3A_53], %add3A_51 {strides = array<i32>} : memref<64x1xf32, #tpu.memory_space<vmem>>, vector<64x1xf32>,
    %eq3A_55 = arith.constant 4 : i32
    %eq3A_56 = arith.cmpi eq, %arg0, %eq3A_55 : i32
    %convert_element_type3A_57 = arith.extui %eq3A_56 : i1 to i32
    %cond3A_58 = arith.constant 0 : i32
    %cond3A_59 = arith.cmpi ne, %convert_element_type3A_57, %cond3A_58 : i32
    scf.if %cond3A_59 {
      %get3A_60 = arith.constant 0 : index
      %get3A_61 = arith.constant 0 : index
      %get3A_62 = vector.load %arg13[%get3A_60, %get3A_61] : memref<64x64xf32, #tpu.memory_space<vmem>>, vector<64x64xf32>
      %get3A_63 = arith.constant 0 : index
      %get3A_64 = arith.constant 0 : index
      %get3A_65 = vector.load %arg14[%get3A_63, %get3A_64] : memref<64x1xf32, #tpu.memory_space<vmem>>, vector<64x1xf32>
      %max3A_66 = arith.constant 1.000000e+00 : f32
      %max3A_67 = vector.broadcast %max3A_66 : f32 to vector<64x1xf32>
      %max3A_68 = arith.maximumf %get3A_65, %max3A_67 : vector<64x1xf32>
      %div3A = vector.broadcast %max3A_68 : vector<64x1xf32> to vector<64x64xf32>
      %div3A_69 = arith.divf %get3A_62, %div3A : vector<64x64xf32>
      %get3A_70 = arith.constant 0 : index
      %get3A_71 = arith.constant 0 : index
      %get3A_72 = vector.load %arg7[%get3A_70, %get3A_71] : memref<64x16xf32, #tpu.memory_space<vmem>>, vector<64x16xf32>
      %concatenate3A = tpu.concatenate %div3A_69, %get3A_72 in 1 : vector<64x64xf32>, vector<64x16xf32> -> vector<64x80xf32>
      %get3A_73 = arith.constant 0 : index
      %get3A_74 = arith.constant 0 : index
      %get3A_75 = vector.load %arg8[%get3A_73, %get3A_74] : memref<80x32xf32, #tpu.memory_space<vmem>>, vector<80x32xf32>
      %dot_general3A_76 = arith.constant dense<0.000000e+00> : vector<64x32xf32>
      %dot_general3A_77 = tpu.matmul %concatenate3A, %get3A_75, %dot_general3A_76 {dimension_numbers = #tpu.dot_dimension_numbers<[1], [0], [0], [1], [0, 0, 1, 1], [], []>, transpose_lhs_hint = false} : vector<64x80xf32>, vector<80x32xf32>, vector<64x32xf32> -> vector<64x32xf32>
      %get3A_78 = arith.constant 0 : index
      %get3A_79 = arith.constant 0 : index
      %get3A_80 = vector.load %arg9[%get3A_78, %get3A_79] : memref<1x32xf32, #tpu.memory_space<vmem>>, vector<1x32xf32>
      %add3A_81 = vector.broadcast %get3A_80 : vector<1x32xf32> to vector<64x32xf32>
      %add3A_82 = arith.addf %dot_general3A_77, %add3A_81 : vector<64x32xf32>
      %max3A_83 = arith.constant 0.000000e+00 : f32
      %max3A_84 = vector.broadcast %max3A_83 : f32 to vector<64x32xf32>
      %max3A_85 = arith.maximumf %add3A_82, %max3A_84 : vector<64x32xf32>
      %get3A_86 = arith.constant 0 : index
      %get3A_87 = arith.constant 0 : index
      %get3A_88 = vector.load %arg10[%get3A_86, %get3A_87] : memref<32x1xf32, #tpu.memory_space<vmem>>, vector<32x1xf32>
      %dot_general3A_89 = arith.constant dense<0.000000e+00> : vector<64x1xf32>
      %dot_general3A_90 = tpu.matmul %max3A_85, %get3A_88, %dot_general3A_89 {dimension_numbers = #tpu.dot_dimension_numbers<[1], [0], [0], [1], [0, 0, 1, 1], [], []>, transpose_lhs_hint = false} : vector<64x32xf32>, vector<32x1xf32>, vector<64x1xf32> -> vector<64x1xf32>
      %get3A_91 = arith.constant 0 : index
      %get3A_92 = arith.constant 0 : index
      %get3A_93 = vector.load %arg11[%get3A_91, %get3A_92] : memref<1x1xf32, #tpu.memory_space<vmem>>, vector<1x1xf32>
      %add3A_94 = vector.broadcast %get3A_93 : vector<1x1xf32> to vector<64x1xf32>
      %add3A_95 = arith.addf %dot_general3A_90, %add3A_94 : vector<64x1xf32>
      %swap3A_96 = arith.constant 0 : index
      %swap3A_97 = arith.constant 0 : index
      %swap3A_98 = vector.load %arg12[%swap3A_96, %swap3A_97] : memref<64x1xf32, #tpu.memory_space<vmem>>, vector<64x1xf32>
      tpu.vector_store %arg12[%swap3A_96, %swap3A_97], %add3A_95 {strides = array<i32>} : memref<64x1xf32, #tpu.memory_space<vmem>>, vector<64x1xf32>,
    } else {
    }
    return
  }
  func.func @transform_0(%arg0: i32) -> (i32, i32, i32) {
    %c0_i32 = arith.constant 0 : i32
    %c0_i32_0 = arith.constant 0 : i32
    %c0_i32_1 = arith.constant 0 : i32
    return %c0_i32, %arg0, %c0_i32_0 : i32, i32, i32
  }
  func.func @transform_1(%arg0: i32) -> (i32, i32) {
    %c0_i32 = arith.constant 0 : i32
    %c0_i32_0 = arith.constant 0 : i32
    return %arg0, %c0_i32 : i32, i32
  }
  func.func @transform_2(%arg0: i32) -> (i32, i32) {
    %c0_i32 = arith.constant 0 : i32
    %c0_i32_0 = arith.constant 0 : i32
    return %arg0, %c0_i32 : i32, i32
  }
  func.func @transform_3(%arg0: i32) -> (i32, i32) {
    %c0_i32 = arith.constant 0 : i32
    %c0_i32_0 = arith.constant 0 : i32
    %c0_i32_1 = arith.constant 0 : i32
    return %c0_i32, %c0_i32_0 : i32, i32
  }
  func.func @transform_4(%arg0: i32) -> (i32, i32) {
    %c0_i32 = arith.constant 0 : i32
    %c0_i32_0 = arith.constant 0 : i32
    return %arg0, %c0_i32 : i32, i32
  }
  func.func @transform_5(%arg0: i32) -> (i32, i32) {
    %c0_i32 = arith.constant 0 : i32
    %c0_i32_0 = arith.constant 0 : i32
    return %arg0, %c0_i32 : i32, i32
  }
  func.func @transform_6(%arg0: i32) -> (i32, i32) {
    %c0_i32 = arith.constant 0 : i32
    %c0_i32_0 = arith.constant 0 : i32
    %c0_i32_1 = arith.constant 0 : i32
    return %c0_i32, %c0_i32_0 : i32, i32
  }
  func.func @transform_7(%arg0: i32) -> (i32, i32) {
    %c0_i32 = arith.constant 0 : i32
    %c0_i32_0 = arith.constant 0 : i32
    %c0_i32_1 = arith.constant 0 : i32
    return %c0_i32, %c0_i32_0 : i32, i32
  }
  func.func @transform_8(%arg0: i32) -> (i32, i32) {
    %c0_i32 = arith.constant 0 : i32
    %c0_i32_0 = arith.constant 0 : i32
    %c0_i32_1 = arith.constant 0 : i32
    return %c0_i32, %c0_i32_0 : i32, i32
  }
  func.func @transform_9(%arg0: i32) -> (i32, i32) {
    %c0_i32 = arith.constant 0 : i32
    %c0_i32_0 = arith.constant 0 : i32
    %c0_i32_1 = arith.constant 0 : i32
    return %c0_i32, %c0_i32_0 : i32, i32
  }
  func.func @transform_10(%arg0: i32) -> (i32, i32) {
    %c0_i32 = arith.constant 0 : i32
    %c0_i32_0 = arith.constant 0 : i32
    %c0_i32_1 = arith.constant 0 : i32
    return %c0_i32, %c0_i32_0 : i32, i32
  }
  func.func @transform_11(%arg0: i32) -> (i32, i32) {
    %c0_i32 = arith.constant 0 : i32
    %c0_i32_0 = arith.constant 0 : i32
    %c0_i32_1 = arith.constant 0 : i32
    return %c0_i32, %c0_i32_0 : i32, i32
  }
}

</mosaic_0001>

<sc_bundles>
// kernel: kernel.11.cloned.1.call-start
scs
__scs_entry_jumppad:
0x0: {  	(pc) =	sbr.rel $0x88, $3  }
0x1: {  	(tag) =	ssettag $0x0;
	lr =	simm.s32 $0x1  }
0x2: {  	[smem:$0x3F95] =	sst lr;
	_ =	strace $0xD0000000  }
0x3: {  	_ = 	snop  }
0x4: {  	_ = 	snop  }
0x5: {  	_ = 	snop  }
0x6: {  	_ = 	snop  }
0x7: {  	_ = 	snop  }
__scs_overlays_trampoline_lowered:
0x8: {  	[smem:$0x3FA4] =	sst s0  }
0x9: {  	[smem:$0x3FA5] =	sst s1  }
0xa: {  	[smem:$0x3FA6] =	sst s2  }
0xb: {  	[smem:$0x3FA7] =	sst s3  }
0xc: {  	[smem:$0x3FA8] =	sst s4  }
0xd: {  	[smem:$0x3FA9] =	sst s5  }
0xe: {  	[smem:$0x3FAA] =	sst s6  }
0xf: {  	[smem:$0x3FAB] =	sst s7  }
0x10: {  	[smem:$0x3FAC] =	sst s8  }
0x11: {  	[smem:$0x3FAD] =	sst s9;
	s0 =	simm.s32 @!p0 $0x0  }
0x12: {  	s1 =	sld [smem:$0x3F93];
	s0 =	simm.s32 @p0 $0x1  }
0x13: {  	[smem:$0x3FAE] =	sst s0;
	s0 =	simm.s32 @!p1 $0x0  }
0x14: {  	s2 =	sld [smem:$0x3F92];
	s0 =	simm.s32 @p1 $0x1  }
0x15: {  	[smem:$0x3FAF] =	sst s0;
	s0 =	simm.s32 @!p2 $0x0  }
0x16: {  	s3 =	sld [smem:$0x3FDB];
	s0 =	simm.s32 @p2 $0x1  }
0x17: {  	s4 =	simm.s32 $0x1BF5;
	[smem:$0x3FB1] =	sst s0  }
0x18: {  	s0 =	sld [smem:$0x3F94];
	_ =	swait.ge [sflag:s4], $0x0  }
0x19: {  	s7 =	sld [smem:$0x3F95]  }
0x1a: {  	s8 =	sadd.s32 $0xFFFFE003, lr  }
0x1b: {  	s9 =	sadd.s32 $0xFFFFFEF7, lr;
	s5 =	simm.s32 $0xFFFFFFFF;
	p2 =	slt.u32 s8, $0xFFFFF086  }
0x1c: {  	p1 =	slt.u32 s9, $0xF7A;
	s5 =	simm.s32 @!p2 $0x0  }
0x1d: {  	s5 =	simm.s32 @p1 $0x1;
	p0 =	seq.s32 s7, s2  }
0x1e: {  	s7 =	smul.u32 @!p0 $0xF7A, s2;
	p2 =	seq.s32 @!p0 s5, $0x0  }
0x1f: {  	s9 =	smul.u32 $0xF7A, s1;
	s8 =	simm.s32 @!p0 $0x1BF5;
	p2 =	por !p2, p0  }
0x20: {  	[sflag:s8] =	ssyncset.s32 @!p0 $0xFFFFF086;
	s6 =	sadd.s32 @!p0 s3, s7;
	s7 =	simm.s32 @!p0 $0x108  }
0x21: {  	s3 =	sadd.s32 s3, s9;
	s6 =	sadd.s32 @!p0 $0x88, s6;
	s7 =	simm.s32 @p2 $0x1082  }
0x22: {  	[simem:s7], [sflag:s8] =	dma.local @!p0 [hbm:s6], $0xF7A  }
0x23: {  	s9 =	sor.u32 $0xD0000000, s2;
	s6 =	simm.s32 $0x108;
	_ =	swait.ge @!p0 [sflag:s8], $0x0  }
0x24: {  	s3 =	sadd.s32 $0x88, s3;
	s6 =	simm.s32 @!p1 $0x1082;
	[sflag:s4] =	ssyncset.s32 $0xFFFFF086  }
0x25: {  	[simem:s6], [sflag:s4] =	dma.local [hbm:s3], $0xF7A  }
0x26: {  	[smem:$0x3F95] =	sst s1;
	(tag) =	ssettag s2;
	_ =	strace s9  }
0x27: {  	s1 =	sld [smem:$0x3FA5]  }
0x28: {  	s2 =	sld [smem:$0x3FA6]  }
0x29: {  	s4 =	sld [smem:$0x3FA8]  }
0x2a: {  	p0 =	seq.s32 s5, $0x0;
	s5 =	sld [smem:$0x3FA9]  }
0x2b: {  	s6 =	sld [smem:$0x3FAA]  }
0x2c: {  	s7 =	sld [smem:$0x3FAB]  }
0x2d: {  	s3 =	simm.s32 $0x108;
	s8 =	sld [smem:$0x3FAC]  }
0x2e: {  	s3 =	simm.s32 @!p0 $0x1082;
	s9 =	sld [smem:$0x3FAD]  }
0x2f: {  	lr =	sadd.s32 s0, s3;
	s0 =	sld [smem:$0x3FA4]  }
0x30: {  	s3 =	sld [smem:$0x3FA7]  }
0x31: {  	[smem:$0x3FB0] =	sst s10  }
0x32: {  	s10 =	sld [smem:$0x3FAE];
	_ =	sdelay $0x3  }
0x33: {  	p0 =	seq.s32 s10, $0x1;
	s10 =	sld [smem:$0x3FB0];
	_ =	sdelay $0x3  }
0x34: {  	[smem:$0x3FB0] =	sst s10  }
0x35: {  	s10 =	sld [smem:$0x3FAF];
	_ =	sdelay $0x3  }
0x36: {  	p1 =	seq.s32 s10, $0x1;
	s10 =	sld [smem:$0x3FB0];
	_ =	sdelay $0x3  }
0x37: {  	[smem:$0x3FB0] =	sst s10  }
0x38: {  	s10 =	sld [smem:$0x3FB1]  }
0x39: {  	_ = 	snop;
	(pc) =	sbr.ind lr, $3  }
0x3a: {  	_ = 	snop  }
0x3b: {  	_ = 	snop  }
0x3c: {  	p2 =	seq.s32 s10, $0x1;
	s10 =	sld [smem:$0x3FB0]  }
0x3d: {  	_ =	shalt  }
0x3e: {  	_ =	shalt  }
0x3f: {  	_ =	shalt  }
0x40: {  	_ =	shalt  }
0x41: {  	_ =	shalt  }
0x42: {  	_ =	shalt  }
0x43: {  	_ =	shalt  }
0x44: {  	_ =	shalt  }
0x45: {  	_ =	shalt  }
0x46: {  	_ =	shalt  }
0x47: {  	_ =	shalt  }
0x48: {  	_ =	shalt  }
0x49: {  	_ =	shalt  }
0x4a: {  	_ =	shalt  }
0x4b: {  	_ =	shalt  }
0x4c: {  	_ =	shalt  }
0x4d: {  	_ =	shalt  }
0x4e: {  	_ =	shalt  }
0x4f: {  	_ =	shalt  }
0x50: {  	_ =	shalt  }
0x51: {  	_ =	shalt  }
0x52: {  	_ =	shalt  }
0x53: {  	_ =	shalt  }
0x54: {  	_ =	shalt  }
0x55: {  	_ =	shalt  }
0x56: {  	_ =	shalt  }
0x57: {  	_ =	shalt  }
0x58: {  	_ =	shalt  }
0x59: {  	_ =	shalt  }
0x5a: {  	_ =	shalt  }
0x5b: {  	_ =	shalt  }
0x5c: {  	_ =	shalt  }
0x5d: {  	_ =	shalt  }
0x5e: {  	_ =	shalt  }
0x5f: {  	_ =	shalt  }
0x60: {  	_ =	shalt  }
0x61: {  	_ =	shalt  }
0x62: {  	_ =	shalt  }
0x63: {  	_ =	shalt  }
0x64: {  	_ =	shalt  }
0x65: {  	_ =	shalt  }
0x66: {  	_ =	shalt  }
0x67: {  	_ =	shalt  }
0x68: {  	_ =	shalt  }
0x69: {  	_ =	shalt  }
0x6a: {  	_ =	shalt  }
0x6b: {  	_ =	shalt  }
0x6c: {  	_ =	shalt  }
0x6d: {  	_ =	shalt  }
0x6e: {  	_ =	shalt  }
0x6f: {  	_ =	shalt  }
0x70: {  	_ =	shalt  }
0x71: {  	_ =	shalt  }
0x72: {  	_ =	shalt  }
0x73: {  	_ =	shalt  }
0x74: {  	_ =	shalt  }
0x75: {  	_ =	shalt  }
0x76: {  	_ =	shalt  }
0x77: {  	_ =	shalt  }
0x78: {  	_ =	shalt  }
0x79: {  	_ =	shalt  }
0x7a: {  	_ =	shalt  }
0x7b: {  	_ =	shalt  }
0x7c: {  	_ =	shalt  }
0x7d: {  	_ =	shalt  }
0x7e: {  	_ =	shalt  }
0x7f: {  	_ =	shalt  }
0x80: {  	_ =	shalt  }
0x81: {  	_ =	shalt  }
0x82: {  	_ =	shalt  }
0x83: {  	_ =	shalt  }
0x84: {  	_ =	shalt  }
0x85: {  	_ =	shalt  }
0x86: {  	_ =	shalt  }
0x87: {  	_ =	shalt  }
.Lfunc_end0:
.L_simem_size_0:
called_computation.1_lowered:
.L_overlay_start_0:
0x88: {  	s2 =	sld [smem:$0x3FD9]  }
0x89: {  	s3 =	sld [smem:$0x3FFE];
	_ =	sdelay $0x1  }
0x8a: {  	s1 =	srdreg.scid  }
0x8b: {  	s0 =	sand.u32 $0x1, s1  }
0x8c: {  	s16 =	sshll.u32 s0, $0xA;
	s2 =	sadd.s32 s3, s2  }
0x8d: {  	s2 =	sadd.s32 s2, s16  }
0x8e: {  	[smem:$0x3FBC] =	sst s2  }
0x8f: {  	_ = 	snop  }
0x90: {  	(tm) =	ssettm $0x1  }
0x91: {  	s17 =	sld [smem:$0x3FFB];
	_ =	sdelay $0x3  }
0x92: {  	_ =	strace s17  }
0x93: {  	s2 =	sld [smem:$0x3FFC];
	_ =	sdelay $0x3  }
0x94: {  	_ =	strace s2  }
0x95: {  	s2 =	sld [smem:$0x3FFD];
	_ =	sdelay $0x3  }
0x96: {  	_ =	strace s2  }
0x97: {  	_ =	strace $0x8FFFFFFF  }
0x98: {  	s18 =	sld [smem:$0x3FDB];
	_ =	sdelay $0x1  }
0x99: {  	s19 =	simm.s32 $_scs_section_size  }
0x9a: {  	s4 =	simm.s32 $_size__tile_overlayer_lowered;
	s5 =	simm.s32 $_tile_overlayer_lowered  }
0x9b: {  	s22 =	simm.s32 $0x1BFF;
	s21 =	sshll.u32 s5, $0x1;
	s2 =	sadd.s32 s19, s18  }
0x9c: {  	s6 =	simm.s32 $0x0;
	s20 =	sshll.u32 s4, $0x1;
	s4 =	sadd.s32 s21, s2  }
0x9d: {  	[timem:s6], [sflag:s22] =	dma.local [hbm:s4], s20  }
0x9e: {  	_ =	swait.ge [sflag:s22], s20  }
0x9f: {  	s3 =	ssub.s32 $0x0, s20;
	[sflag:s22] =	ssyncset.done $0x0  }
0xa0: {  	[sflag:s22] =	ssyncadd.s32 s3;
	_ =	sdelay $0x1  }
0xa1: {  	s23 =	simm.s32 $0x1B8B  }
0xa2: {  	_ =	swait.ge [sflag:s23], $0x1  }
0xa3: {  	[sflag:s23] =	ssyncset.done $0x0  }
0xa4: {  	s25 =	simm.s32 $0x1B8E;
	s24 =	sld [smem:$0x3FFE];
	[sflag:s23] =	ssyncadd.s32 $0xFFFFFFFF  }
0xa5: {  	s26 =	simm.s32 $execute0_lowered;
	[smem:$0x3FD2] =	sst s25  }
0xa6: {  	s4 =	sshll.u32 s26, $0x1;
	_ =	strace $0x80000049;
	[dreg:$0x1] =	wrdreg $0xFFFFFFFF  }
0xa7: {  	s28 =	simm.s32 $_size_execute0_lowered;
	s2 =	sadd.s32 s2, s4;
	[dreg:$0x0] =	wrdreg $0x0  }
0xa8: {  	s4 =	sshll.u32 s28, $0x1;
	[dreg:$0x2] =	wrdreg s2  }
0xa9: {  	[dreg:$0x3] =	wrdreg s4  }
0xaa: {  	[dreg:$0x4] =	wrdreg $0xC0  }
0xab: {  	_ =	task [dreg:s6], $0x5FFFF  }
0xac: {  	[dreg:$0x1] =	wrdreg $0xFFFFFFFF  }
0xad: {  	[dreg:$0x0] =	wrdreg $0x60  }
0xae: {  	[dreg:$0x2] =	wrdreg s24  }
0xaf: {  	[dreg:$0x3] =	wrdreg $0x15A000  }
0xb0: {  	[dreg:$0x4] =	wrdreg $0x9  }
0xb1: {  	_ =	task.clear_ibuf [dreg:s6], $0x5FFFF;
	_ =	strace $0x90000049  }
0xb2: {  	s29 =	simm.s32 $0x9;
	_ =	strace $0x8000004B  }
0xb3: {  	_ =	swait.ge [sflag:s29], $0x1  }
0xb4: {  	[sflag:s29] =	ssyncadd.s32 $0xFFFFFFFF  }
0xb5: {  	_ =	strace $0x9000004B  }
0xb6: {  	_ =	sfence  }
0xb7: {  	s30 =	sld [smem:$0x0];
	_ =	sdelay $0x2  }
0xb8: {  	s31 =	sshll.u32 s1, $0xD;
	s1 =	sshrl.u32 s1, $0x2  }
0xb9: {  	s3 =	sand.u32 $0x4000, s31;
	s1 =	sadd.s32 s1, s30  }
0xba: {  	s0 =	sor.u32 s3, s0;
	s1 =	sshll.u32 s1, $0x11  }
0xbb: {  	s0 =	sor.u32 s1, s0  }
0xbc: {  	s0 =	sadd.s32 $0x8F2B, s0  }
0xbd: {  	[sflag:s0] =	ssyncadd.remote.s32 $0x1  }
0xbe: {  	_ =	sfence.sel $0xFFFF  }
0xbf: {  	[dreg:$0x0] =	wrdreg $0xFFFFFFFF;
	(pc) =	sbr.abs _section_cstart, $3  }
0xc0: {  	[dreg:$0x1] =	wrdreg $0xFFFFFFFF  }
0xc1: {  	_ =	task.clear_ibuf [dreg:s6], $0x2FFFF;
	_ =	strace $0x9FFFFFFF  }
0xc2: {  	(tm) =	ssettm $0x7FFFFFFF  }
0xc3: {  	_ =	shalt  }
tec
execute0_lowered:
.L_overlay_start_1:
0x0: {  	(tag) =	ssettag $0x1  }
0x1: {  	s0 =	srdreg.scid;
	s5 =	rddreg [dreg:$0x0]  }
0x2: {  	s3 =	stileid.u32;
	s2 =	rddreg [dreg:$0x1]  }
0x3: {  	s17 =	simm.s32 $0x0;
	s29 =	simm.s32 $0x8E80;
	s31 =	simm.s32 $0xADC0  }
0x4: {  	s30 =	simm.s32 $0x10B80;
	s28 =	simm.s32 $0x1;
	s10 =	simm.s32 $0x6  }
0x5: {  	s0 =	sand.u32 $0x1, s0;
	s1 =	sshll.u32 s3, $0x1;
	s7 =	smul.u32 $0x9C40, s3  }
0x6: {  	[smem:$0x7FF] =	sst s17;
	s4 =	sadd.s32 $0x17800, s5;
	s8 =	smul.u32 $0x28000, s3  }
0x7: {  	s1 =	sor.u32 s0, s1;
	s6 =	smul.u32 $0x9C400, s0;
	_ =	strace $0x8000004A  }
0x8: {  	s0 =	ssub.s32 $0x2, s0;
	s1 =	smul.u32 $0x2800, s1;
	s11 =	sshrl.u32 s8, $0x2  }
0x9: {  	s9 =	sshrl.u32 s0, $0x1;
	s15 =	sadd.s32 s7, s2;
	s12 =	sadd.s32 s11, s2  }
0xa: {  	s0 =	ssub.s32 s0, s9;
	s26 =	sshrl.u32 s15, $0x3;
	[dreg:$0x4] =	wrdreg s12  }
0xb: {  	s8 =	simm.s32 $0x9;
	s0 =	smax.u32 s0, $0x1;
	[dreg:$0x12] =	wrdreg s26  }
0xc: {  	s6 =	sadd.s32 s7, s6;
	s16 =	sadd.s32 $0x1000, s12;
	[dreg:$0x8] =	wrdreg s0  }
0xd: {  	s7 =	simm.s32 $0x4;
	s18 =	sadd.s32 $0x2000, s12;
	[dreg:$0x9] =	wrdreg s16  }
0xe: {  	s9 =	simm.s32 $0x5;
	s19 =	sadd.s32 $0x3000, s12;
	[dreg:$0xa] =	wrdreg s18  }
0xf: {  	s11 =	simm.s32 $0x7;
	s20 =	sadd.s32 $0x4000, s12;
	[dreg:$0xb] =	wrdreg s19  }
0x10: {  	s15 =	simm.s32 $0xF;
	s21 =	sadd.s32 $0x5000, s12;
	[dreg:$0xc] =	wrdreg s20  }
0x11: {  	s1 =	sshrl.u32 s1, $0x3;
	s22 =	sadd.s32 $0x6000, s12;
	[dreg:$0xd] =	wrdreg s21  }
0x12: {  	s6 =	sshrl.u32 s6, $0x3;
	s23 =	sadd.s32 $0x7000, s12;
	[dreg:$0xe] =	wrdreg s22  }
0x13: {  	s24 =	sadd.s32 $0x8000, s12;
	s25 =	sadd.s32 $0x9000, s12;
	[dreg:$0xf] =	wrdreg s23  }
0x14: {  	s26 =	simm.s32 $0x6F40;
	s12 =	simm.s32 $0x8;
	[dreg:$0x10] =	wrdreg s24  }
0x15: {  	s1 =	sadd.s32 s1, s5;
	s6 =	sadd.s32 s6, s5;
	[dreg:$0x11] =	wrdreg s25  }
0x16: {  	s20 =	simm.s32 $0x11;
	s22 =	simm.s32 $0x7D;
	s23 =	simm.s32 $0x5000  }
.Ltmp0:
0x17: {  	s0 =	simm.s32 $0xCD00;
	s13 =	sadd.s32 $0x3800, s1;
	(pc) =	sbr.rel .LBB2_1-.Ltmp0, $4  }
0x18: {  	s24 =	simm.s32 $0xEC40;
	s1 =	sadd.s32 $0xD800, s1;
	[dreg:$0x5] =	wrdreg s13  }
0x19: {  	s21 =	simm.s32 $0x12AC0;
	s14 =	sadd.s32 $0x2B200, s6;
	[dreg:$0x6] =	wrdreg s1  }
0x1a: {  	s16 =	simm.s32 $0x10;
	s6 =	simm.s32 $0x3;
	[dreg:$0x7] =	wrdreg s14  }
0x1b: {  	v0 =	vimm.f32 $0.0e+00;
	s1 =	simm.s32 $0x2;
	s13 =	simm.s32 $0xD;
	s14 =	simm.s32 $0xE  }
.LBB2_6:
0x1c: {  	_ =	swait.ge [sflag:s14], $0x1F40  }
0x1d: {  	[sflag:s14] =	ssyncset.done $0x0  }
0x1e: {  	[sflag:s14] =	ssyncadd.s32 $0xFFFFE0C0  }
0x1f: {  	_ =	swait.ge [sflag:s15], $0x1F40  }
0x20: {  	[sflag:s15] =	ssyncset.done $0x0  }
0x21: {  	[sflag:s15] =	ssyncadd.s32 $0xFFFFE0C0  }
0x22: {  	_ =	swait.ge [sflag:s16], $0x1F40  }
0x23: {  	[sflag:s16] =	ssyncset.done $0x0  }
0x24: {  	[sflag:s16] =	ssyncadd.s32 $0xFFFFE0C0  }
0x25: {  	s3 =	stileid.u32;
	[bflag:$0x0] =	sbarrier.arrive $0xFFFF  }
0x26: {  	s3 =	sshll.u32 s3, $0x6;
	s5 =	rddreg [dreg:$0x7]  }
0x27: {  	s3 =	sor.u32 $0x1C11, s3;
	s17 =	rddreg [dreg:$0x12]  }
0x28: {  	[hbm:s5], [sflag:s3] =	dma.local [spmem:s17], $0x1388  }
0x29: {  	_ =	swait.ge [sflag:s20], $0x1388  }
0x2a: {  	s19 =	rddreg [dreg:$0x3]  }
0x2b: {  	s25 =	rddreg [dreg:$0x8];
	s17 =	sadd.s32 $0x1, s19  }
0x2c: {  	p0 =	sne.s32 s17, s25  }
.Ltmp1:
0x2d: {  	_ = 	snop;
	(pc) =	sbr.rel @!p0 .LBB2_7-.Ltmp1, $3  }
0x2e: {  	_ =	sdelay $0x1  }
0x2f: {  	[sflag:s20] =	ssyncset.done $0x0  }
0x30: {  	[sflag:s20] =	ssyncadd.s32 $0xFFFFEC78  }
.LBB2_1:
0x31: {  	[dreg:$0x3] =	wrdreg s17;
	s18 =	simm.s32 $0x100;
	s17 =	simm.s32 $0x0  }
.LBB2_2:
0x32: {  	p0 =	sne.s32 s18, $0x3F00;
	[tilespmem:s17+$0x14A30] =	vst v0;
	s25 =	smov.u32 s18;
	s18 =	sadd.s32 $0x100, s18  }
.Ltmp2:
0x33: {  	[tilespmem:s17+$0x14A20] =	vst v0;
	(pc) =	sbr.rel @p0 .LBB2_2-.Ltmp2, $3  }
0x34: {  	[tilespmem:s17+$0x14A00] =	vst v0  }
0x35: {  	[tilespmem:s17+$0x14A10] =	vst v0;
	_ =	sdelay $0x1  }
0x36: {  	s17 =	sshra.s32 s25, $0x2  }
0x37: {  	[tilespmem:s17+$0x14A30] =	vst v0  }
0x38: {  	[tilespmem:s17+$0x14A20] =	vst v0  }
0x39: {  	[tilespmem:s17+$0x14A00] =	vst v0  }
0x3a: {  	[tilespmem:s17+$0x14A10] =	vst v0;
	s3 =	rddreg [dreg:$0x4];
	s5 =	simm.s32 $0x14A00  }
0x3b: {  	[spmem:s3] =	stream.linear.scatter [tilespmem:s5], [sflag:$0x11], $0x1000, $0x38;
	[tilespmem:$0x1FA00] =	vst v63  }
0x3c: {  	_ =	swait.ge [sflag:s20], $0x1000  }
0x3d: {  	[sflag:s20] =	ssyncset.done $0x0  }
0x3e: {  	s17 =	rddreg [dreg:$0x9];
	[sflag:s20] =	ssyncadd.s32 $0xFFFFF000  }
0x3f: {  	[spmem:s17] =	stream.linear.scatter [tilespmem:s5], [sflag:$0x11], $0x1000, $0x38;
	[tilespmem:$0x1FA00] =	vst v63  }
0x40: {  	_ =	swait.ge [sflag:s20], $0x1000  }
0x41: {  	[sflag:s20] =	ssyncset.done $0x0  }
0x42: {  	s18 =	rddreg [dreg:$0xa];
	[sflag:s20] =	ssyncadd.s32 $0xFFFFF000  }
0x43: {  	[spmem:s18] =	stream.linear.scatter [tilespmem:s5], [sflag:$0x11], $0x1000, $0x38;
	[tilespmem:$0x1FA00] =	vst v63  }
0x44: {  	_ =	swait.ge [sflag:s20], $0x1000  }
0x45: {  	[sflag:s20] =	ssyncset.done $0x0  }
0x46: {  	s19 =	rddreg [dreg:$0xb];
	[sflag:s20] =	ssyncadd.s32 $0xFFFFF000  }
0x47: {  	[spmem:s19] =	stream.linear.scatter [tilespmem:s5], [sflag:$0x11], $0x1000, $0x38;
	[tilespmem:$0x1FA00] =	vst v63  }
0x48: {  	_ =	swait.ge [sflag:s20], $0x1000  }
0x49: {  	[sflag:s20] =	ssyncset.done $0x0  }
0x4a: {  	s25 =	rddreg [dreg:$0xc];
	[sflag:s20] =	ssyncadd.s32 $0xFFFFF000  }
0x4b: {  	[spmem:s25] =	stream.linear.scatter [tilespmem:s5], [sflag:$0x11], $0x1000, $0x38;
	[tilespmem:$0x1FA00] =	vst v63  }
0x4c: {  	_ =	swait.ge [sflag:s20], $0x1000  }
0x4d: {  	[sflag:s20] =	ssyncset.done $0x0  }
0x4e: {  	s17 =	rddreg [dreg:$0xd];
	[sflag:s20] =	ssyncadd.s32 $0xFFFFF000  }
0x4f: {  	[spmem:s17] =	stream.linear.scatter [tilespmem:s5], [sflag:$0x11], $0x1000, $0x38;
	[tilespmem:$0x1FA00] =	vst v63  }
0x50: {  	_ =	swait.ge [sflag:s20], $0x1000  }
0x51: {  	[sflag:s20] =	ssyncset.done $0x0  }
0x52: {  	s18 =	rddreg [dreg:$0xe];
	[sflag:s20] =	ssyncadd.s32 $0xFFFFF000  }
0x53: {  	[spmem:s18] =	stream.linear.scatter [tilespmem:s5], [sflag:$0x11], $0x1000, $0x38;
	[tilespmem:$0x1FA00] =	vst v63  }
0x54: {  	_ =	swait.ge [sflag:s20], $0x1000  }
0x55: {  	[sflag:s20] =	ssyncset.done $0x0  }
0x56: {  	s19 =	rddreg [dreg:$0xf];
	[sflag:s20] =	ssyncadd.s32 $0xFFFFF000  }
0x57: {  	[spmem:s19] =	stream.linear.scatter [tilespmem:s5], [sflag:$0x11], $0x1000, $0x38;
	[tilespmem:$0x1FA00] =	vst v63  }
0x58: {  	_ =	swait.ge [sflag:s20], $0x1000  }
0x59: {  	[sflag:s20] =	ssyncset.done $0x0  }
0x5a: {  	s25 =	rddreg [dreg:$0x10];
	[sflag:s20] =	ssyncadd.s32 $0xFFFFF000  }
0x5b: {  	[spmem:s25] =	stream.linear.scatter [tilespmem:s5], [sflag:$0x11], $0x1000, $0x38;
	[tilespmem:$0x1FA00] =	vst v63  }
0x5c: {  	_ =	swait.ge [sflag:s20], $0x1000  }
0x5d: {  	[sflag:s20] =	ssyncset.done $0x0  }
0x5e: {  	s17 =	rddreg [dreg:$0x11];
	[sflag:s20] =	ssyncadd.s32 $0xFFFFF000  }
0x5f: {  	[spmem:s17] =	stream.linear.scatter [tilespmem:s5], [sflag:$0x11], $0x1000, $0x38;
	[tilespmem:$0x1FA00] =	vst v63  }
0x60: {  	_ =	swait.ge [sflag:s20], $0x1000  }
0x61: {  	[sflag:s20] =	ssyncset.done $0x0  }
0x62: {  	s17 =	simm.s32 $0x0;
	s18 =	rddreg [dreg:$0x5];
	[sflag:s20] =	ssyncadd.s32 $0xFFFFF000  }
0x63: {  	[tilespmem:s17], [sflag:$0x11] =	stream.linear.gather [hbm4b:s18+s17], $0x2800, $0x38;
	[tilespmem:$0x1FA00] =	vst v63  }
0x64: {  	_ =	swait.ge [sflag:s20], $0x2800  }
0x65: {  	[sflag:s20] =	ssyncset.done $0x0  }
0x66: {  	s25 =	simm.s32 $0x2800;
	s19 =	rddreg [dreg:$0x6];
	[sflag:s20] =	ssyncadd.s32 $0xFFFFD800  }
0x67: {  	[tilespmem:s25], [sflag:$0x11] =	stream.linear.gather [hbm4b:s19+s17], $0x2800, $0x38;
	[tilespmem:$0x1FA00] =	vst v63  }
0x68: {  	_ =	swait.ge [sflag:s20], $0x2800  }
0x69: {  	[sflag:s20] =	ssyncset.done $0x0  }
0x6a: {  	[sflag:s20] =	ssyncadd.s32 $0xFFFFD800  }
0x6b: {  	[bflag:$0x0] =	sbarrier.arrive $0xFFFF  }
0x6c: {  	[tilespmem:s23], [sflag:$0x1] =	stream.indirect.gather [hbm4b:s4+s22], $0x40, s17, s22, $0xb8;
	[tilespmem:$0x1FA00] =	vst v63  }
0x6d: {  	s18 =	simm.s32 $0x80  }
0x6e: {  	[tilespmem:s26], [sflag:$0x2] =	stream.indirect.gather [hbm4b:s4+s22], $0x40, s18, s22, $0xb8;
	[tilespmem:$0x1FA00] =	vst v63  }
0x6f: {  	s19 =	simm.s32 $0x100  }
0x70: {  	[tilespmem:s29], [sflag:$0x3] =	stream.indirect.gather [hbm4b:s4+s22], $0x40, s19, s22, $0xb8;
	[tilespmem:$0x1FA00] =	vst v63  }
0x71: {  	s25 =	simm.s32 $0x180  }
0x72: {  	[tilespmem:s31], [sflag:$0x4] =	stream.indirect.gather [hbm4b:s4+s22], $0x40, s25, s22, $0xb8;
	[tilespmem:$0x1FA00] =	vst v63  }
0x73: {  	s5 =	simm.s32 $0x200  }
0x74: {  	[tilespmem:s0], [sflag:$0x5] =	stream.indirect.gather [hbm4b:s4+s22], $0x40, s5, s22, $0xb8;
	[tilespmem:$0x1FA00] =	vst v63  }
0x75: {  	s18 =	simm.s32 $0x280  }
0x76: {  	[tilespmem:s24], [sflag:$0x6] =	stream.indirect.gather [hbm4b:s4+s22], $0x40, s18, s22, $0xb8;
	[tilespmem:$0x1FA00] =	vst v63  }
0x77: {  	s19 =	simm.s32 $0x300  }
0x78: {  	[tilespmem:s30], [sflag:$0x7] =	stream.indirect.gather [hbm4b:s4+s22], $0x40, s19, s22, $0xb8;
	[tilespmem:$0x1FA00] =	vst v63  }
0x79: {  	s25 =	simm.s32 $0x380  }
0x7a: {  	[tilespmem:s21], [sflag:$0x8] =	stream.indirect.gather [hbm4b:s4+s22], $0x40, s25, s22, $0xb8;
	[tilespmem:$0x1FA00] =	vst v63  }
.LBB2_4:
0x7b: {  	_ =	swait.ge [sflag:s28], $0x1F40  }
0x7c: {  	s18 =	sshra.s32 s17, $0x2;
	[sflag:s28] =	ssyncset.done $0x0  }
0x7d: {  	s25 =	sadd.s32 $0x2800, s18;
	[sflag:s28] =	ssyncadd.s32 $0xFFFFE0C0  }
0x7e: {  	[spmem:s2] =	stream.indirect.scatter.add.f32 [tilespmem:s23], [sflag:$0x9], $0x40, s25, s22, $0xb8;
	[tilespmem:$0x1FA00] =	vst v63  }
0x7f: {  	_ =	swait.ge [sflag:s1], $0x1F40  }
0x80: {  	[sflag:s1] =	ssyncset.done $0x0  }
0x81: {  	s3 =	sadd.s32 $0x2880, s18;
	[sflag:s1] =	ssyncadd.s32 $0xFFFFE0C0  }
0x82: {  	[spmem:s2] =	stream.indirect.scatter.add.f32 [tilespmem:s26], [sflag:$0xA], $0x40, s3, s22, $0xb8;
	[tilespmem:$0x1FA00] =	vst v63  }
0x83: {  	_ =	swait.ge [sflag:s6], $0x1F40  }
0x84: {  	[sflag:s6] =	ssyncset.done $0x0  }
0x85: {  	s5 =	sadd.s32 $0x2900, s18;
	[sflag:s6] =	ssyncadd.s32 $0xFFFFE0C0  }
0x86: {  	[spmem:s2] =	stream.indirect.scatter.add.f32 [tilespmem:s29], [sflag:$0xB], $0x40, s5, s22, $0xb8;
	[tilespmem:$0x1FA00] =	vst v63  }
0x87: {  	_ =	swait.ge [sflag:s7], $0x1F40  }
0x88: {  	[sflag:s7] =	ssyncset.done $0x0  }
0x89: {  	s19 =	sadd.s32 $0x2980, s18;
	[sflag:s7] =	ssyncadd.s32 $0xFFFFE0C0  }
0x8a: {  	[spmem:s2] =	stream.indirect.scatter.add.f32 [tilespmem:s31], [sflag:$0xC], $0x40, s19, s22, $0xb8;
	[tilespmem:$0x1FA00] =	vst v63  }
0x8b: {  	_ =	swait.ge [sflag:s8], $0x1F40  }
0x8c: {  	p0 =	seq.s32 s17, $0x9000;
	[sflag:s8] =	ssyncset.done $0x0  }
0x8d: {  	s25 =	simm.s32 @p0 $0xA;
	[sflag:s8] =	ssyncadd.s32 $0xFFFFE0C0  }
0x8e: {  	_ =	swait.ge @p0 [sflag:s25], $0x1F40  }
0x8f: {  	[sflag:s25] =	ssyncset.done @p0 $0x0  }
0x90: {  	[sflag:s25] =	ssyncadd.s32 @p0 $0xFFFFE0C0;
	s25 =	simm.s32 @p0 $0xB  }
0x91: {  	_ =	swait.ge @p0 [sflag:s25], $0x1F40  }
0x92: {  	[sflag:s25] =	ssyncset.done @p0 $0x0  }
0x93: {  	[sflag:s25] =	ssyncadd.s32 @p0 $0xFFFFE0C0;
	s25 =	simm.s32 @p0 $0xC  }
0x94: {  	_ =	swait.ge @p0 [sflag:s25], $0x1F40  }
0x95: {  	[sflag:s25] =	ssyncset.done @p0 $0x0  }
0x96: {  	[sflag:s25] =	ssyncadd.s32 @p0 $0xFFFFE0C0;
	s25 =	sshra.s32 @!p0 s17, $0x2  }
0x97: {  	s3 =	simm.s32 @!p0 $0x5000;
	s19 =	simm.s32 @!p0 $0x7D;
	s5 =	sadd.s32 @!p0 $0x400, s25  }
0x98: {  	[tilespmem:s3], [sflag:$0x1] =	stream.indirect.gather @!p0 [hbm4b:s4+s19], $0x40, s5, s19, $0xb8;
	[tilespmem:$0x1FA00] =	vst v63  }
0x99: {  	s3 =	simm.s32 @!p0 $0xA  }
0x9a: {  	_ =	swait.ge @!p0 [sflag:s3], $0x1F40  }
0x9b: {  	[sflag:s3] =	ssyncset.done @!p0 $0x0  }
0x9c: {  	s5 =	simm.s32 @!p0 $0x6F40;
	[sflag:s3] =	ssyncadd.s32 @!p0 $0xFFFFE0C0;
	s3 =	sadd.s32 @!p0 $0x480, s25  }
0x9d: {  	[tilespmem:s5], [sflag:$0x2] =	stream.indirect.gather @!p0 [hbm4b:s4+s19], $0x40, s3, s19, $0xb8;
	[tilespmem:$0x1FA00] =	vst v63  }
0x9e: {  	s3 =	simm.s32 @!p0 $0xB  }
0x9f: {  	_ =	swait.ge @!p0 [sflag:s3], $0x1F40  }
0xa0: {  	[sflag:s3] =	ssyncset.done @!p0 $0x0  }
0xa1: {  	s5 =	simm.s32 @!p0 $0x8E80;
	[sflag:s3] =	ssyncadd.s32 @!p0 $0xFFFFE0C0;
	s3 =	sadd.s32 @!p0 $0x500, s25  }
0xa2: {  	[tilespmem:s5], [sflag:$0x3] =	stream.indirect.gather @!p0 [hbm4b:s4+s19], $0x40, s3, s19, $0xb8;
	[tilespmem:$0x1FA00] =	vst v63  }
0xa3: {  	s3 =	simm.s32 @!p0 $0xC  }
0xa4: {  	_ =	swait.ge @!p0 [sflag:s3], $0x1F40  }
0xa5: {  	[sflag:s3] =	ssyncset.done @!p0 $0x0  }
0xa6: {  	s5 =	simm.s32 @!p0 $0xADC0;
	[sflag:s3] =	ssyncadd.s32 @!p0 $0xFFFFE0C0;
	s3 =	sadd.s32 @!p0 $0x580, s25  }
0xa7: {  	[tilespmem:s5], [sflag:$0x4] =	stream.indirect.gather @!p0 [hbm4b:s4+s19], $0x40, s3, s19, $0xb8;
	[tilespmem:$0x1FA00] =	vst v63  }
0xa8: {  	_ =	swait.ge [sflag:s9], $0x1F40  }
0xa9: {  	[sflag:s9] =	ssyncset.done $0x0  }
0xaa: {  	s25 =	sadd.s32 $0x2A00, s18;
	[sflag:s9] =	ssyncadd.s32 $0xFFFFE0C0  }
0xab: {  	[spmem:s2] =	stream.indirect.scatter.add.f32 [tilespmem:s0], [sflag:$0xD], $0x40, s25, s22, $0xb8;
	[tilespmem:$0x1FA00] =	vst v63  }
0xac: {  	_ =	swait.ge [sflag:s10], $0x1F40  }
0xad: {  	[sflag:s10] =	ssyncset.done $0x0  }
0xae: {  	s5 =	sadd.s32 $0x2A80, s18;
	[sflag:s10] =	ssyncadd.s32 $0xFFFFE0C0  }
0xaf: {  	[spmem:s2] =	stream.indirect.scatter.add.f32 [tilespmem:s24], [sflag:$0xE], $0x40, s5, s22, $0xb8;
	[tilespmem:$0x1FA00] =	vst v63  }
0xb0: {  	_ =	swait.ge [sflag:s11], $0x1F40  }
0xb1: {  	[sflag:s11] =	ssyncset.done $0x0  }
0xb2: {  	s19 =	sadd.s32 $0x2B00, s18;
	[sflag:s11] =	ssyncadd.s32 $0xFFFFE0C0  }
0xb3: {  	[spmem:s2] =	stream.indirect.scatter.add.f32 [tilespmem:s30], [sflag:$0xF], $0x40, s19, s22, $0xb8;
	[tilespmem:$0x1FA00] =	vst v63  }
0xb4: {  	_ =	swait.ge [sflag:s12], $0x1F40  }
0xb5: {  	[sflag:s12] =	ssyncset.done $0x0  }
.Ltmp3:
0xb6: {  	s25 =	sadd.s32 $0x2B80, s18;
	[sflag:s12] =	ssyncadd.s32 $0xFFFFE0C0;
	(pc) =	sbr.rel @p0 .LBB2_6-.Ltmp3, $4  }
0xb7: {  	[spmem:s2] =	stream.indirect.scatter.add.f32 [tilespmem:s21], [sflag:$0x10], $0x40, s25, s22, $0xb8;
	[tilespmem:$0x1FA00] =	vst v63  }
0xb8: {  	_ =	swait.ge [sflag:s13], $0x1F40  }
0xb9: {  	[sflag:s13] =	ssyncset.done $0x0  }
0xba: {  	[sflag:s13] =	ssyncadd.s32 $0xFFFFE0C0  }
0xbb: {  	s3 =	sadd.s32 $0x600, s18  }
0xbc: {  	[tilespmem:s0], [sflag:$0x5] =	stream.indirect.gather [hbm4b:s4+s22], $0x40, s3, s22, $0xb8;
	[tilespmem:$0x1FA00] =	vst v63  }
0xbd: {  	_ =	swait.ge [sflag:s14], $0x1F40  }
0xbe: {  	[sflag:s14] =	ssyncset.done $0x0  }
0xbf: {  	s5 =	sadd.s32 $0x680, s18;
	[sflag:s14] =	ssyncadd.s32 $0xFFFFE0C0  }
0xc0: {  	[tilespmem:s24], [sflag:$0x6] =	stream.indirect.gather [hbm4b:s4+s22], $0x40, s5, s22, $0xb8;
	[tilespmem:$0x1FA00] =	vst v63  }
0xc1: {  	_ =	swait.ge [sflag:s15], $0x1F40  }
0xc2: {  	[sflag:s15] =	ssyncset.done $0x0  }
0xc3: {  	s19 =	sadd.s32 $0x700, s18;
	[sflag:s15] =	ssyncadd.s32 $0xFFFFE0C0  }
0xc4: {  	[tilespmem:s30], [sflag:$0x7] =	stream.indirect.gather [hbm4b:s4+s22], $0x40, s19, s22, $0xb8;
	[tilespmem:$0x1FA00] =	vst v63  }
.Ltmp4:
0xc5: {  	_ = 	snop;
	(pc) =	sbr.rel .LBB2_4-.Ltmp4, $4  }
0xc6: {  	_ =	swait.ge [sflag:s16], $0x1F40  }
0xc7: {  	[sflag:s16] =	ssyncset.done $0x0  }
0xc8: {  	s25 =	sadd.s32 $0x780, s18;
	s17 =	sadd.s32 $0x1000, s17;
	[sflag:s16] =	ssyncadd.s32 $0xFFFFE0C0  }
0xc9: {  	[tilespmem:s21], [sflag:$0x8] =	stream.indirect.gather [hbm4b:s4+s22], $0x40, s25, s22, $0xb8;
	[tilespmem:$0x1FA00] =	vst v63  }
.LBB2_7:
0xca: {  	_ =	sfence.sel $0x180000  }
0xcb: {  	[bflag:$0x0] =	sbarrier.arrive $0xFFFF  }
0xcc: {  	_ =	strace $0x9000004A  }
0xcd: {  	s0 =	stileid.u32;
	[bflag:$0x2] =	sbarrier.arrive $0xFFFF  }
0xce: {  	p0 =	sne.s32 s0, $0x0;
	s0 =	rddreg [dreg:$0x2]  }
0xcf: {  	s0 =	sadd.s32 @!p0 $0x100000, s0  }
0xd0: {  	[sflag:s0] =	ssyncadd.tile.s32 @!p0 $0x1;
	_ =	shalt  }
.Lfunc_end2:
_tile_overlayer_lowered:
.L_overlay_start_2:
0xd1: {  	(tag) =	ssettag $0x2  }
0xd2: {  	s0 =	rddreg [dreg:$0x0];
	s2 =	stileid.u32  }
0xd3: {  	s1 =	rddreg [dreg:$0x1];
	p0 =	sne.s32 s2, $0x0  }
0xd4: {  	s3 =	rddreg [dreg:$0x2];
	[bflag:$0x3] =	sbarrier.arrive $0xFFFF;
	s2 =	simm.s32 @!p0 $0x1C11  }
0xd5: {  	[timem:s3], [sflag:s2] =	dma.local @!p0 [hbm:s0], s1  }
0xd6: {  	s0 =	simm.s32 @!p0 $0x11  }
0xd7: {  	_ =	swait.ge @!p0 [sflag:s0], s1  }
0xd8: {  	s1 =	ssub.s32 @!p0 $0x0, s1;
	[sflag:s0] =	ssyncset.done @!p0 $0x0  }
0xd9: {  	[sflag:s0] =	ssyncadd.s32 @!p0 s1  }
0xda: {  	[bflag:$0x3] =	sbarrier.arrive $0xFFFF  }
0xdb: {  	_ =	shalt  }

// kernel: kernel.14.cloned.1.call-start
scs
__scs_entry_jumppad:
0x0: {  	(pc) =	sbr.rel $0x88, $3  }
0x1: {  	(tag) =	ssettag $0x0;
	lr =	simm.s32 $0x1  }
0x2: {  	[smem:$0x3F95] =	sst lr;
	_ =	strace $0xD0000000  }
0x3: {  	_ = 	snop  }
0x4: {  	_ = 	snop  }
0x5: {  	_ = 	snop  }
0x6: {  	_ = 	snop  }
0x7: {  	_ = 	snop  }
__scs_overlays_trampoline_lowered:
0x8: {  	[smem:$0x3FA4] =	sst s0  }
0x9: {  	[smem:$0x3FA5] =	sst s1  }
0xa: {  	[smem:$0x3FA6] =	sst s2  }
0xb: {  	[smem:$0x3FA7] =	sst s3  }
0xc: {  	[smem:$0x3FA8] =	sst s4  }
0xd: {  	[smem:$0x3FA9] =	sst s5  }
0xe: {  	[smem:$0x3FAA] =	sst s6  }
0xf: {  	[smem:$0x3FAB] =	sst s7  }
0x10: {  	[smem:$0x3FAC] =	sst s8  }
0x11: {  	[smem:$0x3FAD] =	sst s9;
	s0 =	simm.s32 @!p0 $0x0  }
0x12: {  	s1 =	sld [smem:$0x3F93];
	s0 =	simm.s32 @p0 $0x1  }
0x13: {  	[smem:$0x3FAE] =	sst s0;
	s0 =	simm.s32 @!p1 $0x0  }
0x14: {  	s2 =	sld [smem:$0x3F92];
	s0 =	simm.s32 @p1 $0x1  }
0x15: {  	[smem:$0x3FAF] =	sst s0;
	s0 =	simm.s32 @!p2 $0x0  }
0x16: {  	s3 =	sld [smem:$0x3FDB];
	s0 =	simm.s32 @p2 $0x1  }
0x17: {  	s4 =	simm.s32 $0x1BF5;
	[smem:$0x3FB1] =	sst s0  }
0x18: {  	s0 =	sld [smem:$0x3F94];
	_ =	swait.ge [sflag:s4], $0x0  }
0x19: {  	s7 =	sld [smem:$0x3F95]  }
0x1a: {  	s8 =	sadd.s32 $0xFFFFE003, lr  }
0x1b: {  	s9 =	sadd.s32 $0xFFFFFEF7, lr;
	s5 =	simm.s32 $0xFFFFFFFF;
	p2 =	slt.u32 s8, $0xFFFFF086  }
0x1c: {  	p1 =	slt.u32 s9, $0xF7A;
	s5 =	simm.s32 @!p2 $0x0  }
0x1d: {  	s5 =	simm.s32 @p1 $0x1;
	p0 =	seq.s32 s7, s2  }
0x1e: {  	s7 =	smul.u32 @!p0 $0xF7A, s2;
	p2 =	seq.s32 @!p0 s5, $0x0  }
0x1f: {  	s9 =	smul.u32 $0xF7A, s1;
	s8 =	simm.s32 @!p0 $0x1BF5;
	p2 =	por !p2, p0  }
0x20: {  	[sflag:s8] =	ssyncset.s32 @!p0 $0xFFFFF086;
	s6 =	sadd.s32 @!p0 s3, s7;
	s7 =	simm.s32 @!p0 $0x108  }
0x21: {  	s3 =	sadd.s32 s3, s9;
	s6 =	sadd.s32 @!p0 $0x88, s6;
	s7 =	simm.s32 @p2 $0x1082  }
0x22: {  	[simem:s7], [sflag:s8] =	dma.local @!p0 [hbm:s6], $0xF7A  }
0x23: {  	s9 =	sor.u32 $0xD0000000, s2;
	s6 =	simm.s32 $0x108;
	_ =	swait.ge @!p0 [sflag:s8], $0x0  }
0x24: {  	s3 =	sadd.s32 $0x88, s3;
	s6 =	simm.s32 @!p1 $0x1082;
	[sflag:s4] =	ssyncset.s32 $0xFFFFF086  }
0x25: {  	[simem:s6], [sflag:s4] =	dma.local [hbm:s3], $0xF7A  }
0x26: {  	[smem:$0x3F95] =	sst s1;
	(tag) =	ssettag s2;
	_ =	strace s9  }
0x27: {  	s1 =	sld [smem:$0x3FA5]  }
0x28: {  	s2 =	sld [smem:$0x3FA6]  }
0x29: {  	s4 =	sld [smem:$0x3FA8]  }
0x2a: {  	p0 =	seq.s32 s5, $0x0;
	s5 =	sld [smem:$0x3FA9]  }
0x2b: {  	s6 =	sld [smem:$0x3FAA]  }
0x2c: {  	s7 =	sld [smem:$0x3FAB]  }
0x2d: {  	s3 =	simm.s32 $0x108;
	s8 =	sld [smem:$0x3FAC]  }
0x2e: {  	s3 =	simm.s32 @!p0 $0x1082;
	s9 =	sld [smem:$0x3FAD]  }
0x2f: {  	lr =	sadd.s32 s0, s3;
	s0 =	sld [smem:$0x3FA4]  }
0x30: {  	s3 =	sld [smem:$0x3FA7]  }
0x31: {  	[smem:$0x3FB0] =	sst s10  }
0x32: {  	s10 =	sld [smem:$0x3FAE];
	_ =	sdelay $0x3  }
0x33: {  	p0 =	seq.s32 s10, $0x1;
	s10 =	sld [smem:$0x3FB0];
	_ =	sdelay $0x3  }
0x34: {  	[smem:$0x3FB0] =	sst s10  }
0x35: {  	s10 =	sld [smem:$0x3FAF];
	_ =	sdelay $0x3  }
0x36: {  	p1 =	seq.s32 s10, $0x1;
	s10 =	sld [smem:$0x3FB0];
	_ =	sdelay $0x3  }
0x37: {  	[smem:$0x3FB0] =	sst s10  }
0x38: {  	s10 =	sld [smem:$0x3FB1]  }
0x39: {  	_ = 	snop;
	(pc) =	sbr.ind lr, $3  }
0x3a: {  	_ = 	snop  }
0x3b: {  	_ = 	snop  }
0x3c: {  	p2 =	seq.s32 s10, $0x1;
	s10 =	sld [smem:$0x3FB0]  }
0x3d: {  	_ =	shalt  }
0x3e: {  	_ =	shalt  }
0x3f: {  	_ =	shalt  }
0x40: {  	_ =	shalt  }
0x41: {  	_ =	shalt  }
0x42: {  	_ =	shalt  }
0x43: {  	_ =	shalt  }
0x44: {  	_ =	shalt  }
0x45: {  	_ =	shalt  }
0x46: {  	_ =	shalt  }
0x47: {  	_ =	shalt  }
0x48: {  	_ =	shalt  }
0x49: {  	_ =	shalt  }
0x4a: {  	_ =	shalt  }
0x4b: {  	_ =	shalt  }
0x4c: {  	_ =	shalt  }
0x4d: {  	_ =	shalt  }
0x4e: {  	_ =	shalt  }
0x4f: {  	_ =	shalt  }
0x50: {  	_ =	shalt  }
0x51: {  	_ =	shalt  }
0x52: {  	_ =	shalt  }
0x53: {  	_ =	shalt  }
0x54: {  	_ =	shalt  }
0x55: {  	_ =	shalt  }
0x56: {  	_ =	shalt  }
0x57: {  	_ =	shalt  }
0x58: {  	_ =	shalt  }
0x59: {  	_ =	shalt  }
0x5a: {  	_ =	shalt  }
0x5b: {  	_ =	shalt  }
0x5c: {  	_ =	shalt  }
0x5d: {  	_ =	shalt  }
0x5e: {  	_ =	shalt  }
0x5f: {  	_ =	shalt  }
0x60: {  	_ =	shalt  }
0x61: {  	_ =	shalt  }
0x62: {  	_ =	shalt  }
0x63: {  	_ =	shalt  }
0x64: {  	_ =	shalt  }
0x65: {  	_ =	shalt  }
0x66: {  	_ =	shalt  }
0x67: {  	_ =	shalt  }
0x68: {  	_ =	shalt  }
0x69: {  	_ =	shalt  }
0x6a: {  	_ =	shalt  }
0x6b: {  	_ =	shalt  }
0x6c: {  	_ =	shalt  }
0x6d: {  	_ =	shalt  }
0x6e: {  	_ =	shalt  }
0x6f: {  	_ =	shalt  }
0x70: {  	_ =	shalt  }
0x71: {  	_ =	shalt  }
0x72: {  	_ =	shalt  }
0x73: {  	_ =	shalt  }
0x74: {  	_ =	shalt  }
0x75: {  	_ =	shalt  }
0x76: {  	_ =	shalt  }
0x77: {  	_ =	shalt  }
0x78: {  	_ =	shalt  }
0x79: {  	_ =	shalt  }
0x7a: {  	_ =	shalt  }
0x7b: {  	_ =	shalt  }
0x7c: {  	_ =	shalt  }
0x7d: {  	_ =	shalt  }
0x7e: {  	_ =	shalt  }
0x7f: {  	_ =	shalt  }
0x80: {  	_ =	shalt  }
0x81: {  	_ =	shalt  }
0x82: {  	_ =	shalt  }
0x83: {  	_ =	shalt  }
0x84: {  	_ =	shalt  }
0x85: {  	_ =	shalt  }
0x86: {  	_ =	shalt  }
0x87: {  	_ =	shalt  }
.Lfunc_end0:
.L_simem_size_0:
called_computation.2_lowered:
.L_overlay_start_0:
0x88: {  	s2 =	sld [smem:$0x3FD9]  }
0x89: {  	s3 =	sld [smem:$0x3FFE];
	_ =	sdelay $0x1  }
0x8a: {  	s1 =	srdreg.scid  }
0x8b: {  	s0 =	sand.u32 $0x1, s1  }
0x8c: {  	s16 =	sshll.u32 s0, $0xA;
	s2 =	sadd.s32 s3, s2  }
0x8d: {  	s2 =	sadd.s32 s2, s16  }
0x8e: {  	[smem:$0x3FBC] =	sst s2  }
0x8f: {  	_ = 	snop  }
0x90: {  	(tm) =	ssettm $0x1  }
0x91: {  	s17 =	sld [smem:$0x3FFB];
	_ =	sdelay $0x3  }
0x92: {  	_ =	strace s17  }
0x93: {  	s2 =	sld [smem:$0x3FFC];
	_ =	sdelay $0x3  }
0x94: {  	_ =	strace s2  }
0x95: {  	s2 =	sld [smem:$0x3FFD];
	_ =	sdelay $0x3  }
0x96: {  	_ =	strace s2  }
0x97: {  	_ =	strace $0x8FFFFFFF  }
0x98: {  	s18 =	sld [smem:$0x3FDB];
	_ =	sdelay $0x1  }
0x99: {  	s19 =	simm.s32 $_scs_section_size  }
0x9a: {  	s4 =	simm.s32 $_size__tile_overlayer_lowered;
	s5 =	simm.s32 $_tile_overlayer_lowered  }
0x9b: {  	s22 =	simm.s32 $0x1BFF;
	s21 =	sshll.u32 s5, $0x1;
	s2 =	sadd.s32 s19, s18  }
0x9c: {  	s6 =	simm.s32 $0x0;
	s20 =	sshll.u32 s4, $0x1;
	s4 =	sadd.s32 s21, s2  }
0x9d: {  	[timem:s6], [sflag:s22] =	dma.local [hbm:s4], s20  }
0x9e: {  	_ =	swait.ge [sflag:s22], s20  }
0x9f: {  	s3 =	ssub.s32 $0x0, s20;
	[sflag:s22] =	ssyncset.done $0x0  }
0xa0: {  	[sflag:s22] =	ssyncadd.s32 s3;
	_ =	sdelay $0x1  }
0xa1: {  	s23 =	simm.s32 $0x1B8B  }
0xa2: {  	_ =	swait.ge [sflag:s23], $0x1  }
0xa3: {  	[sflag:s23] =	ssyncset.done $0x0  }
0xa4: {  	s25 =	simm.s32 $0x1B8E;
	s24 =	sld [smem:$0x3FFE];
	[sflag:s23] =	ssyncadd.s32 $0xFFFFFFFF  }
0xa5: {  	s26 =	simm.s32 $execute0_lowered;
	[smem:$0x3FD2] =	sst s25  }
0xa6: {  	s4 =	sshll.u32 s26, $0x1;
	_ =	strace $0x8000004C;
	[dreg:$0x1] =	wrdreg $0xFFFFFFFF  }
0xa7: {  	s28 =	simm.s32 $_size_execute0_lowered;
	s2 =	sadd.s32 s2, s4;
	[dreg:$0x0] =	wrdreg $0x0  }
0xa8: {  	s4 =	sshll.u32 s28, $0x1;
	[dreg:$0x2] =	wrdreg s2  }
0xa9: {  	[dreg:$0x3] =	wrdreg s4  }
0xaa: {  	[dreg:$0x4] =	wrdreg $0xC0  }
0xab: {  	_ =	task [dreg:s6], $0x5FFFF  }
0xac: {  	[dreg:$0x1] =	wrdreg $0xFFFFFFFF  }
0xad: {  	[dreg:$0x0] =	wrdreg $0x60  }
0xae: {  	[dreg:$0x2] =	wrdreg s24  }
0xaf: {  	[dreg:$0x3] =	wrdreg $0x15A000  }
0xb0: {  	[dreg:$0x4] =	wrdreg $0x9  }
0xb1: {  	_ =	task.clear_ibuf [dreg:s6], $0x5FFFF;
	_ =	strace $0x9000004C  }
0xb2: {  	s29 =	simm.s32 $0x9;
	_ =	strace $0x8000004E  }
0xb3: {  	_ =	swait.ge [sflag:s29], $0x1  }
0xb4: {  	[sflag:s29] =	ssyncadd.s32 $0xFFFFFFFF  }
0xb5: {  	_ =	strace $0x9000004E  }
0xb6: {  	_ =	sfence  }
0xb7: {  	s30 =	sld [smem:$0x0];
	_ =	sdelay $0x2  }
0xb8: {  	s31 =	sshll.u32 s1, $0xD;
	s1 =	sshrl.u32 s1, $0x2  }
0xb9: {  	s3 =	sand.u32 $0x4000, s31;
	s1 =	sadd.s32 s1, s30  }
0xba: {  	s0 =	sor.u32 s3, s0;
	s1 =	sshll.u32 s1, $0x11  }
0xbb: {  	s0 =	sor.u32 s1, s0  }
0xbc: {  	s0 =	sadd.s32 $0x8F2B, s0  }
0xbd: {  	[sflag:s0] =	ssyncadd.remote.s32 $0x1  }
0xbe: {  	_ =	sfence.sel $0xFFFF  }
0xbf: {  	[dreg:$0x0] =	wrdreg $0xFFFFFFFF;
	(pc) =	sbr.abs _section_cstart, $3  }
0xc0: {  	[dreg:$0x1] =	wrdreg $0xFFFFFFFF  }
0xc1: {  	_ =	task.clear_ibuf [dreg:s6], $0x2FFFF;
	_ =	strace $0x9FFFFFFF  }
0xc2: {  	(tm) =	ssettm $0x7FFFFFFF  }
0xc3: {  	_ =	shalt  }
tec
execute0_lowered:
.L_overlay_start_1:
0x0: {  	(tag) =	ssettag $0x1  }
0x1: {  	s0 =	srdreg.scid;
	s5 =	rddreg [dreg:$0x0]  }
0x2: {  	s3 =	stileid.u32;
	s2 =	rddreg [dreg:$0x1]  }
0x3: {  	s17 =	simm.s32 $0x0;
	s29 =	simm.s32 $0x8E80;
	s31 =	simm.s32 $0xADC0  }
0x4: {  	s30 =	simm.s32 $0x10B80;
	s28 =	simm.s32 $0x1;
	s10 =	simm.s32 $0x6  }
0x5: {  	s0 =	sand.u32 $0x1, s0;
	s1 =	sshll.u32 s3, $0x1;
	s7 =	smul.u32 $0x9C40, s3  }
0x6: {  	[smem:$0x7FF] =	sst s17;
	s4 =	sadd.s32 $0x17800, s5;
	s8 =	smul.u32 $0x28000, s3  }
0x7: {  	s1 =	sor.u32 s0, s1;
	s6 =	smul.u32 $0x9C400, s0;
	_ =	strace $0x8000004D  }
0x8: {  	s0 =	ssub.s32 $0x2, s0;
	s1 =	smul.u32 $0x2800, s1;
	s11 =	sshrl.u32 s8, $0x2  }
0x9: {  	s9 =	sshrl.u32 s0, $0x1;
	s15 =	sadd.s32 s7, s2;
	s12 =	sadd.s32 s11, s2  }
0xa: {  	s0 =	ssub.s32 s0, s9;
	s26 =	sshrl.u32 s15, $0x3;
	[dreg:$0x4] =	wrdreg s12  }
0xb: {  	s8 =	simm.s32 $0x9;
	s0 =	smax.u32 s0, $0x1;
	[dreg:$0x12] =	wrdreg s26  }
0xc: {  	s6 =	sadd.s32 s7, s6;
	s16 =	sadd.s32 $0x1000, s12;
	[dreg:$0x8] =	wrdreg s0  }
0xd: {  	s7 =	simm.s32 $0x4;
	s18 =	sadd.s32 $0x2000, s12;
	[dreg:$0x9] =	wrdreg s16  }
0xe: {  	s9 =	simm.s32 $0x5;
	s19 =	sadd.s32 $0x3000, s12;
	[dreg:$0xa] =	wrdreg s18  }
0xf: {  	s11 =	simm.s32 $0x7;
	s20 =	sadd.s32 $0x4000, s12;
	[dreg:$0xb] =	wrdreg s19  }
0x10: {  	s15 =	simm.s32 $0xF;
	s21 =	sadd.s32 $0x5000, s12;
	[dreg:$0xc] =	wrdreg s20  }
0x11: {  	s1 =	sshrl.u32 s1, $0x3;
	s22 =	sadd.s32 $0x6000, s12;
	[dreg:$0xd] =	wrdreg s21  }
0x12: {  	s6 =	sshrl.u32 s6, $0x3;
	s23 =	sadd.s32 $0x7000, s12;
	[dreg:$0xe] =	wrdreg s22  }
0x13: {  	s24 =	sadd.s32 $0x8000, s12;
	s25 =	sadd.s32 $0x9000, s12;
	[dreg:$0xf] =	wrdreg s23  }
0x14: {  	s26 =	simm.s32 $0x6F40;
	s12 =	simm.s32 $0x8;
	[dreg:$0x10] =	wrdreg s24  }
0x15: {  	s1 =	sadd.s32 s1, s5;
	s6 =	sadd.s32 s6, s5;
	[dreg:$0x11] =	wrdreg s25  }
0x16: {  	s20 =	simm.s32 $0x11;
	s22 =	simm.s32 $0x7D;
	s23 =	simm.s32 $0x5000  }
.Ltmp0:
0x17: {  	s0 =	simm.s32 $0xCD00;
	s13 =	sadd.s32 $0x3800, s1;
	(pc) =	sbr.rel .LBB2_1-.Ltmp0, $4  }
0x18: {  	s24 =	simm.s32 $0xEC40;
	s1 =	sadd.s32 $0xD800, s1;
	[dreg:$0x5] =	wrdreg s13  }
0x19: {  	s21 =	simm.s32 $0x12AC0;
	s14 =	sadd.s32 $0x2B200, s6;
	[dreg:$0x6] =	wrdreg s1  }
0x1a: {  	s16 =	simm.s32 $0x10;
	s6 =	simm.s32 $0x3;
	[dreg:$0x7] =	wrdreg s14  }
0x1b: {  	v0 =	vimm.f32 $0.0e+00;
	s1 =	simm.s32 $0x2;
	s13 =	simm.s32 $0xD;
	s14 =	simm.s32 $0xE  }
.LBB2_6:
0x1c: {  	_ =	swait.ge [sflag:s14], $0x1F40  }
0x1d: {  	[sflag:s14] =	ssyncset.done $0x0  }
0x1e: {  	[sflag:s14] =	ssyncadd.s32 $0xFFFFE0C0  }
0x1f: {  	_ =	swait.ge [sflag:s15], $0x1F40  }
0x20: {  	[sflag:s15] =	ssyncset.done $0x0  }
0x21: {  	[sflag:s15] =	ssyncadd.s32 $0xFFFFE0C0  }
0x22: {  	_ =	swait.ge [sflag:s16], $0x1F40  }
0x23: {  	[sflag:s16] =	ssyncset.done $0x0  }
0x24: {  	[sflag:s16] =	ssyncadd.s32 $0xFFFFE0C0  }
0x25: {  	s3 =	stileid.u32;
	[bflag:$0x0] =	sbarrier.arrive $0xFFFF  }
0x26: {  	s3 =	sshll.u32 s3, $0x6;
	s5 =	rddreg [dreg:$0x7]  }
0x27: {  	s3 =	sor.u32 $0x1C11, s3;
	s17 =	rddreg [dreg:$0x12]  }
0x28: {  	[hbm:s5], [sflag:s3] =	dma.local [spmem:s17], $0x1388  }
0x29: {  	_ =	swait.ge [sflag:s20], $0x1388  }
0x2a: {  	s19 =	rddreg [dreg:$0x3]  }
0x2b: {  	s25 =	rddreg [dreg:$0x8];
	s17 =	sadd.s32 $0x1, s19  }
0x2c: {  	p0 =	sne.s32 s17, s25  }
.Ltmp1:
0x2d: {  	_ = 	snop;
	(pc) =	sbr.rel @!p0 .LBB2_7-.Ltmp1, $3  }
0x2e: {  	_ =	sdelay $0x1  }
0x2f: {  	[sflag:s20] =	ssyncset.done $0x0  }
0x30: {  	[sflag:s20] =	ssyncadd.s32 $0xFFFFEC78  }
.LBB2_1:
0x31: {  	[dreg:$0x3] =	wrdreg s17;
	s18 =	simm.s32 $0x100;
	s17 =	simm.s32 $0x0  }
.LBB2_2:
0x32: {  	p0 =	sne.s32 s18, $0x3F00;
	[tilespmem:s17+$0x14A30] =	vst v0;
	s25 =	smov.u32 s18;
	s18 =	sadd.s32 $0x100, s18  }
.Ltmp2:
0x33: {  	[tilespmem:s17+$0x14A20] =	vst v0;
	(pc) =	sbr.rel @p0 .LBB2_2-.Ltmp2, $3  }
0x34: {  	[tilespmem:s17+$0x14A00] =	vst v0  }
0x35: {  	[tilespmem:s17+$0x14A10] =	vst v0;
	_ =	sdelay $0x1  }
0x36: {  	s17 =	sshra.s32 s25, $0x2  }
0x37: {  	[tilespmem:s17+$0x14A30] =	vst v0  }
0x38: {  	[tilespmem:s17+$0x14A20] =	vst v0  }
0x39: {  	[tilespmem:s17+$0x14A00] =	vst v0  }
0x3a: {  	[tilespmem:s17+$0x14A10] =	vst v0;
	s3 =	rddreg [dreg:$0x4];
	s5 =	simm.s32 $0x14A00  }
0x3b: {  	[spmem:s3] =	stream.linear.scatter [tilespmem:s5], [sflag:$0x11], $0x1000, $0x38;
	[tilespmem:$0x1FA00] =	vst v63  }
0x3c: {  	_ =	swait.ge [sflag:s20], $0x1000  }
0x3d: {  	[sflag:s20] =	ssyncset.done $0x0  }
0x3e: {  	s17 =	rddreg [dreg:$0x9];
	[sflag:s20] =	ssyncadd.s32 $0xFFFFF000  }
0x3f: {  	[spmem:s17] =	stream.linear.scatter [tilespmem:s5], [sflag:$0x11], $0x1000, $0x38;
	[tilespmem:$0x1FA00] =	vst v63  }
0x40: {  	_ =	swait.ge [sflag:s20], $0x1000  }
0x41: {  	[sflag:s20] =	ssyncset.done $0x0  }
0x42: {  	s18 =	rddreg [dreg:$0xa];
	[sflag:s20] =	ssyncadd.s32 $0xFFFFF000  }
0x43: {  	[spmem:s18] =	stream.linear.scatter [tilespmem:s5], [sflag:$0x11], $0x1000, $0x38;
	[tilespmem:$0x1FA00] =	vst v63  }
0x44: {  	_ =	swait.ge [sflag:s20], $0x1000  }
0x45: {  	[sflag:s20] =	ssyncset.done $0x0  }
0x46: {  	s19 =	rddreg [dreg:$0xb];
	[sflag:s20] =	ssyncadd.s32 $0xFFFFF000  }
0x47: {  	[spmem:s19] =	stream.linear.scatter [tilespmem:s5], [sflag:$0x11], $0x1000, $0x38;
	[tilespmem:$0x1FA00] =	vst v63  }
0x48: {  	_ =	swait.ge [sflag:s20], $0x1000  }
0x49: {  	[sflag:s20] =	ssyncset.done $0x0  }
0x4a: {  	s25 =	rddreg [dreg:$0xc];
	[sflag:s20] =	ssyncadd.s32 $0xFFFFF000  }
0x4b: {  	[spmem:s25] =	stream.linear.scatter [tilespmem:s5], [sflag:$0x11], $0x1000, $0x38;
	[tilespmem:$0x1FA00] =	vst v63  }
0x4c: {  	_ =	swait.ge [sflag:s20], $0x1000  }
0x4d: {  	[sflag:s20] =	ssyncset.done $0x0  }
0x4e: {  	s17 =	rddreg [dreg:$0xd];
	[sflag:s20] =	ssyncadd.s32 $0xFFFFF000  }
0x4f: {  	[spmem:s17] =	stream.linear.scatter [tilespmem:s5], [sflag:$0x11], $0x1000, $0x38;
	[tilespmem:$0x1FA00] =	vst v63  }
0x50: {  	_ =	swait.ge [sflag:s20], $0x1000  }
0x51: {  	[sflag:s20] =	ssyncset.done $0x0  }
0x52: {  	s18 =	rddreg [dreg:$0xe];
	[sflag:s20] =	ssyncadd.s32 $0xFFFFF000  }
0x53: {  	[spmem:s18] =	stream.linear.scatter [tilespmem:s5], [sflag:$0x11], $0x1000, $0x38;
	[tilespmem:$0x1FA00] =	vst v63  }
0x54: {  	_ =	swait.ge [sflag:s20], $0x1000  }
0x55: {  	[sflag:s20] =	ssyncset.done $0x0  }
0x56: {  	s19 =	rddreg [dreg:$0xf];
	[sflag:s20] =	ssyncadd.s32 $0xFFFFF000  }
0x57: {  	[spmem:s19] =	stream.linear.scatter [tilespmem:s5], [sflag:$0x11], $0x1000, $0x38;
	[tilespmem:$0x1FA00] =	vst v63  }
0x58: {  	_ =	swait.ge [sflag:s20], $0x1000  }
0x59: {  	[sflag:s20] =	ssyncset.done $0x0  }
0x5a: {  	s25 =	rddreg [dreg:$0x10];
	[sflag:s20] =	ssyncadd.s32 $0xFFFFF000  }
0x5b: {  	[spmem:s25] =	stream.linear.scatter [tilespmem:s5], [sflag:$0x11], $0x1000, $0x38;
	[tilespmem:$0x1FA00] =	vst v63  }
0x5c: {  	_ =	swait.ge [sflag:s20], $0x1000  }
0x5d: {  	[sflag:s20] =	ssyncset.done $0x0  }
0x5e: {  	s17 =	rddreg [dreg:$0x11];
	[sflag:s20] =	ssyncadd.s32 $0xFFFFF000  }
0x5f: {  	[spmem:s17] =	stream.linear.scatter [tilespmem:s5], [sflag:$0x11], $0x1000, $0x38;
	[tilespmem:$0x1FA00] =	vst v63  }
0x60: {  	_ =	swait.ge [sflag:s20], $0x1000  }
0x61: {  	[sflag:s20] =	ssyncset.done $0x0  }
0x62: {  	s17 =	simm.s32 $0x0;
	s18 =	rddreg [dreg:$0x5];
	[sflag:s20] =	ssyncadd.s32 $0xFFFFF000  }
0x63: {  	[tilespmem:s17], [sflag:$0x11] =	stream.linear.gather [hbm4b:s18+s17], $0x2800, $0x38;
	[tilespmem:$0x1FA00] =	vst v63  }
0x64: {  	_ =	swait.ge [sflag:s20], $0x2800  }
0x65: {  	[sflag:s20] =	ssyncset.done $0x0  }
0x66: {  	s25 =	simm.s32 $0x2800;
	s19 =	rddreg [dreg:$0x6];
	[sflag:s20] =	ssyncadd.s32 $0xFFFFD800  }
0x67: {  	[tilespmem:s25], [sflag:$0x11] =	stream.linear.gather [hbm4b:s19+s17], $0x2800, $0x38;
	[tilespmem:$0x1FA00] =	vst v63  }
0x68: {  	_ =	swait.ge [sflag:s20], $0x2800  }
0x69: {  	[sflag:s20] =	ssyncset.done $0x0  }
0x6a: {  	[sflag:s20] =	ssyncadd.s32 $0xFFFFD800  }
0x6b: {  	[bflag:$0x0] =	sbarrier.arrive $0xFFFF  }
0x6c: {  	[tilespmem:s23], [sflag:$0x1] =	stream.indirect.gather [hbm4b:s4+s22], $0x40, s17, s22, $0xb8;
	[tilespmem:$0x1FA00] =	vst v63  }
0x6d: {  	s18 =	simm.s32 $0x80  }
0x6e: {  	[tilespmem:s26], [sflag:$0x2] =	stream.indirect.gather [hbm4b:s4+s22], $0x40, s18, s22, $0xb8;
	[tilespmem:$0x1FA00] =	vst v63  }
0x6f: {  	s19 =	simm.s32 $0x100  }
0x70: {  	[tilespmem:s29], [sflag:$0x3] =	stream.indirect.gather [hbm4b:s4+s22], $0x40, s19, s22, $0xb8;
	[tilespmem:$0x1FA00] =	vst v63  }
0x71: {  	s25 =	simm.s32 $0x180  }
0x72: {  	[tilespmem:s31], [sflag:$0x4] =	stream.indirect.gather [hbm4b:s4+s22], $0x40, s25, s22, $0xb8;
	[tilespmem:$0x1FA00] =	vst v63  }
0x73: {  	s5 =	simm.s32 $0x200  }
0x74: {  	[tilespmem:s0], [sflag:$0x5] =	stream.indirect.gather [hbm4b:s4+s22], $0x40, s5, s22, $0xb8;
	[tilespmem:$0x1FA00] =	vst v63  }
0x75: {  	s18 =	simm.s32 $0x280  }
0x76: {  	[tilespmem:s24], [sflag:$0x6] =	stream.indirect.gather [hbm4b:s4+s22], $0x40, s18, s22, $0xb8;
	[tilespmem:$0x1FA00] =	vst v63  }
0x77: {  	s19 =	simm.s32 $0x300  }
0x78: {  	[tilespmem:s30], [sflag:$0x7] =	stream.indirect.gather [hbm4b:s4+s22], $0x40, s19, s22, $0xb8;
	[tilespmem:$0x1FA00] =	vst v63  }
0x79: {  	s25 =	simm.s32 $0x380  }
0x7a: {  	[tilespmem:s21], [sflag:$0x8] =	stream.indirect.gather [hbm4b:s4+s22], $0x40, s25, s22, $0xb8;
	[tilespmem:$0x1FA00] =	vst v63  }
.LBB2_4:
0x7b: {  	_ =	swait.ge [sflag:s28], $0x1F40  }
0x7c: {  	s18 =	sshra.s32 s17, $0x2;
	[sflag:s28] =	ssyncset.done $0x0  }
0x7d: {  	s25 =	sadd.s32 $0x2800, s18;
	[sflag:s28] =	ssyncadd.s32 $0xFFFFE0C0  }
0x7e: {  	[spmem:s2] =	stream.indirect.scatter.add.f32 [tilespmem:s23], [sflag:$0x9], $0x40, s25, s22, $0xb8;
	[tilespmem:$0x1FA00] =	vst v63  }
0x7f: {  	_ =	swait.ge [sflag:s1], $0x1F40  }
0x80: {  	[sflag:s1] =	ssyncset.done $0x0  }
0x81: {  	s3 =	sadd.s32 $0x2880, s18;
	[sflag:s1] =	ssyncadd.s32 $0xFFFFE0C0  }
0x82: {  	[spmem:s2] =	stream.indirect.scatter.add.f32 [tilespmem:s26], [sflag:$0xA], $0x40, s3, s22, $0xb8;
	[tilespmem:$0x1FA00] =	vst v63  }
0x83: {  	_ =	swait.ge [sflag:s6], $0x1F40  }
0x84: {  	[sflag:s6] =	ssyncset.done $0x0  }
0x85: {  	s5 =	sadd.s32 $0x2900, s18;
	[sflag:s6] =	ssyncadd.s32 $0xFFFFE0C0  }
0x86: {  	[spmem:s2] =	stream.indirect.scatter.add.f32 [tilespmem:s29], [sflag:$0xB], $0x40, s5, s22, $0xb8;
	[tilespmem:$0x1FA00] =	vst v63  }
0x87: {  	_ =	swait.ge [sflag:s7], $0x1F40  }
0x88: {  	[sflag:s7] =	ssyncset.done $0x0  }
0x89: {  	s19 =	sadd.s32 $0x2980, s18;
	[sflag:s7] =	ssyncadd.s32 $0xFFFFE0C0  }
0x8a: {  	[spmem:s2] =	stream.indirect.scatter.add.f32 [tilespmem:s31], [sflag:$0xC], $0x40, s19, s22, $0xb8;
	[tilespmem:$0x1FA00] =	vst v63  }
0x8b: {  	_ =	swait.ge [sflag:s8], $0x1F40  }
0x8c: {  	p0 =	seq.s32 s17, $0x9000;
	[sflag:s8] =	ssyncset.done $0x0  }
0x8d: {  	s25 =	simm.s32 @p0 $0xA;
	[sflag:s8] =	ssyncadd.s32 $0xFFFFE0C0  }
0x8e: {  	_ =	swait.ge @p0 [sflag:s25], $0x1F40  }
0x8f: {  	[sflag:s25] =	ssyncset.done @p0 $0x0  }
0x90: {  	[sflag:s25] =	ssyncadd.s32 @p0 $0xFFFFE0C0;
	s25 =	simm.s32 @p0 $0xB  }
0x91: {  	_ =	swait.ge @p0 [sflag:s25], $0x1F40  }
0x92: {  	[sflag:s25] =	ssyncset.done @p0 $0x0  }
0x93: {  	[sflag:s25] =	ssyncadd.s32 @p0 $0xFFFFE0C0;
	s25 =	simm.s32 @p0 $0xC  }
0x94: {  	_ =	swait.ge @p0 [sflag:s25], $0x1F40  }
0x95: {  	[sflag:s25] =	ssyncset.done @p0 $0x0  }
0x96: {  	[sflag:s25] =	ssyncadd.s32 @p0 $0xFFFFE0C0;
	s25 =	sshra.s32 @!p0 s17, $0x2  }
0x97: {  	s3 =	simm.s32 @!p0 $0x5000;
	s19 =	simm.s32 @!p0 $0x7D;
	s5 =	sadd.s32 @!p0 $0x400, s25  }
0x98: {  	[tilespmem:s3], [sflag:$0x1] =	stream.indirect.gather @!p0 [hbm4b:s4+s19], $0x40, s5, s19, $0xb8;
	[tilespmem:$0x1FA00] =	vst v63  }
0x99: {  	s3 =	simm.s32 @!p0 $0xA  }
0x9a: {  	_ =	swait.ge @!p0 [sflag:s3], $0x1F40  }
0x9b: {  	[sflag:s3] =	ssyncset.done @!p0 $0x0  }
0x9c: {  	s5 =	simm.s32 @!p0 $0x6F40;
	[sflag:s3] =	ssyncadd.s32 @!p0 $0xFFFFE0C0;
	s3 =	sadd.s32 @!p0 $0x480, s25  }
0x9d: {  	[tilespmem:s5], [sflag:$0x2] =	stream.indirect.gather @!p0 [hbm4b:s4+s19], $0x40, s3, s19, $0xb8;
	[tilespmem:$0x1FA00] =	vst v63  }
0x9e: {  	s3 =	simm.s32 @!p0 $0xB  }
0x9f: {  	_ =	swait.ge @!p0 [sflag:s3], $0x1F40  }
0xa0: {  	[sflag:s3] =	ssyncset.done @!p0 $0x0  }
0xa1: {  	s5 =	simm.s32 @!p0 $0x8E80;
	[sflag:s3] =	ssyncadd.s32 @!p0 $0xFFFFE0C0;
	s3 =	sadd.s32 @!p0 $0x500, s25  }
0xa2: {  	[tilespmem:s5], [sflag:$0x3] =	stream.indirect.gather @!p0 [hbm4b:s4+s19], $0x40, s3, s19, $0xb8;
	[tilespmem:$0x1FA00] =	vst v63  }
0xa3: {  	s3 =	simm.s32 @!p0 $0xC  }
0xa4: {  	_ =	swait.ge @!p0 [sflag:s3], $0x1F40  }
0xa5: {  	[sflag:s3] =	ssyncset.done @!p0 $0x0  }
0xa6: {  	s5 =	simm.s32 @!p0 $0xADC0;
	[sflag:s3] =	ssyncadd.s32 @!p0 $0xFFFFE0C0;
	s3 =	sadd.s32 @!p0 $0x580, s25  }
0xa7: {  	[tilespmem:s5], [sflag:$0x4] =	stream.indirect.gather @!p0 [hbm4b:s4+s19], $0x40, s3, s19, $0xb8;
	[tilespmem:$0x1FA00] =	vst v63  }
0xa8: {  	_ =	swait.ge [sflag:s9], $0x1F40  }
0xa9: {  	[sflag:s9] =	ssyncset.done $0x0  }
0xaa: {  	s25 =	sadd.s32 $0x2A00, s18;
	[sflag:s9] =	ssyncadd.s32 $0xFFFFE0C0  }
0xab: {  	[spmem:s2] =	stream.indirect.scatter.add.f32 [tilespmem:s0], [sflag:$0xD], $0x40, s25, s22, $0xb8;
	[tilespmem:$0x1FA00] =	vst v63  }
0xac: {  	_ =	swait.ge [sflag:s10], $0x1F40  }
0xad: {  	[sflag:s10] =	ssyncset.done $0x0  }
0xae: {  	s5 =	sadd.s32 $0x2A80, s18;
	[sflag:s10] =	ssyncadd.s32 $0xFFFFE0C0  }
0xaf: {  	[spmem:s2] =	stream.indirect.scatter.add.f32 [tilespmem:s24], [sflag:$0xE], $0x40, s5, s22, $0xb8;
	[tilespmem:$0x1FA00] =	vst v63  }
0xb0: {  	_ =	swait.ge [sflag:s11], $0x1F40  }
0xb1: {  	[sflag:s11] =	ssyncset.done $0x0  }
0xb2: {  	s19 =	sadd.s32 $0x2B00, s18;
	[sflag:s11] =	ssyncadd.s32 $0xFFFFE0C0  }
0xb3: {  	[spmem:s2] =	stream.indirect.scatter.add.f32 [tilespmem:s30], [sflag:$0xF], $0x40, s19, s22, $0xb8;
	[tilespmem:$0x1FA00] =	vst v63  }
0xb4: {  	_ =	swait.ge [sflag:s12], $0x1F40  }
0xb5: {  	[sflag:s12] =	ssyncset.done $0x0  }
.Ltmp3:
0xb6: {  	s25 =	sadd.s32 $0x2B80, s18;
	[sflag:s12] =	ssyncadd.s32 $0xFFFFE0C0;
	(pc) =	sbr.rel @p0 .LBB2_6-.Ltmp3, $4  }
0xb7: {  	[spmem:s2] =	stream.indirect.scatter.add.f32 [tilespmem:s21], [sflag:$0x10], $0x40, s25, s22, $0xb8;
	[tilespmem:$0x1FA00] =	vst v63  }
0xb8: {  	_ =	swait.ge [sflag:s13], $0x1F40  }
0xb9: {  	[sflag:s13] =	ssyncset.done $0x0  }
0xba: {  	[sflag:s13] =	ssyncadd.s32 $0xFFFFE0C0  }
0xbb: {  	s3 =	sadd.s32 $0x600, s18  }
0xbc: {  	[tilespmem:s0], [sflag:$0x5] =	stream.indirect.gather [hbm4b:s4+s22], $0x40, s3, s22, $0xb8;
	[tilespmem:$0x1FA00] =	vst v63  }
0xbd: {  	_ =	swait.ge [sflag:s14], $0x1F40  }
0xbe: {  	[sflag:s14] =	ssyncset.done $0x0  }
0xbf: {  	s5 =	sadd.s32 $0x680, s18;
	[sflag:s14] =	ssyncadd.s32 $0xFFFFE0C0  }
0xc0: {  	[tilespmem:s24], [sflag:$0x6] =	stream.indirect.gather [hbm4b:s4+s22], $0x40, s5, s22, $0xb8;
	[tilespmem:$0x1FA00] =	vst v63  }
0xc1: {  	_ =	swait.ge [sflag:s15], $0x1F40  }
0xc2: {  	[sflag:s15] =	ssyncset.done $0x0  }
0xc3: {  	s19 =	sadd.s32 $0x700, s18;
	[sflag:s15] =	ssyncadd.s32 $0xFFFFE0C0  }
0xc4: {  	[tilespmem:s30], [sflag:$0x7] =	stream.indirect.gather [hbm4b:s4+s22], $0x40, s19, s22, $0xb8;
	[tilespmem:$0x1FA00] =	vst v63  }
.Ltmp4:
0xc5: {  	_ = 	snop;
	(pc) =	sbr.rel .LBB2_4-.Ltmp4, $4  }
0xc6: {  	_ =	swait.ge [sflag:s16], $0x1F40  }
0xc7: {  	[sflag:s16] =	ssyncset.done $0x0  }
0xc8: {  	s25 =	sadd.s32 $0x780, s18;
	s17 =	sadd.s32 $0x1000, s17;
	[sflag:s16] =	ssyncadd.s32 $0xFFFFE0C0  }
0xc9: {  	[tilespmem:s21], [sflag:$0x8] =	stream.indirect.gather [hbm4b:s4+s22], $0x40, s25, s22, $0xb8;
	[tilespmem:$0x1FA00] =	vst v63  }
.LBB2_7:
0xca: {  	_ =	sfence.sel $0x180000  }
0xcb: {  	[bflag:$0x0] =	sbarrier.arrive $0xFFFF  }
0xcc: {  	_ =	strace $0x9000004D  }
0xcd: {  	s0 =	stileid.u32;
	[bflag:$0x2] =	sbarrier.arrive $0xFFFF  }
0xce: {  	p0 =	sne.s32 s0, $0x0;
	s0 =	rddreg [dreg:$0x2]  }
0xcf: {  	s0 =	sadd.s32 @!p0 $0x100000, s0  }
0xd0: {  	[sflag:s0] =	ssyncadd.tile.s32 @!p0 $0x1;
	_ =	shalt  }
.Lfunc_end2:
_tile_overlayer_lowered:
.L_overlay_start_2:
0xd1: {  	(tag) =	ssettag $0x2  }
0xd2: {  	s0 =	rddreg [dreg:$0x0];
	s2 =	stileid.u32  }
0xd3: {  	s1 =	rddreg [dreg:$0x1];
	p0 =	sne.s32 s2, $0x0  }
0xd4: {  	s3 =	rddreg [dreg:$0x2];
	[bflag:$0x3] =	sbarrier.arrive $0xFFFF;
	s2 =	simm.s32 @!p0 $0x1C11  }
0xd5: {  	[timem:s3], [sflag:s2] =	dma.local @!p0 [hbm:s0], s1  }
0xd6: {  	s0 =	simm.s32 @!p0 $0x11  }
0xd7: {  	_ =	swait.ge @!p0 [sflag:s0], s1  }
0xd8: {  	s1 =	ssub.s32 @!p0 $0x0, s1;
	[sflag:s0] =	ssyncset.done @!p0 $0x0  }
0xd9: {  	[sflag:s0] =	ssyncadd.s32 @!p0 s1  }
0xda: {  	[bflag:$0x3] =	sbarrier.arrive $0xFFFF  }
0xdb: {  	_ =	shalt  }

// kernel: kernel.8.cloned.1.call-start
scs
__scs_entry_jumppad:
0x0: {  	(pc) =	sbr.rel $0x88, $3  }
0x1: {  	(tag) =	ssettag $0x0;
	lr =	simm.s32 $0x1  }
0x2: {  	[smem:$0x3F95] =	sst lr;
	_ =	strace $0xD0000000  }
0x3: {  	_ = 	snop  }
0x4: {  	_ = 	snop  }
0x5: {  	_ = 	snop  }
0x6: {  	_ = 	snop  }
0x7: {  	_ = 	snop  }
__scs_overlays_trampoline_lowered:
0x8: {  	[smem:$0x3FA4] =	sst s0  }
0x9: {  	[smem:$0x3FA5] =	sst s1  }
0xa: {  	[smem:$0x3FA6] =	sst s2  }
0xb: {  	[smem:$0x3FA7] =	sst s3  }
0xc: {  	[smem:$0x3FA8] =	sst s4  }
0xd: {  	[smem:$0x3FA9] =	sst s5  }
0xe: {  	[smem:$0x3FAA] =	sst s6  }
0xf: {  	[smem:$0x3FAB] =	sst s7  }
0x10: {  	[smem:$0x3FAC] =	sst s8  }
0x11: {  	[smem:$0x3FAD] =	sst s9;
	s0 =	simm.s32 @!p0 $0x0  }
0x12: {  	s1 =	sld [smem:$0x3F93];
	s0 =	simm.s32 @p0 $0x1  }
0x13: {  	[smem:$0x3FAE] =	sst s0;
	s0 =	simm.s32 @!p1 $0x0  }
0x14: {  	s2 =	sld [smem:$0x3F92];
	s0 =	simm.s32 @p1 $0x1  }
0x15: {  	[smem:$0x3FAF] =	sst s0;
	s0 =	simm.s32 @!p2 $0x0  }
0x16: {  	s3 =	sld [smem:$0x3FDB];
	s0 =	simm.s32 @p2 $0x1  }
0x17: {  	s4 =	simm.s32 $0x1BF5;
	[smem:$0x3FB1] =	sst s0  }
0x18: {  	s0 =	sld [smem:$0x3F94];
	_ =	swait.ge [sflag:s4], $0x0  }
0x19: {  	s7 =	sld [smem:$0x3F95]  }
0x1a: {  	s8 =	sadd.s32 $0xFFFFE003, lr  }
0x1b: {  	s9 =	sadd.s32 $0xFFFFFEF7, lr;
	s5 =	simm.s32 $0xFFFFFFFF;
	p2 =	slt.u32 s8, $0xFFFFF086  }
0x1c: {  	p1 =	slt.u32 s9, $0xF7A;
	s5 =	simm.s32 @!p2 $0x0  }
0x1d: {  	s5 =	simm.s32 @p1 $0x1;
	p0 =	seq.s32 s7, s2  }
0x1e: {  	s7 =	smul.u32 @!p0 $0xF7A, s2;
	p2 =	seq.s32 @!p0 s5, $0x0  }
0x1f: {  	s9 =	smul.u32 $0xF7A, s1;
	s8 =	simm.s32 @!p0 $0x1BF5;
	p2 =	por !p2, p0  }
0x20: {  	[sflag:s8] =	ssyncset.s32 @!p0 $0xFFFFF086;
	s6 =	sadd.s32 @!p0 s3, s7;
	s7 =	simm.s32 @!p0 $0x108  }
0x21: {  	s3 =	sadd.s32 s3, s9;
	s6 =	sadd.s32 @!p0 $0x88, s6;
	s7 =	simm.s32 @p2 $0x1082  }
0x22: {  	[simem:s7], [sflag:s8] =	dma.local @!p0 [hbm:s6], $0xF7A  }
0x23: {  	s9 =	sor.u32 $0xD0000000, s2;
	s6 =	simm.s32 $0x108;
	_ =	swait.ge @!p0 [sflag:s8], $0x0  }
0x24: {  	s3 =	sadd.s32 $0x88, s3;
	s6 =	simm.s32 @!p1 $0x1082;
	[sflag:s4] =	ssyncset.s32 $0xFFFFF086  }
0x25: {  	[simem:s6], [sflag:s4] =	dma.local [hbm:s3], $0xF7A  }
0x26: {  	[smem:$0x3F95] =	sst s1;
	(tag) =	ssettag s2;
	_ =	strace s9  }
0x27: {  	s1 =	sld [smem:$0x3FA5]  }
0x28: {  	s2 =	sld [smem:$0x3FA6]  }
0x29: {  	s4 =	sld [smem:$0x3FA8]  }
0x2a: {  	p0 =	seq.s32 s5, $0x0;
	s5 =	sld [smem:$0x3FA9]  }
0x2b: {  	s6 =	sld [smem:$0x3FAA]  }
0x2c: {  	s7 =	sld [smem:$0x3FAB]  }
0x2d: {  	s3 =	simm.s32 $0x108;
	s8 =	sld [smem:$0x3FAC]  }
0x2e: {  	s3 =	simm.s32 @!p0 $0x1082;
	s9 =	sld [smem:$0x3FAD]  }
0x2f: {  	lr =	sadd.s32 s0, s3;
	s0 =	sld [smem:$0x3FA4]  }
0x30: {  	s3 =	sld [smem:$0x3FA7]  }
0x31: {  	[smem:$0x3FB0] =	sst s10  }
0x32: {  	s10 =	sld [smem:$0x3FAE];
	_ =	sdelay $0x3  }
0x33: {  	p0 =	seq.s32 s10, $0x1;
	s10 =	sld [smem:$0x3FB0];
	_ =	sdelay $0x3  }
0x34: {  	[smem:$0x3FB0] =	sst s10  }
0x35: {  	s10 =	sld [smem:$0x3FAF];
	_ =	sdelay $0x3  }
0x36: {  	p1 =	seq.s32 s10, $0x1;
	s10 =	sld [smem:$0x3FB0];
	_ =	sdelay $0x3  }
0x37: {  	[smem:$0x3FB0] =	sst s10  }
0x38: {  	s10 =	sld [smem:$0x3FB1]  }
0x39: {  	_ = 	snop;
	(pc) =	sbr.ind lr, $3  }
0x3a: {  	_ = 	snop  }
0x3b: {  	_ = 	snop  }
0x3c: {  	p2 =	seq.s32 s10, $0x1;
	s10 =	sld [smem:$0x3FB0]  }
0x3d: {  	_ =	shalt  }
0x3e: {  	_ =	shalt  }
0x3f: {  	_ =	shalt  }
0x40: {  	_ =	shalt  }
0x41: {  	_ =	shalt  }
0x42: {  	_ =	shalt  }
0x43: {  	_ =	shalt  }
0x44: {  	_ =	shalt  }
0x45: {  	_ =	shalt  }
0x46: {  	_ =	shalt  }
0x47: {  	_ =	shalt  }
0x48: {  	_ =	shalt  }
0x49: {  	_ =	shalt  }
0x4a: {  	_ =	shalt  }
0x4b: {  	_ =	shalt  }
0x4c: {  	_ =	shalt  }
0x4d: {  	_ =	shalt  }
0x4e: {  	_ =	shalt  }
0x4f: {  	_ =	shalt  }
0x50: {  	_ =	shalt  }
0x51: {  	_ =	shalt  }
0x52: {  	_ =	shalt  }
0x53: {  	_ =	shalt  }
0x54: {  	_ =	shalt  }
0x55: {  	_ =	shalt  }
0x56: {  	_ =	shalt  }
0x57: {  	_ =	shalt  }
0x58: {  	_ =	shalt  }
0x59: {  	_ =	shalt  }
0x5a: {  	_ =	shalt  }
0x5b: {  	_ =	shalt  }
0x5c: {  	_ =	shalt  }
0x5d: {  	_ =	shalt  }
0x5e: {  	_ =	shalt  }
0x5f: {  	_ =	shalt  }
0x60: {  	_ =	shalt  }
0x61: {  	_ =	shalt  }
0x62: {  	_ =	shalt  }
0x63: {  	_ =	shalt  }
0x64: {  	_ =	shalt  }
0x65: {  	_ =	shalt  }
0x66: {  	_ =	shalt  }
0x67: {  	_ =	shalt  }
0x68: {  	_ =	shalt  }
0x69: {  	_ =	shalt  }
0x6a: {  	_ =	shalt  }
0x6b: {  	_ =	shalt  }
0x6c: {  	_ =	shalt  }
0x6d: {  	_ =	shalt  }
0x6e: {  	_ =	shalt  }
0x6f: {  	_ =	shalt  }
0x70: {  	_ =	shalt  }
0x71: {  	_ =	shalt  }
0x72: {  	_ =	shalt  }
0x73: {  	_ =	shalt  }
0x74: {  	_ =	shalt  }
0x75: {  	_ =	shalt  }
0x76: {  	_ =	shalt  }
0x77: {  	_ =	shalt  }
0x78: {  	_ =	shalt  }
0x79: {  	_ =	shalt  }
0x7a: {  	_ =	shalt  }
0x7b: {  	_ =	shalt  }
0x7c: {  	_ =	shalt  }
0x7d: {  	_ =	shalt  }
0x7e: {  	_ =	shalt  }
0x7f: {  	_ =	shalt  }
0x80: {  	_ =	shalt  }
0x81: {  	_ =	shalt  }
0x82: {  	_ =	shalt  }
0x83: {  	_ =	shalt  }
0x84: {  	_ =	shalt  }
0x85: {  	_ =	shalt  }
0x86: {  	_ =	shalt  }
0x87: {  	_ =	shalt  }
.Lfunc_end0:
.L_simem_size_0:
called_computation_lowered:
.L_overlay_start_0:
0x88: {  	s2 =	sld [smem:$0x3FD9]  }
0x89: {  	s3 =	sld [smem:$0x3FFE];
	_ =	sdelay $0x1  }
0x8a: {  	s1 =	srdreg.scid  }
0x8b: {  	s0 =	sand.u32 $0x1, s1  }
0x8c: {  	s16 =	sshll.u32 s0, $0xA;
	s2 =	sadd.s32 s3, s2  }
0x8d: {  	s2 =	sadd.s32 s2, s16  }
0x8e: {  	[smem:$0x3FBC] =	sst s2  }
0x8f: {  	_ = 	snop  }
0x90: {  	(tm) =	ssettm $0x1  }
0x91: {  	s17 =	sld [smem:$0x3FFB];
	_ =	sdelay $0x3  }
0x92: {  	_ =	strace s17  }
0x93: {  	s2 =	sld [smem:$0x3FFC];
	_ =	sdelay $0x3  }
0x94: {  	_ =	strace s2  }
0x95: {  	s2 =	sld [smem:$0x3FFD];
	_ =	sdelay $0x3  }
0x96: {  	_ =	strace s2  }
0x97: {  	_ =	strace $0x8FFFFFFF  }
0x98: {  	s18 =	sld [smem:$0x3FDB];
	_ =	sdelay $0x1  }
0x99: {  	s19 =	simm.s32 $_scs_section_size  }
0x9a: {  	s4 =	simm.s32 $_size__tile_overlayer_lowered;
	s5 =	simm.s32 $_tile_overlayer_lowered  }
0x9b: {  	s22 =	simm.s32 $0x1BFF;
	s21 =	sshll.u32 s5, $0x1;
	s2 =	sadd.s32 s19, s18  }
0x9c: {  	s6 =	simm.s32 $0x0;
	s20 =	sshll.u32 s4, $0x1;
	s4 =	sadd.s32 s21, s2  }
0x9d: {  	[timem:s6], [sflag:s22] =	dma.local [hbm:s4], s20  }
0x9e: {  	_ =	swait.ge [sflag:s22], s20  }
0x9f: {  	s3 =	ssub.s32 $0x0, s20;
	[sflag:s22] =	ssyncset.done $0x0  }
0xa0: {  	[sflag:s22] =	ssyncadd.s32 s3;
	_ =	sdelay $0x1  }
0xa1: {  	s23 =	simm.s32 $0x1B8B  }
0xa2: {  	_ =	swait.ge [sflag:s23], $0x1  }
0xa3: {  	[sflag:s23] =	ssyncset.done $0x0  }
0xa4: {  	s25 =	simm.s32 $0x1B8E;
	s24 =	sld [smem:$0x3FFE];
	[sflag:s23] =	ssyncadd.s32 $0xFFFFFFFF  }
0xa5: {  	s26 =	simm.s32 $execute0_lowered;
	[smem:$0x3FD2] =	sst s25  }
0xa6: {  	s4 =	sshll.u32 s26, $0x1;
	_ =	strace $0x80000046;
	[dreg:$0x1] =	wrdreg $0xFFFFFFFF  }
0xa7: {  	s28 =	simm.s32 $_size_execute0_lowered;
	s2 =	sadd.s32 s2, s4;
	[dreg:$0x0] =	wrdreg $0x0  }
0xa8: {  	s4 =	sshll.u32 s28, $0x1;
	[dreg:$0x2] =	wrdreg s2  }
0xa9: {  	[dreg:$0x3] =	wrdreg s4  }
0xaa: {  	[dreg:$0x4] =	wrdreg $0xC0  }
0xab: {  	_ =	task [dreg:s6], $0x5FFFF  }
0xac: {  	[dreg:$0x1] =	wrdreg $0xFFFFFFFF  }
0xad: {  	[dreg:$0x0] =	wrdreg $0x60  }
0xae: {  	[dreg:$0x2] =	wrdreg s24  }
0xaf: {  	[dreg:$0x3] =	wrdreg $0x2B000  }
0xb0: {  	[dreg:$0x4] =	wrdreg $0x9  }
0xb1: {  	_ =	task.clear_ibuf [dreg:s6], $0x5FFFF;
	_ =	strace $0x90000046  }
0xb2: {  	s29 =	simm.s32 $0x9;
	_ =	strace $0x80000048  }
0xb3: {  	_ =	swait.ge [sflag:s29], $0x1  }
0xb4: {  	[sflag:s29] =	ssyncadd.s32 $0xFFFFFFFF  }
0xb5: {  	_ =	strace $0x90000048  }
0xb6: {  	_ =	sfence  }
0xb7: {  	s30 =	sld [smem:$0x0];
	_ =	sdelay $0x2  }
0xb8: {  	s31 =	sshll.u32 s1, $0xD;
	s1 =	sshrl.u32 s1, $0x2  }
0xb9: {  	s3 =	sand.u32 $0x4000, s31;
	s1 =	sadd.s32 s1, s30  }
0xba: {  	s0 =	sor.u32 s3, s0;
	s1 =	sshll.u32 s1, $0x11  }
0xbb: {  	s0 =	sor.u32 s1, s0  }
0xbc: {  	s0 =	sadd.s32 $0x8F2B, s0  }
0xbd: {  	[sflag:s0] =	ssyncadd.remote.s32 $0x1  }
0xbe: {  	_ =	sfence.sel $0xFFFF  }
0xbf: {  	[dreg:$0x0] =	wrdreg $0xFFFFFFFF;
	(pc) =	sbr.abs _section_cstart, $3  }
0xc0: {  	[dreg:$0x1] =	wrdreg $0xFFFFFFFF  }
0xc1: {  	_ =	task.clear_ibuf [dreg:s6], $0x2FFFF;
	_ =	strace $0x9FFFFFFF  }
0xc2: {  	(tm) =	ssettm $0x7FFFFFFF  }
0xc3: {  	_ =	shalt  }
tec
execute0_lowered:
.L_overlay_start_1:
0x0: {  	(tag) =	ssettag $0x1  }
0x1: {  	s1 =	srdreg.scid;
	s5 =	rddreg [dreg:$0x0]  }
0x2: {  	s0 =	stileid.u32;
	s2 =	rddreg [dreg:$0x1];
	s3 =	simm.s32 $0x0  }
0x3: {  	s10 =	simm.s32 $0x7D;
	s11 =	simm.s32 $0x2800;
	s12 =	simm.s32 $0x80  }
0x4: {  	s13 =	simm.s32 $0x100;
	s14 =	simm.s32 $0x180;
	s15 =	simm.s32 $0x1  }
0x5: {  	s16 =	simm.s32 $0x2;
	s17 =	simm.s32 $0x3;
	s18 =	simm.s32 $0x4  }
0x6: {  	s21 =	simm.s32 $0x0;
	s4 =	sand.u32 $0x1, s1;
	s1 =	rddreg [dreg:$0x2]  }
0x7: {  	s6 =	smul.u32 $0x280, s0;
	s8 =	sshll.u32 s0, $0x1;
	[smem:$0x7FF] =	sst s3  }
0x8: {  	s19 =	sshll.u32 s0, $0x6;
	s7 =	smul.u32 $0x2800, s4;
	s8 =	sor.u32 s4, s8  }
0x9: {  	_ =	strace $0x80000047;
	s4 =	ssub.s32 $0x2, s4;
	s8 =	smul.u32 $0x2800, s8  }
0xa: {  	s19 =	sor.u32 $0x1C05, s19;
	s9 =	sshrl.u32 s4, $0x1;
	s7 =	sadd.s32 s6, s7  }
0xb: {  	s9 =	ssub.s32 s4, s9;
	s7 =	sshrl.u32 s7, $0x3;
	s8 =	sshrl.u32 s8, $0x3  }
0xc: {  	s4 =	sadd.s32 s6, s2;
	s7 =	sadd.s32 s7, s5;
	s5 =	sadd.s32 s5, s8  }
0xd: {  	s20 =	sshrl.u32 s4, $0x3;
	s8 =	simm.s32 $0x2880;
	s5 =	sadd.s32 $0xD800, s5  }
0xe: {  	v0 =	vimm.f32 $0.0e+00;
	v1 =	vimm.f32 $1.000000000e+00;
	s6 =	sadd.s32 $0x17800, s7;
	s7 =	smax.u32 s9, $0x1;
	s9 =	simm.s32 $0x5  }
.LBB2_1:
0xf: {  	[tilespmem:$0x2880] =	vst v0  }
0x10: {  	[tilespmem:$0x2890] =	vst v0  }
0x11: {  	[tilespmem:$0x28A0] =	vst v0  }
0x12: {  	[tilespmem:$0x28B0] =	vst v0  }
0x13: {  	[tilespmem:$0x28C0] =	vst v0  }
0x14: {  	[tilespmem:$0x28D0] =	vst v0  }
0x15: {  	[tilespmem:$0x28E0] =	vst v0  }
0x16: {  	[tilespmem:$0x28F0] =	vst v0  }
0x17: {  	[tilespmem:$0x2900] =	vst v0  }
0x18: {  	[tilespmem:$0x2910] =	vst v0  }
0x19: {  	[tilespmem:$0x2920] =	vst v0  }
0x1a: {  	[tilespmem:$0x2930] =	vst v0  }
0x1b: {  	[tilespmem:$0x2940] =	vst v0  }
0x1c: {  	[tilespmem:$0x2950] =	vst v0  }
0x1d: {  	[tilespmem:$0x2960] =	vst v0  }
0x1e: {  	[tilespmem:$0x2970] =	vst v0  }
0x1f: {  	[tilespmem:$0x2980] =	vst v0  }
0x20: {  	[tilespmem:$0x2990] =	vst v0  }
0x21: {  	[tilespmem:$0x29A0] =	vst v0  }
0x22: {  	[tilespmem:$0x29B0] =	vst v0  }
0x23: {  	[tilespmem:$0x29C0] =	vst v0  }
0x24: {  	[tilespmem:$0x29D0] =	vst v0  }
0x25: {  	[tilespmem:$0x29E0] =	vst v0  }
0x26: {  	[tilespmem:$0x29F0] =	vst v0  }
0x27: {  	[tilespmem:$0x2A00] =	vst v0  }
0x28: {  	[tilespmem:$0x2A10] =	vst v0  }
0x29: {  	[tilespmem:$0x2A20] =	vst v0  }
0x2a: {  	[tilespmem:$0x2A30] =	vst v0  }
0x2b: {  	[tilespmem:$0x2A40] =	vst v0  }
0x2c: {  	[tilespmem:$0x2A50] =	vst v0  }
0x2d: {  	[tilespmem:$0x2A60] =	vst v0  }
0x2e: {  	[tilespmem:$0x2A70] =	vst v0  }
0x2f: {  	[tilespmem:$0x2A80] =	vst v0  }
0x30: {  	[tilespmem:$0x2A90] =	vst v0  }
0x31: {  	[tilespmem:$0x2AA0] =	vst v0  }
0x32: {  	[tilespmem:$0x2AB0] =	vst v0  }
0x33: {  	[tilespmem:$0x2AC0] =	vst v0  }
0x34: {  	[tilespmem:$0x2AD0] =	vst v0  }
0x35: {  	[tilespmem:$0x2AE0] =	vst v0  }
0x36: {  	[tilespmem:$0x2AF0] =	vst v0  }
0x37: {  	[tilespmem:$0x2800] =	vst v1  }
0x38: {  	[tilespmem:$0x2810] =	vst v1  }
0x39: {  	[tilespmem:$0x2820] =	vst v1  }
0x3a: {  	[tilespmem:$0x2830] =	vst v1  }
0x3b: {  	[tilespmem:$0x2840] =	vst v1  }
0x3c: {  	[tilespmem:$0x2850] =	vst v1  }
0x3d: {  	[tilespmem:$0x2860] =	vst v1  }
0x3e: {  	[tilespmem:$0x286D] =	vst v1  }
0x3f: {  	[spmem:s4] =	stream.linear.scatter [tilespmem:s8], [sflag:$0x5], $0x280, $0x38;
	[tilespmem:$0x2D80] =	vst v63  }
0x40: {  	_ =	swait.ge [sflag:s9], $0x280  }
0x41: {  	[sflag:s9] =	ssyncset.done $0x0  }
0x42: {  	[sflag:s9] =	ssyncadd.s32 $0xFFFFFD80  }
0x43: {  	[tilespmem:s3], [sflag:$0x5] =	stream.linear.gather [hbm4b:s5+s3], $0x2800, $0x38;
	[tilespmem:$0x2D80] =	vst v63  }
0x44: {  	_ =	swait.ge [sflag:s9], $0x2800  }
0x45: {  	[sflag:s9] =	ssyncset.done $0x0  }
0x46: {  	[sflag:s9] =	ssyncadd.s32 $0xFFFFD800  }
0x47: {  	[bflag:$0x0] =	sbarrier.arrive $0xFFFF  }
0x48: {  	[spmem:s2] =	stream.indirect.scatter.add.f32 [tilespmem:s11], [sflag:$0x1], $0x1, s3, s10, $0xb8;
	[tilespmem:$0x2D80] =	vst v63  }
0x49: {  	_ = 	snop  }
0x4a: {  	[spmem:s2] =	stream.indirect.scatter.add.f32 [tilespmem:s11], [sflag:$0x2], $0x1, s12, s10, $0xb8;
	[tilespmem:$0x2D80] =	vst v63  }
0x4b: {  	_ = 	snop  }
0x4c: {  	[spmem:s2] =	stream.indirect.scatter.add.f32 [tilespmem:s11], [sflag:$0x3], $0x1, s13, s10, $0xb8;
	[tilespmem:$0x2D80] =	vst v63  }
0x4d: {  	_ = 	snop  }
0x4e: {  	[spmem:s2] =	stream.indirect.scatter.add.f32 [tilespmem:s11], [sflag:$0x4], $0x1, s14, s10, $0xb8;
	[tilespmem:$0x2D80] =	vst v63  }
0x4f: {  	_ =	swait.ge [sflag:s15], $0x7D  }
0x50: {  	[sflag:s15] =	ssyncset.done $0x0  }
0x51: {  	s22 =	simm.s32 $0x200;
	[sflag:s15] =	ssyncadd.s32 $0xFFFFFF83  }
0x52: {  	[spmem:s2] =	stream.indirect.scatter.add.f32 [tilespmem:s11], [sflag:$0x1], $0x1, s22, s10, $0xb8;
	[tilespmem:$0x2D80] =	vst v63  }
0x53: {  	_ =	swait.ge [sflag:s16], $0x7D  }
0x54: {  	[sflag:s16] =	ssyncset.done $0x0  }
0x55: {  	s30 =	simm.s32 $0x280;
	[sflag:s16] =	ssyncadd.s32 $0xFFFFFF83  }
0x56: {  	[spmem:s2] =	stream.indirect.scatter.add.f32 [tilespmem:s11], [sflag:$0x2], $0x1, s30, s10, $0xb8;
	[tilespmem:$0x2D80] =	vst v63  }
0x57: {  	_ =	swait.ge [sflag:s17], $0x7D  }
0x58: {  	[sflag:s17] =	ssyncset.done $0x0  }
0x59: {  	s31 =	simm.s32 $0x300;
	[sflag:s17] =	ssyncadd.s32 $0xFFFFFF83  }
0x5a: {  	[spmem:s2] =	stream.indirect.scatter.add.f32 [tilespmem:s11], [sflag:$0x3], $0x1, s31, s10, $0xb8;
	[tilespmem:$0x2D80] =	vst v63  }
0x5b: {  	_ =	swait.ge [sflag:s18], $0x7D  }
0x5c: {  	[sflag:s18] =	ssyncset.done $0x0  }
0x5d: {  	s23 =	simm.s32 $0x380;
	s22 =	simm.s32 $0xFFFF7000;
	[sflag:s18] =	ssyncadd.s32 $0xFFFFFF83  }
.LBB2_2:
0x5e: {  	[spmem:s2] =	stream.indirect.scatter.add.f32 [tilespmem:s11], [sflag:$0x4], $0x1, s23, s10, $0xb8;
	[tilespmem:$0x2D80] =	vst v63  }
0x5f: {  	s23 =	smov.u32 s22  }
0x60: {  	p0 =	sne.s32 s22, $0xFFFFF800;
	s22 =	sadd.s32 $0x800, s22;
	_ =	swait.ge [sflag:s15], $0x7D  }
0x61: {  	s23 =	sshra.s32 s23, $0x2;
	[sflag:s15] =	ssyncset.done $0x0  }
0x62: {  	s24 =	sadd.s32 $0x2800, s23;
	[sflag:s15] =	ssyncadd.s32 $0xFFFFFF83  }
0x63: {  	[spmem:s2] =	stream.indirect.scatter.add.f32 [tilespmem:s11], [sflag:$0x1], $0x1, s24, s10, $0xb8;
	[tilespmem:$0x2D80] =	vst v63  }
0x64: {  	_ =	swait.ge [sflag:s16], $0x7D  }
0x65: {  	[sflag:s16] =	ssyncset.done $0x0  }
0x66: {  	s24 =	sadd.s32 $0x2880, s23;
	[sflag:s16] =	ssyncadd.s32 $0xFFFFFF83  }
0x67: {  	[spmem:s2] =	stream.indirect.scatter.add.f32 [tilespmem:s11], [sflag:$0x2], $0x1, s24, s10, $0xb8;
	[tilespmem:$0x2D80] =	vst v63  }
0x68: {  	_ =	swait.ge [sflag:s17], $0x7D  }
0x69: {  	[sflag:s17] =	ssyncset.done $0x0  }
.Ltmp0:
0x6a: {  	s24 =	sadd.s32 $0x2900, s23;
	[sflag:s17] =	ssyncadd.s32 $0xFFFFFF83;
	(pc) =	sbr.rel @p0 .LBB2_2-.Ltmp0, $4  }
0x6b: {  	[spmem:s2] =	stream.indirect.scatter.add.f32 [tilespmem:s11], [sflag:$0x3], $0x1, s24, s10, $0xb8;
	[tilespmem:$0x2D80] =	vst v63  }
0x6c: {  	_ =	swait.ge [sflag:s18], $0x7D  }
0x6d: {  	[sflag:s18] =	ssyncset.done $0x0  }
0x6e: {  	s23 =	sadd.s32 $0x2980, s23;
	[sflag:s18] =	ssyncadd.s32 $0xFFFFFF83  }
0x6f: {  	[spmem:s2] =	stream.indirect.scatter.add.f32 [tilespmem:s11], [sflag:$0x4], $0x1, s23, s10, $0xb8;
	[tilespmem:$0x2D80] =	vst v63  }
0x70: {  	_ =	swait.ge [sflag:s15], $0x7D  }
0x71: {  	[sflag:s15] =	ssyncset.done $0x0  }
0x72: {  	[sflag:s15] =	ssyncadd.s32 $0xFFFFFF83  }
0x73: {  	_ =	swait.ge [sflag:s16], $0x7D  }
0x74: {  	[sflag:s16] =	ssyncset.done $0x0  }
0x75: {  	[sflag:s16] =	ssyncadd.s32 $0xFFFFFF83  }
0x76: {  	_ =	swait.ge [sflag:s17], $0x7D  }
0x77: {  	[sflag:s17] =	ssyncset.done $0x0  }
0x78: {  	[sflag:s17] =	ssyncadd.s32 $0xFFFFFF83  }
0x79: {  	_ =	swait.ge [sflag:s18], $0x7D  }
0x7a: {  	s21 =	sadd.s32 $0x1, s21;
	[sflag:s18] =	ssyncset.done $0x0  }
0x7b: {  	p0 =	sne.s32 s21, s7;
	[sflag:s18] =	ssyncadd.s32 $0xFFFFFF83  }
.Ltmp1:
0x7c: {  	[bflag:$0x0] =	sbarrier.arrive $0xFFFF;
	(pc) =	sbr.rel @p0 .LBB2_1-.Ltmp1, $4  }
0x7d: {  	[hbm:s6], [sflag:s19] =	dma.local [spmem:s20], $0x50  }
0x7e: {  	_ =	swait.ge [sflag:s9], $0x50  }
0x7f: {  	[sflag:s9] =	ssyncset.done $0x0  }
0x80: {  	[sflag:s9] =	ssyncadd.s32 $0xFFFFFFB0  }
0x81: {  	_ =	sfence.sel $0x180000  }
0x82: {  	[bflag:$0x0] =	sbarrier.arrive $0xFFFF  }
0x83: {  	p0 =	sne.s32 s0, $0x0;
	_ =	strace $0x90000047  }
0x84: {  	s0 =	sadd.s32 @!p0 $0x100000, s1;
	[bflag:$0x2] =	sbarrier.arrive $0xFFFF  }
0x85: {  	[sflag:s0] =	ssyncadd.tile.s32 @!p0 $0x1;
	_ =	shalt  }
.Lfunc_end2:
_tile_overlayer_lowered:
.L_overlay_start_2:
0x86: {  	(tag) =	ssettag $0x2  }
0x87: {  	s0 =	rddreg [dreg:$0x0];
	s2 =	stileid.u32  }
0x88: {  	s1 =	rddreg [dreg:$0x1];
	p0 =	sne.s32 s2, $0x0  }
0x89: {  	s3 =	rddreg [dreg:$0x2];
	[bflag:$0x3] =	sbarrier.arrive $0xFFFF;
	s2 =	simm.s32 @!p0 $0x1C05  }
0x8a: {  	[timem:s3], [sflag:s2] =	dma.local @!p0 [hbm:s0], s1  }
0x8b: {  	s0 =	simm.s32 @!p0 $0x5  }
0x8c: {  	_ =	swait.ge @!p0 [sflag:s0], s1  }
0x8d: {  	s1 =	ssub.s32 @!p0 $0x0, s1;
	[sflag:s0] =	ssyncset.done @!p0 $0x0  }
0x8e: {  	[sflag:s0] =	ssyncadd.s32 @!p0 s1  }
0x8f: {  	[bflag:$0x3] =	sbarrier.arrive $0xFFFF  }
0x90: {  	_ =	shalt  }

</sc_bundles>
